<compile_context>
chip_gen: v7x
topology: tpu7x:2x2x1
jax: 0.10.2.dev20260603
libtpu: 0.0.44.dev20260713+nightly
codegen_flags: <defaults>
</compile_context>

<pallas_src>
import functools

import jax
import jax.numpy as jnp
from jax import lax
from jax.experimental import pallas as pl
from jax.experimental.pallas import tpu as pltpu
from jax.experimental.pallas import tpu_sc as plsc

LANES = 16
TILES = 16
K = 128


def _deg_kernel_body(NP, RPT, CH, D, src_hbm, out_hbm, deg_sh, idx_v, ones_v):
    c = lax.axis_index("c")
    s = lax.axis_index("s")

    def fill(val):
        def body(i, carry):
            for j in range(D // LANES):
                ones_v[i, pl.ds(j * LANES, LANES)] = jnp.full(
                    (LANES,), val, jnp.float32)
            return carry
        lax.fori_loop(0, K, body, 0)

    fill(0.0)
    for b in range(RPT // K):
        pltpu.sync_copy(ones_v, deg_sh.at[pl.ds(s * RPT + b * K, K)])
    fill(1.0)
    plsc.subcore_barrier()

    pltpu.sync_copy(src_hbm.at[c, s], idx_v)

    def chunk(ch, carry):
        pltpu.sync_copy(ones_v, deg_sh.at[idx_v.at[ch]], add=True)
        return carry

    lax.fori_loop(0, CH, chunk, 0)
    plsc.subcore_barrier()
    pltpu.sync_copy(deg_sh.at[pl.ds(s * RPT, RPT)],
                    out_hbm.at[c, pl.ds(s * RPT, RPT)])


def _agg_kernel_body(NP, RPT, CH, KC, D,
                     idx_hbm, xs_hbm, rel_hbm, out_hbm,
                     agg_sh, idx_v, didx_v, xs_v, rel_v,
                     semx0, semx1, semr0, semr1, sems0, sems1):
    c = lax.axis_index("c")
    s = lax.axis_index("s")
    semx = (semx0, semx1)
    semr = (semr0, semr1)
    sems = (sems0, sems1)

    def zero_row(i, carry):
        for j in range(D // LANES):
            xs_v[0, i, pl.ds(j * LANES, LANES)] = jnp.zeros(
                (LANES,), jnp.float32)
        return carry

    lax.fori_loop(0, KC, zero_row, 0)
    for b in range(RPT // KC):
        pltpu.sync_copy(xs_v.at[0], agg_sh.at[pl.ds(s * RPT + b * KC, KC)])
    plsc.subcore_barrier()

    def gx(b):
        return pltpu.async_copy(xs_hbm.at[idx_v.at[b, 0]], xs_v.at[b],
                                semx[b])

    def gr(b):
        return pltpu.async_copy(rel_hbm.at[idx_v.at[b, 1]], rel_v.at[b],
                                semr[b])

    def wait_g(b):
        pltpu.make_async_copy(xs_hbm.at[idx_v.at[b, 0]], xs_v.at[b],
                              semx[b]).wait()
        pltpu.make_async_copy(rel_hbm.at[idx_v.at[b, 1]], rel_v.at[b],
                              semr[b]).wait()

    for b in range(2):
        pltpu.sync_copy(idx_hbm.at[c, s, b], idx_v.at[b])
        gx(b)
        gr(b)

    def pipeline(i, carry):
        more = i < CH // 2 - 1
        for b in range(2):
            g = 2 * i + b
            wait_g(b)
            for sl_q in range(KC // LANES):
                sl = pl.ds(sl_q * LANES, LANES)
                didx_v[b, sl] = idx_v[b, 2, sl]

            def mul_row(r, inner):
                for jj in range(D // LANES):
                    sl2 = pl.ds(jj * LANES, LANES)
                    rel_v[b, r, sl2] = xs_v[b, r, sl2] * rel_v[b, r, sl2]
                return inner

            lax.fori_loop(0, KC, mul_row, 0)
            scat = pltpu.async_copy(rel_v.at[b], agg_sh.at[didx_v.at[b]],
                                    sems[b], add=True)

            @pl.when(more)
            def _pf_x():
                pltpu.sync_copy(idx_hbm.at[c, s, g + 2], idx_v.at[b])
                gx(b)

            scat.wait()

            @pl.when(more)
            def _pf_r():
                gr(b)

        return carry

    lax.fori_loop(0, CH // 2, pipeline, 0)
    plsc.subcore_barrier()
    pltpu.sync_copy(agg_sh.at[pl.ds(s * RPT, RPT)],
                    out_hbm.at[c, pl.ds(s * RPT, RPT)])


def _scale_body(deg_ref, x_ref, xs_ref, dinv_ref):
    d = deg_ref[0]
    dinv = jnp.where(d > 0.5, lax.rsqrt(d), 0.0)
    dinvb = jnp.broadcast_to(dinv[:, :, None], x_ref.shape)
    dinv_ref[0] = dinvb
    xs_ref[0] = x_ref[...] * dinvb


def _final_body(N, agg_ref, dinv_ref, x_ref, rel_ref, w_in_ref, w_out_ref,
                w_loop_ref, w_rel_ref, loop_rel_ref, bias_ref, gamma_ref,
                beta_ref, out_ref, rel_out_ref):
    a_in = agg_ref[0, :N, :] * dinv_ref[0, :N, :]
    a_out = agg_ref[1, :N, :] * dinv_ref[1, :N, :]
    xl = x_ref[...] * loop_rel_ref[...]
    h = (jnp.dot(a_in, w_in_ref[...], preferred_element_type=jnp.float32)
         + jnp.dot(a_out, w_out_ref[...], preferred_element_type=jnp.float32)
         + jnp.dot(xl, w_loop_ref[...], preferred_element_type=jnp.float32))
    h = h * (1.0 / 3.0) + bias_ref[...]
    mu = jnp.mean(h, axis=0, keepdims=True)
    var = jnp.mean((h - mu) * (h - mu), axis=0, keepdims=True)
    out_ref[...] = (h - mu) * lax.rsqrt(var + 1e-5) * gamma_ref[...] + beta_ref[...]
    rel_out_ref[...] = jnp.dot(rel_ref[...], w_rel_ref[...],
                               preferred_element_type=jnp.float32)


def kernel(x, edge_index, edge_type, rel_embed, w_loop, w_in, w_out, w_rel,
           loop_rel, bias, gamma, beta):
    N, D = x.shape
    ne = edge_index.shape[1] // 2
    NR = rel_embed.shape[0]

    NP = ((N + TILES * K - 1) // (TILES * K)) * (TILES * K)
    RPT = NP // TILES
    CH = (ne + TILES * K - 1) // (TILES * K)
    EP = CH * K * TILES
    KC = 80
    CHC = 2 * ((ne + 2 * TILES * KC - 1) // (2 * TILES * KC))
    EPC = CHC * KC * TILES

    mesh = plsc.VectorSubcoreMesh(core_axis_name="c", subcore_axis_name="s",
                                  num_cores=2, num_subcores=TILES)

    src = edge_index[0]
    dst = edge_index[1]

    def pad_to(a, val, ep, ch, k):
        return jnp.concatenate(
            [a, jnp.full((ep - ne,), val, jnp.int32)]).reshape(TILES, ch, k)

    SRC = jnp.stack([pad_to(src[:ne], N, EP, CH, K),
                     pad_to(src[ne:], N, EP, CH, K)])
    SRCc = jnp.stack([pad_to(src[:ne], N, EPC, CHC, KC),
                      pad_to(src[ne:], N, EPC, CHC, KC)])
    DSTc = jnp.stack([pad_to(dst[:ne], N, EPC, CHC, KC),
                      pad_to(dst[ne:], N, EPC, CHC, KC)])
    ETYc = jnp.stack([pad_to(edge_type[:ne], 0, EPC, CHC, KC),
                      pad_to(edge_type[ne:], 0, EPC, CHC, KC)])
    SRCo = SRCc + (jnp.arange(2, dtype=jnp.int32) * NP)[:, None, None, None]
    IDX = jnp.stack([SRCo, ETYc, DSTc], axis=3)

    deg_call = functools.partial(
        pl.kernel,
        out_type=jax.ShapeDtypeStruct((2, NP, D), jnp.float32),
        mesh=mesh,
        scratch_types=[
            pltpu.VMEM_SHARED((NP, D), jnp.float32),
            pltpu.VMEM((CH, K), jnp.int32),
            pltpu.VMEM((K, D), jnp.float32),
        ],
    )(functools.partial(_deg_kernel_body, NP, RPT, CH, D))
    deg_full = deg_call(SRC)
    deg = deg_full[:, :, 0].reshape(2, NP // K, K)

    G = NP // K
    x_pad = jnp.pad(x, ((0, NP - N), (0, 0))).reshape(G, K, D)
    xs4, dinv4 = pl.pallas_call(
        _scale_body,
        grid=(2,),
        in_specs=[
            pl.BlockSpec((1, G, K), lambda d: (d, 0, 0)),
            pl.BlockSpec((G, K, D), lambda d: (0, 0, 0)),
        ],
        out_specs=[
            pl.BlockSpec((1, G, K, D), lambda d: (d, 0, 0, 0)),
            pl.BlockSpec((1, G, K, D), lambda d: (d, 0, 0, 0)),
        ],
        out_shape=[
            jax.ShapeDtypeStruct((2, G, K, D), jnp.float32),
            jax.ShapeDtypeStruct((2, G, K, D), jnp.float32),
        ],
    )(deg, x_pad)
    xs_flat = xs4.reshape(2 * NP, D)
    dinv_full = dinv4.reshape(2, NP, D)

    agg_call = functools.partial(
        pl.kernel,
        out_type=jax.ShapeDtypeStruct((2, NP, D), jnp.float32),
        mesh=mesh,
        scratch_types=[
            pltpu.VMEM_SHARED((NP, D), jnp.float32),
            pltpu.VMEM((2, 3, KC), jnp.int32),
            pltpu.VMEM((2, KC), jnp.int32),
            pltpu.VMEM((2, KC, D), jnp.float32),
            pltpu.VMEM((2, KC, D), jnp.float32),
            pltpu.SemaphoreType.DMA,
            pltpu.SemaphoreType.DMA,
            pltpu.SemaphoreType.DMA,
            pltpu.SemaphoreType.DMA,
            pltpu.SemaphoreType.DMA,
            pltpu.SemaphoreType.DMA,
        ],
    )(functools.partial(_agg_kernel_body, NP, RPT, CHC, KC, D))
    agg = agg_call(IDX, xs_flat, rel_embed)

    out, rel_out = pl.pallas_call(
        functools.partial(_final_body, N),
        out_shape=[
            jax.ShapeDtypeStruct((N, D), jnp.float32),
            jax.ShapeDtypeStruct((NR, D), jnp.float32),
        ],
    )(agg, dinv_full, x, rel_embed, w_in, w_out, w_loop, w_rel,
      loop_rel.reshape(1, D), bias.reshape(1, D), gamma.reshape(1, D),
      beta.reshape(1, D))
    return out, rel_out

# --- scband reference (transcript-rebuilt; emitter-appended) ---
"""Pipeline reference for scband-comp-gcn-56298431316644 (READ-ONLY COPY).

The authoritative reference and input builder live on the scoring server;
editing this copy changes nothing except your own understanding.
"""

import jax, jax.numpy as jnp
import numpy as np

N = 10000
E = 320000
D = 128
R = 200


def setup_inputs(seed: int = 0) -> dict:
    key = jax.random.key(seed)
    ks = jax.random.split(key, 12)
    x = jax.random.normal(ks[0], (N, D), dtype=jnp.float32)
    edge_index = jax.random.randint(ks[1], (2, E), 0, N, dtype=jnp.int32)
    edge_type = jax.random.randint(ks[2], (E,), 0, 2 * R, dtype=jnp.int32)
    rel_embed = jax.random.normal(ks[3], (2 * R, D), dtype=jnp.float32)
    s = 1.0 / np.sqrt(D)
    w_loop = jax.random.normal(ks[4], (D, D), dtype=jnp.float32) * s
    w_in = jax.random.normal(ks[5], (D, D), dtype=jnp.float32) * s
    w_out = jax.random.normal(ks[6], (D, D), dtype=jnp.float32) * s
    w_rel = jax.random.normal(ks[7], (D, D), dtype=jnp.float32) * s
    loop_rel = jax.random.normal(ks[8], (1, D), dtype=jnp.float32) * s
    bias = jnp.zeros((D,), dtype=jnp.float32)
    gamma = jnp.ones((D,), dtype=jnp.float32)
    beta = jnp.zeros((D,), dtype=jnp.float32)
    return {"x": x, "edge_index": edge_index, "edge_type": edge_type,
            "rel_embed": rel_embed, "w_loop": w_loop, "w_in": w_in,
            "w_out": w_out, "w_rel": w_rel, "loop_rel": loop_rel,
            "bias": bias, "gamma": gamma, "beta": beta}


def reference(x, edge_index, edge_type, rel_embed, w_loop, w_in, w_out,
              w_rel, loop_rel, bias, gamma, beta):
    num_ent = x.shape[0]
    rel_all = jnp.concatenate([rel_embed, loop_rel], axis=0)  # [2R+1, D]
    ne = edge_index.shape[1] // 2
    in_idx, out_idx = edge_index[:, :ne], edge_index[:, ne:]
    in_t, out_t = edge_type[:ne], edge_type[ne:]

    def compute_norm(idx):
        row, col = idx[0], idx[1]
        ew = jnp.ones(row.shape[0], dtype=jnp.float32)
        deg = jax.ops.segment_sum(ew, row, num_segments=num_ent)
        deg_inv = deg ** (-0.5)
        deg_inv = jnp.where(jnp.isinf(deg_inv), 0.0, deg_inv)
        return deg_inv[row] * ew * deg_inv[col]

    def propagate(idx, etype, norm, W):
        src, dst = idx[0], idx[1]
        x_j = jnp.take(x, src, axis=0)  # gather source node features
        r = jnp.take(rel_all, etype, axis=0)  # gather relation embeddings
        xj_rel = x_j * r  # opn == 'mult'
        m = xj_rel @ W
        if norm is not None:
            m = m * norm[:, None]
        return jax.ops.segment_sum(m, dst, num_segments=num_ent)  # scatter-add

    in_res = propagate(in_idx, in_t, compute_norm(in_idx), w_in)
    out_res = propagate(out_idx, out_t, compute_norm(out_idx), w_out)
    # self-loop: loop_type selects rel_all[-1] == loop_rel for every node
    loop_res = (x * loop_rel) @ w_loop

    out = in_res * (1.0 / 3.0) + out_res * (1.0 / 3.0) + loop_res * (1.0 / 3.0)
    out = out + bias
    # BatchNorm1d (training-mode batch statistics)
    mu = jnp.mean(out, axis=0)
    var = jnp.var(out, axis=0)
    out = (out - mu) / jnp.sqrt(var + 1e-5) * gamma + beta
    # act is identity
    rel_out = (rel_all @ w_rel)[:-1]
    return out, rel_out

if __name__ == "__main__":
    import jax
    _d = setup_inputs()
    print(jax.jit(kernel)(*tuple(_d.values())))

</pallas_src>

<mosaic_0001>
#map = affine_map<(d0, d1) -> (0, 0, 0, 0)>
#map1 = affine_map<(d0, d1) -> (0, 0, 0)>
module attributes {stable_mosaic.version = 14 : i64} {
  func.func @_deg_kernel_body(%arg0: i32, %arg1: i32, %arg2: memref<2x16x79x128xi32, #tpu.memory_space<hbm>>, %arg3: memref<2x10240x128xf32, #tpu.memory_space<hbm>>, %arg4: memref<10240x128xf32, #tpu.memory_space<vmem_shared>>, %arg5: memref<79x128xi32, #tpu.memory_space<vmem>>, %arg6: memref<128x128xf32, #tpu.memory_space<vmem>>) attributes {dimension_semantics = [#tpu.dimension_semantics<core_parallel>, #tpu.dimension_semantics<subcore_parallel>], iteration_bounds = array<i64: 2, 16>, scalar_prefetch = 0 : i64, scratch_operands = 3 : i64, tpu.core_type = #tpu.core_type<sc_vector_subcore>, window_params = [{transform_indices = #map}, {transform_indices = #map1}]} {
    %scan3A = arith.constant 0 : i32
    %scan3A_0 = arith.constant 0 : i32
    %scan3A_1 = arith.constant 128 : i32
    %scan3A_2 = arith.addi %scan3A_0, %scan3A_1 : i32
    %scan3A_3 = arith.constant 1 : i32
    scf.for %scan3A_40 = %scan3A_0 to %scan3A_2 step %scan3A_3  : i32 {
      %broadcast_in_dim3A = arith.constant 0.000000e+00 : f32
      %broadcast_in_dim3A_41 = vector.broadcast %broadcast_in_dim3A : f32 to vector<16xf32>
      %swap3A = arith.index_cast %scan3A_40 : i32 to index
      %swap3A_42 = arith.constant 0 : index
      %swap3A_43 = tpu.vector_load %arg6[%swap3A, %swap3A_42] {strides = array<i32>} : memref<128x128xf32, #tpu.memory_space<vmem>>, vector<1x16xf32>,
      %swap3A_44 = vector.shape_cast %swap3A_43 : vector<1x16xf32> to vector<16xf32>
      %swap3A_45 = vector.shape_cast %broadcast_in_dim3A_41 : vector<16xf32> to vector<1x16xf32>
      tpu.vector_store %arg6[%swap3A, %swap3A_42], %swap3A_45 {strides = array<i32>} : memref<128x128xf32, #tpu.memory_space<vmem>>, vector<1x16xf32>,
      %broadcast_in_dim3A_46 = arith.constant 0.000000e+00 : f32
      %broadcast_in_dim3A_47 = vector.broadcast %broadcast_in_dim3A_46 : f32 to vector<16xf32>
      %swap3A_48 = arith.index_cast %scan3A_40 : i32 to index
      %swap3A_49 = arith.constant 16 : index
      %swap3A_50 = tpu.vector_load %arg6[%swap3A_48, %swap3A_49] {strides = array<i32>} : memref<128x128xf32, #tpu.memory_space<vmem>>, vector<1x16xf32>,
      %swap3A_51 = vector.shape_cast %swap3A_50 : vector<1x16xf32> to vector<16xf32>
      %swap3A_52 = vector.shape_cast %broadcast_in_dim3A_47 : vector<16xf32> to vector<1x16xf32>
      tpu.vector_store %arg6[%swap3A_48, %swap3A_49], %swap3A_52 {strides = array<i32>} : memref<128x128xf32, #tpu.memory_space<vmem>>, vector<1x16xf32>,
      %broadcast_in_dim3A_53 = arith.constant 0.000000e+00 : f32
      %broadcast_in_dim3A_54 = vector.broadcast %broadcast_in_dim3A_53 : f32 to vector<16xf32>
      %swap3A_55 = arith.index_cast %scan3A_40 : i32 to index
      %swap3A_56 = arith.constant 32 : index
      %swap3A_57 = tpu.vector_load %arg6[%swap3A_55, %swap3A_56] {strides = array<i32>} : memref<128x128xf32, #tpu.memory_space<vmem>>, vector<1x16xf32>,
      %swap3A_58 = vector.shape_cast %swap3A_57 : vector<1x16xf32> to vector<16xf32>
      %swap3A_59 = vector.shape_cast %broadcast_in_dim3A_54 : vector<16xf32> to vector<1x16xf32>
      tpu.vector_store %arg6[%swap3A_55, %swap3A_56], %swap3A_59 {strides = array<i32>} : memref<128x128xf32, #tpu.memory_space<vmem>>, vector<1x16xf32>,
      %broadcast_in_dim3A_60 = arith.constant 0.000000e+00 : f32
      %broadcast_in_dim3A_61 = vector.broadcast %broadcast_in_dim3A_60 : f32 to vector<16xf32>
      %swap3A_62 = arith.index_cast %scan3A_40 : i32 to index
      %swap3A_63 = arith.constant 48 : index
      %swap3A_64 = tpu.vector_load %arg6[%swap3A_62, %swap3A_63] {strides = array<i32>} : memref<128x128xf32, #tpu.memory_space<vmem>>, vector<1x16xf32>,
      %swap3A_65 = vector.shape_cast %swap3A_64 : vector<1x16xf32> to vector<16xf32>
      %swap3A_66 = vector.shape_cast %broadcast_in_dim3A_61 : vector<16xf32> to vector<1x16xf32>
      tpu.vector_store %arg6[%swap3A_62, %swap3A_63], %swap3A_66 {strides = array<i32>} : memref<128x128xf32, #tpu.memory_space<vmem>>, vector<1x16xf32>,
      %broadcast_in_dim3A_67 = arith.constant 0.000000e+00 : f32
      %broadcast_in_dim3A_68 = vector.broadcast %broadcast_in_dim3A_67 : f32 to vector<16xf32>
      %swap3A_69 = arith.index_cast %scan3A_40 : i32 to index
      %swap3A_70 = arith.constant 64 : index
      %swap3A_71 = tpu.vector_load %arg6[%swap3A_69, %swap3A_70] {strides = array<i32>} : memref<128x128xf32, #tpu.memory_space<vmem>>, vector<1x16xf32>,
      %swap3A_72 = vector.shape_cast %swap3A_71 : vector<1x16xf32> to vector<16xf32>
      %swap3A_73 = vector.shape_cast %broadcast_in_dim3A_68 : vector<16xf32> to vector<1x16xf32>
      tpu.vector_store %arg6[%swap3A_69, %swap3A_70], %swap3A_73 {strides = array<i32>} : memref<128x128xf32, #tpu.memory_space<vmem>>, vector<1x16xf32>,
      %broadcast_in_dim3A_74 = arith.constant 0.000000e+00 : f32
      %broadcast_in_dim3A_75 = vector.broadcast %broadcast_in_dim3A_74 : f32 to vector<16xf32>
      %swap3A_76 = arith.index_cast %scan3A_40 : i32 to index
      %swap3A_77 = arith.constant 80 : index
      %swap3A_78 = tpu.vector_load %arg6[%swap3A_76, %swap3A_77] {strides = array<i32>} : memref<128x128xf32, #tpu.memory_space<vmem>>, vector<1x16xf32>,
      %swap3A_79 = vector.shape_cast %swap3A_78 : vector<1x16xf32> to vector<16xf32>
      %swap3A_80 = vector.shape_cast %broadcast_in_dim3A_75 : vector<16xf32> to vector<1x16xf32>
      tpu.vector_store %arg6[%swap3A_76, %swap3A_77], %swap3A_80 {strides = array<i32>} : memref<128x128xf32, #tpu.memory_space<vmem>>, vector<1x16xf32>,
      %broadcast_in_dim3A_81 = arith.constant 0.000000e+00 : f32
      %broadcast_in_dim3A_82 = vector.broadcast %broadcast_in_dim3A_81 : f32 to vector<16xf32>
      %swap3A_83 = arith.index_cast %scan3A_40 : i32 to index
      %swap3A_84 = arith.constant 96 : index
      %swap3A_85 = tpu.vector_load %arg6[%swap3A_83, %swap3A_84] {strides = array<i32>} : memref<128x128xf32, #tpu.memory_space<vmem>>, vector<1x16xf32>,
      %swap3A_86 = vector.shape_cast %swap3A_85 : vector<1x16xf32> to vector<16xf32>
      %swap3A_87 = vector.shape_cast %broadcast_in_dim3A_82 : vector<16xf32> to vector<1x16xf32>
      tpu.vector_store %arg6[%swap3A_83, %swap3A_84], %swap3A_87 {strides = array<i32>} : memref<128x128xf32, #tpu.memory_space<vmem>>, vector<1x16xf32>,
      %broadcast_in_dim3A_88 = arith.constant 0.000000e+00 : f32
      %broadcast_in_dim3A_89 = vector.broadcast %broadcast_in_dim3A_88 : f32 to vector<16xf32>
      %swap3A_90 = arith.index_cast %scan3A_40 : i32 to index
      %swap3A_91 = arith.constant 112 : index
      %swap3A_92 = tpu.vector_load %arg6[%swap3A_90, %swap3A_91] {strides = array<i32>} : memref<128x128xf32, #tpu.memory_space<vmem>>, vector<1x16xf32>,
      %swap3A_93 = vector.shape_cast %swap3A_92 : vector<1x16xf32> to vector<16xf32>
      %swap3A_94 = vector.shape_cast %broadcast_in_dim3A_89 : vector<16xf32> to vector<1x16xf32>
      tpu.vector_store %arg6[%swap3A_90, %swap3A_91], %swap3A_94 {strides = array<i32>} : memref<128x128xf32, #tpu.memory_space<vmem>>, vector<1x16xf32>,
    }
    %scan3A_4 = arith.constant 128 : i32
    %mul3A = arith.constant 640 : i32
    %mul3A_5 = arith.muli %arg1, %mul3A : i32
    %add3A = arith.constant 0 : i32
    %add3A_6 = arith.addi %mul3A_5, %add3A : i32
    "tpu.region"() ({
      %run_scoped3A = tpu.sem_alloc : memref<!tpu.dma_semaphore, #tpu.memory_space<semaphore_mem>>
      %dma_start3A = arith.constant 0 : i32
      %dma_start3A_40 = tpu.memref_slice %arg4[%add3A_6, %dma_start3A] : memref<10240x128xf32, #tpu.memory_space<vmem_shared>> -> memref<128x128xf32, #tpu.memory_space<vmem_shared>>
      %dma_start3A_41 = arith.constant 0 : i32
      %dma_start3A_42 = tpu.memref_slice %arg4[%add3A_6, %dma_start3A_41] : memref<10240x128xf32, #tpu.memory_space<vmem_shared>> -> memref<128x128xf32, #tpu.memory_space<vmem_shared>>
      tpu.enqueue_dma source(%arg6 : memref<128x128xf32, #tpu.memory_space<vmem>>) target(%dma_start3A_42 : memref<128x128xf32, #tpu.memory_space<vmem_shared>>) target_semaphore(%run_scoped3A : memref<!tpu.dma_semaphore, #tpu.memory_space<semaphore_mem>>)
      %dma_wait3A = arith.constant 0 : i32
      %dma_wait3A_43 = tpu.memref_slice %arg4[%add3A_6, %dma_wait3A] : memref<10240x128xf32, #tpu.memory_space<vmem_shared>> -> memref<128x128xf32, #tpu.memory_space<vmem_shared>>
      %dma_wait3A_44 = arith.constant 0 : i32
      %dma_wait3A_45 = tpu.memref_slice %arg4[%add3A_6, %dma_wait3A_44] : memref<10240x128xf32, #tpu.memory_space<vmem_shared>> -> memref<128x128xf32, #tpu.memory_space<vmem_shared>>
      tpu.wait_dma2 semaphore(%run_scoped3A : memref<!tpu.dma_semaphore, #tpu.memory_space<semaphore_mem>>) src(%arg6 : memref<128x128xf32, #tpu.memory_space<vmem>>) dst(%dma_wait3A_45 : memref<128x128xf32, #tpu.memory_space<vmem_shared>>)
      tpu.yield
    }) : () -> ()
    %mul3A_7 = arith.constant 640 : i32
    %mul3A_8 = arith.muli %arg1, %mul3A_7 : i32
    %add3A_9 = arith.constant 128 : i32
    %add3A_10 = arith.addi %mul3A_8, %add3A_9 : i32
    "tpu.region"() ({
      %run_scoped3A = tpu.sem_alloc : memref<!tpu.dma_semaphore, #tpu.memory_space<semaphore_mem>>
      %dma_start3A = arith.constant 0 : i32
      %dma_start3A_40 = tpu.memref_slice %arg4[%add3A_10, %dma_start3A] : memref<10240x128xf32, #tpu.memory_space<vmem_shared>> -> memref<128x128xf32, #tpu.memory_space<vmem_shared>>
      %dma_start3A_41 = arith.constant 0 : i32
      %dma_start3A_42 = tpu.memref_slice %arg4[%add3A_10, %dma_start3A_41] : memref<10240x128xf32, #tpu.memory_space<vmem_shared>> -> memref<128x128xf32, #tpu.memory_space<vmem_shared>>
      tpu.enqueue_dma source(%arg6 : memref<128x128xf32, #tpu.memory_space<vmem>>) target(%dma_start3A_42 : memref<128x128xf32, #tpu.memory_space<vmem_shared>>) target_semaphore(%run_scoped3A : memref<!tpu.dma_semaphore, #tpu.memory_space<semaphore_mem>>)
      %dma_wait3A = arith.constant 0 : i32
      %dma_wait3A_43 = tpu.memref_slice %arg4[%add3A_10, %dma_wait3A] : memref<10240x128xf32, #tpu.memory_space<vmem_shared>> -> memref<128x128xf32, #tpu.memory_space<vmem_shared>>
      %dma_wait3A_44 = arith.constant 0 : i32
      %dma_wait3A_45 = tpu.memref_slice %arg4[%add3A_10, %dma_wait3A_44] : memref<10240x128xf32, #tpu.memory_space<vmem_shared>> -> memref<128x128xf32, #tpu.memory_space<vmem_shared>>
      tpu.wait_dma2 semaphore(%run_scoped3A : memref<!tpu.dma_semaphore, #tpu.memory_space<semaphore_mem>>) src(%arg6 : memref<128x128xf32, #tpu.memory_space<vmem>>) dst(%dma_wait3A_45 : memref<128x128xf32, #tpu.memory_space<vmem_shared>>)
      tpu.yield
    }) : () -> ()
    %mul3A_11 = arith.constant 640 : i32
    %mul3A_12 = arith.muli %arg1, %mul3A_11 : i32
    %add3A_13 = arith.constant 256 : i32
    %add3A_14 = arith.addi %mul3A_12, %add3A_13 : i32
    "tpu.region"() ({
      %run_scoped3A = tpu.sem_alloc : memref<!tpu.dma_semaphore, #tpu.memory_space<semaphore_mem>>
      %dma_start3A = arith.constant 0 : i32
      %dma_start3A_40 = tpu.memref_slice %arg4[%add3A_14, %dma_start3A] : memref<10240x128xf32, #tpu.memory_space<vmem_shared>> -> memref<128x128xf32, #tpu.memory_space<vmem_shared>>
      %dma_start3A_41 = arith.constant 0 : i32
      %dma_start3A_42 = tpu.memref_slice %arg4[%add3A_14, %dma_start3A_41] : memref<10240x128xf32, #tpu.memory_space<vmem_shared>> -> memref<128x128xf32, #tpu.memory_space<vmem_shared>>
      tpu.enqueue_dma source(%arg6 : memref<128x128xf32, #tpu.memory_space<vmem>>) target(%dma_start3A_42 : memref<128x128xf32, #tpu.memory_space<vmem_shared>>) target_semaphore(%run_scoped3A : memref<!tpu.dma_semaphore, #tpu.memory_space<semaphore_mem>>)
      %dma_wait3A = arith.constant 0 : i32
      %dma_wait3A_43 = tpu.memref_slice %arg4[%add3A_14, %dma_wait3A] : memref<10240x128xf32, #tpu.memory_space<vmem_shared>> -> memref<128x128xf32, #tpu.memory_space<vmem_shared>>
      %dma_wait3A_44 = arith.constant 0 : i32
      %dma_wait3A_45 = tpu.memref_slice %arg4[%add3A_14, %dma_wait3A_44] : memref<10240x128xf32, #tpu.memory_space<vmem_shared>> -> memref<128x128xf32, #tpu.memory_space<vmem_shared>>
      tpu.wait_dma2 semaphore(%run_scoped3A : memref<!tpu.dma_semaphore, #tpu.memory_space<semaphore_mem>>) src(%arg6 : memref<128x128xf32, #tpu.memory_space<vmem>>) dst(%dma_wait3A_45 : memref<128x128xf32, #tpu.memory_space<vmem_shared>>)
      tpu.yield
    }) : () -> ()
    %mul3A_15 = arith.constant 640 : i32
    %mul3A_16 = arith.muli %arg1, %mul3A_15 : i32
    %add3A_17 = arith.constant 384 : i32
    %add3A_18 = arith.addi %mul3A_16, %add3A_17 : i32
    "tpu.region"() ({
      %run_scoped3A = tpu.sem_alloc : memref<!tpu.dma_semaphore, #tpu.memory_space<semaphore_mem>>
      %dma_start3A = arith.constant 0 : i32
      %dma_start3A_40 = tpu.memref_slice %arg4[%add3A_18, %dma_start3A] : memref<10240x128xf32, #tpu.memory_space<vmem_shared>> -> memref<128x128xf32, #tpu.memory_space<vmem_shared>>
      %dma_start3A_41 = arith.constant 0 : i32
      %dma_start3A_42 = tpu.memref_slice %arg4[%add3A_18, %dma_start3A_41] : memref<10240x128xf32, #tpu.memory_space<vmem_shared>> -> memref<128x128xf32, #tpu.memory_space<vmem_shared>>
      tpu.enqueue_dma source(%arg6 : memref<128x128xf32, #tpu.memory_space<vmem>>) target(%dma_start3A_42 : memref<128x128xf32, #tpu.memory_space<vmem_shared>>) target_semaphore(%run_scoped3A : memref<!tpu.dma_semaphore, #tpu.memory_space<semaphore_mem>>)
      %dma_wait3A = arith.constant 0 : i32
      %dma_wait3A_43 = tpu.memref_slice %arg4[%add3A_18, %dma_wait3A] : memref<10240x128xf32, #tpu.memory_space<vmem_shared>> -> memref<128x128xf32, #tpu.memory_space<vmem_shared>>
      %dma_wait3A_44 = arith.constant 0 : i32
      %dma_wait3A_45 = tpu.memref_slice %arg4[%add3A_18, %dma_wait3A_44] : memref<10240x128xf32, #tpu.memory_space<vmem_shared>> -> memref<128x128xf32, #tpu.memory_space<vmem_shared>>
      tpu.wait_dma2 semaphore(%run_scoped3A : memref<!tpu.dma_semaphore, #tpu.memory_space<semaphore_mem>>) src(%arg6 : memref<128x128xf32, #tpu.memory_space<vmem>>) dst(%dma_wait3A_45 : memref<128x128xf32, #tpu.memory_space<vmem_shared>>)
      tpu.yield
    }) : () -> ()
    %mul3A_19 = arith.constant 640 : i32
    %mul3A_20 = arith.muli %arg1, %mul3A_19 : i32
    %add3A_21 = arith.constant 512 : i32
    %add3A_22 = arith.addi %mul3A_20, %add3A_21 : i32
    "tpu.region"() ({
      %run_scoped3A = tpu.sem_alloc : memref<!tpu.dma_semaphore, #tpu.memory_space<semaphore_mem>>
      %dma_start3A = arith.constant 0 : i32
      %dma_start3A_40 = tpu.memref_slice %arg4[%add3A_22, %dma_start3A] : memref<10240x128xf32, #tpu.memory_space<vmem_shared>> -> memref<128x128xf32, #tpu.memory_space<vmem_shared>>
      %dma_start3A_41 = arith.constant 0 : i32
      %dma_start3A_42 = tpu.memref_slice %arg4[%add3A_22, %dma_start3A_41] : memref<10240x128xf32, #tpu.memory_space<vmem_shared>> -> memref<128x128xf32, #tpu.memory_space<vmem_shared>>
      tpu.enqueue_dma source(%arg6 : memref<128x128xf32, #tpu.memory_space<vmem>>) target(%dma_start3A_42 : memref<128x128xf32, #tpu.memory_space<vmem_shared>>) target_semaphore(%run_scoped3A : memref<!tpu.dma_semaphore, #tpu.memory_space<semaphore_mem>>)
      %dma_wait3A = arith.constant 0 : i32
      %dma_wait3A_43 = tpu.memref_slice %arg4[%add3A_22, %dma_wait3A] : memref<10240x128xf32, #tpu.memory_space<vmem_shared>> -> memref<128x128xf32, #tpu.memory_space<vmem_shared>>
      %dma_wait3A_44 = arith.constant 0 : i32
      %dma_wait3A_45 = tpu.memref_slice %arg4[%add3A_22, %dma_wait3A_44] : memref<10240x128xf32, #tpu.memory_space<vmem_shared>> -> memref<128x128xf32, #tpu.memory_space<vmem_shared>>
      tpu.wait_dma2 semaphore(%run_scoped3A : memref<!tpu.dma_semaphore, #tpu.memory_space<semaphore_mem>>) src(%arg6 : memref<128x128xf32, #tpu.memory_space<vmem>>) dst(%dma_wait3A_45 : memref<128x128xf32, #tpu.memory_space<vmem_shared>>)
      tpu.yield
    }) : () -> ()
    %scan3A_23 = arith.constant 0 : i32
    %scan3A_24 = arith.constant 0 : i32
    %scan3A_25 = arith.constant 128 : i32
    %scan3A_26 = arith.addi %scan3A_24, %scan3A_25 : i32
    %scan3A_27 = arith.constant 1 : i32
    scf.for %scan3A_40 = %scan3A_24 to %scan3A_26 step %scan3A_27  : i32 {
      %broadcast_in_dim3A = arith.constant 1.000000e+00 : f32
      %broadcast_in_dim3A_41 = vector.broadcast %broadcast_in_dim3A : f32 to vector<16xf32>
      %swap3A = arith.index_cast %scan3A_40 : i32 to index
      %swap3A_42 = arith.constant 0 : index
      %swap3A_43 = tpu.vector_load %arg6[%swap3A, %swap3A_42] {strides = array<i32>} : memref<128x128xf32, #tpu.memory_space<vmem>>, vector<1x16xf32>,
      %swap3A_44 = vector.shape_cast %swap3A_43 : vector<1x16xf32> to vector<16xf32>
      %swap3A_45 = vector.shape_cast %broadcast_in_dim3A_41 : vector<16xf32> to vector<1x16xf32>
      tpu.vector_store %arg6[%swap3A, %swap3A_42], %swap3A_45 {strides = array<i32>} : memref<128x128xf32, #tpu.memory_space<vmem>>, vector<1x16xf32>,
      %broadcast_in_dim3A_46 = arith.constant 1.000000e+00 : f32
      %broadcast_in_dim3A_47 = vector.broadcast %broadcast_in_dim3A_46 : f32 to vector<16xf32>
      %swap3A_48 = arith.index_cast %scan3A_40 : i32 to index
      %swap3A_49 = arith.constant 16 : index
      %swap3A_50 = tpu.vector_load %arg6[%swap3A_48, %swap3A_49] {strides = array<i32>} : memref<128x128xf32, #tpu.memory_space<vmem>>, vector<1x16xf32>,
      %swap3A_51 = vector.shape_cast %swap3A_50 : vector<1x16xf32> to vector<16xf32>
      %swap3A_52 = vector.shape_cast %broadcast_in_dim3A_47 : vector<16xf32> to vector<1x16xf32>
      tpu.vector_store %arg6[%swap3A_48, %swap3A_49], %swap3A_52 {strides = array<i32>} : memref<128x128xf32, #tpu.memory_space<vmem>>, vector<1x16xf32>,
      %broadcast_in_dim3A_53 = arith.constant 1.000000e+00 : f32
      %broadcast_in_dim3A_54 = vector.broadcast %broadcast_in_dim3A_53 : f32 to vector<16xf32>
      %swap3A_55 = arith.index_cast %scan3A_40 : i32 to index
      %swap3A_56 = arith.constant 32 : index
      %swap3A_57 = tpu.vector_load %arg6[%swap3A_55, %swap3A_56] {strides = array<i32>} : memref<128x128xf32, #tpu.memory_space<vmem>>, vector<1x16xf32>,
      %swap3A_58 = vector.shape_cast %swap3A_57 : vector<1x16xf32> to vector<16xf32>
      %swap3A_59 = vector.shape_cast %broadcast_in_dim3A_54 : vector<16xf32> to vector<1x16xf32>
      tpu.vector_store %arg6[%swap3A_55, %swap3A_56], %swap3A_59 {strides = array<i32>} : memref<128x128xf32, #tpu.memory_space<vmem>>, vector<1x16xf32>,
      %broadcast_in_dim3A_60 = arith.constant 1.000000e+00 : f32
      %broadcast_in_dim3A_61 = vector.broadcast %broadcast_in_dim3A_60 : f32 to vector<16xf32>
      %swap3A_62 = arith.index_cast %scan3A_40 : i32 to index
      %swap3A_63 = arith.constant 48 : index
      %swap3A_64 = tpu.vector_load %arg6[%swap3A_62, %swap3A_63] {strides = array<i32>} : memref<128x128xf32, #tpu.memory_space<vmem>>, vector<1x16xf32>,
      %swap3A_65 = vector.shape_cast %swap3A_64 : vector<1x16xf32> to vector<16xf32>
      %swap3A_66 = vector.shape_cast %broadcast_in_dim3A_61 : vector<16xf32> to vector<1x16xf32>
      tpu.vector_store %arg6[%swap3A_62, %swap3A_63], %swap3A_66 {strides = array<i32>} : memref<128x128xf32, #tpu.memory_space<vmem>>, vector<1x16xf32>,
      %broadcast_in_dim3A_67 = arith.constant 1.000000e+00 : f32
      %broadcast_in_dim3A_68 = vector.broadcast %broadcast_in_dim3A_67 : f32 to vector<16xf32>
      %swap3A_69 = arith.index_cast %scan3A_40 : i32 to index
      %swap3A_70 = arith.constant 64 : index
      %swap3A_71 = tpu.vector_load %arg6[%swap3A_69, %swap3A_70] {strides = array<i32>} : memref<128x128xf32, #tpu.memory_space<vmem>>, vector<1x16xf32>,
      %swap3A_72 = vector.shape_cast %swap3A_71 : vector<1x16xf32> to vector<16xf32>
      %swap3A_73 = vector.shape_cast %broadcast_in_dim3A_68 : vector<16xf32> to vector<1x16xf32>
      tpu.vector_store %arg6[%swap3A_69, %swap3A_70], %swap3A_73 {strides = array<i32>} : memref<128x128xf32, #tpu.memory_space<vmem>>, vector<1x16xf32>,
      %broadcast_in_dim3A_74 = arith.constant 1.000000e+00 : f32
      %broadcast_in_dim3A_75 = vector.broadcast %broadcast_in_dim3A_74 : f32 to vector<16xf32>
      %swap3A_76 = arith.index_cast %scan3A_40 : i32 to index
      %swap3A_77 = arith.constant 80 : index
      %swap3A_78 = tpu.vector_load %arg6[%swap3A_76, %swap3A_77] {strides = array<i32>} : memref<128x128xf32, #tpu.memory_space<vmem>>, vector<1x16xf32>,
      %swap3A_79 = vector.shape_cast %swap3A_78 : vector<1x16xf32> to vector<16xf32>
      %swap3A_80 = vector.shape_cast %broadcast_in_dim3A_75 : vector<16xf32> to vector<1x16xf32>
      tpu.vector_store %arg6[%swap3A_76, %swap3A_77], %swap3A_80 {strides = array<i32>} : memref<128x128xf32, #tpu.memory_space<vmem>>, vector<1x16xf32>,
      %broadcast_in_dim3A_81 = arith.constant 1.000000e+00 : f32
      %broadcast_in_dim3A_82 = vector.broadcast %broadcast_in_dim3A_81 : f32 to vector<16xf32>
      %swap3A_83 = arith.index_cast %scan3A_40 : i32 to index
      %swap3A_84 = arith.constant 96 : index
      %swap3A_85 = tpu.vector_load %arg6[%swap3A_83, %swap3A_84] {strides = array<i32>} : memref<128x128xf32, #tpu.memory_space<vmem>>, vector<1x16xf32>,
      %swap3A_86 = vector.shape_cast %swap3A_85 : vector<1x16xf32> to vector<16xf32>
      %swap3A_87 = vector.shape_cast %broadcast_in_dim3A_82 : vector<16xf32> to vector<1x16xf32>
      tpu.vector_store %arg6[%swap3A_83, %swap3A_84], %swap3A_87 {strides = array<i32>} : memref<128x128xf32, #tpu.memory_space<vmem>>, vector<1x16xf32>,
      %broadcast_in_dim3A_88 = arith.constant 1.000000e+00 : f32
      %broadcast_in_dim3A_89 = vector.broadcast %broadcast_in_dim3A_88 : f32 to vector<16xf32>
      %swap3A_90 = arith.index_cast %scan3A_40 : i32 to index
      %swap3A_91 = arith.constant 112 : index
      %swap3A_92 = tpu.vector_load %arg6[%swap3A_90, %swap3A_91] {strides = array<i32>} : memref<128x128xf32, #tpu.memory_space<vmem>>, vector<1x16xf32>,
      %swap3A_93 = vector.shape_cast %swap3A_92 : vector<1x16xf32> to vector<16xf32>
      %swap3A_94 = vector.shape_cast %broadcast_in_dim3A_89 : vector<16xf32> to vector<1x16xf32>
      tpu.vector_store %arg6[%swap3A_90, %swap3A_91], %swap3A_94 {strides = array<i32>} : memref<128x128xf32, #tpu.memory_space<vmem>>, vector<1x16xf32>,
    }
    %scan3A_28 = arith.constant 128 : i32
    %barrier3A = arith.constant 0 : index
    tpu.barrier barrier_id(%barrier3A)
    "tpu.region"() ({
      %run_scoped3A = tpu.sem_alloc : memref<!tpu.dma_semaphore, #tpu.memory_space<semaphore_mem>>
      %dma_start3A = arith.constant 0 : i32
      %dma_start3A_40 = arith.constant 0 : i32
      %dma_start3A_41 = tpu.memref_slice %arg2[%arg0, %arg1, %dma_start3A, %dma_start3A_40] : memref<2x16x79x128xi32, #tpu.memory_space<hbm>> -> memref<1x1x79x128xi32, #tpu.memory_space<hbm>>
      %dma_start3A_42 = tpu.memref_squeeze %dma_start3A_41 : memref<1x1x79x128xi32, #tpu.memory_space<hbm>> -> memref<79x128xi32, #tpu.memory_space<hbm>>
      %dma_start3A_43 = arith.constant 0 : i32
      %dma_start3A_44 = arith.constant 0 : i32
      %dma_start3A_45 = tpu.memref_slice %arg2[%arg0, %arg1, %dma_start3A_43, %dma_start3A_44] : memref<2x16x79x128xi32, #tpu.memory_space<hbm>> -> memref<1x1x79x128xi32, #tpu.memory_space<hbm>>
      %dma_start3A_46 = tpu.memref_squeeze %dma_start3A_45 : memref<1x1x79x128xi32, #tpu.memory_space<hbm>> -> memref<79x128xi32, #tpu.memory_space<hbm>>
      tpu.enqueue_dma source(%dma_start3A_46 : memref<79x128xi32, #tpu.memory_space<hbm>>) target(%arg5 : memref<79x128xi32, #tpu.memory_space<vmem>>) target_semaphore(%run_scoped3A : memref<!tpu.dma_semaphore, #tpu.memory_space<semaphore_mem>>)
      %dma_wait3A = arith.constant 0 : i32
      %dma_wait3A_47 = arith.constant 0 : i32
      %dma_wait3A_48 = tpu.memref_slice %arg2[%arg0, %arg1, %dma_wait3A, %dma_wait3A_47] : memref<2x16x79x128xi32, #tpu.memory_space<hbm>> -> memref<1x1x79x128xi32, #tpu.memory_space<hbm>>
      %dma_wait3A_49 = tpu.memref_squeeze %dma_wait3A_48 : memref<1x1x79x128xi32, #tpu.memory_space<hbm>> -> memref<79x128xi32, #tpu.memory_space<hbm>>
      %dma_wait3A_50 = arith.constant 0 : i32
      %dma_wait3A_51 = arith.constant 0 : i32
      %dma_wait3A_52 = tpu.memref_slice %arg2[%arg0, %arg1, %dma_wait3A_50, %dma_wait3A_51] : memref<2x16x79x128xi32, #tpu.memory_space<hbm>> -> memref<1x1x79x128xi32, #tpu.memory_space<hbm>>
      %dma_wait3A_53 = tpu.memref_squeeze %dma_wait3A_52 : memref<1x1x79x128xi32, #tpu.memory_space<hbm>> -> memref<79x128xi32, #tpu.memory_space<hbm>>
      tpu.wait_dma2 semaphore(%run_scoped3A : memref<!tpu.dma_semaphore, #tpu.memory_space<semaphore_mem>>) src(%dma_wait3A_53 : memref<79x128xi32, #tpu.memory_space<hbm>>) dst(%arg5 : memref<79x128xi32, #tpu.memory_space<vmem>>)
      tpu.yield
    }) : () -> ()
    %scan3A_29 = arith.constant 0 : i32
    %scan3A_30 = arith.constant 0 : i32
    %scan3A_31 = arith.constant 79 : i32
    %scan3A_32 = arith.addi %scan3A_30, %scan3A_31 : i32
    %scan3A_33 = arith.constant 1 : i32
    scf.for %scan3A_40 = %scan3A_30 to %scan3A_32 step %scan3A_33  : i32 {
      "tpu.region"() ({
        %run_scoped3A = tpu.sem_alloc : memref<!tpu.dma_semaphore, #tpu.memory_space<semaphore_mem>>
        %dma_start3A = arith.constant 0 : i32
        %dma_start3A_41 = tpu.memref_slice %arg5[%scan3A_40, %dma_start3A] : memref<79x128xi32, #tpu.memory_space<vmem>> -> memref<1x128xi32, #tpu.memory_space<vmem>>
        %dma_start3A_42 = tpu.memref_squeeze %dma_start3A_41 : memref<1x128xi32, #tpu.memory_space<vmem>> -> memref<128xi32, #tpu.memory_space<vmem>>
        %dma_start3A_43 = arith.constant 0 : i32
        %dma_start3A_44 = arith.constant 0 : i32
        %dma_start3A_45 = tpu.memref_slice %arg4[%dma_start3A_43, %dma_start3A_44] : memref<10240x128xf32, #tpu.memory_space<vmem_shared>> -> memref<10240x128xf32, #tpu.memory_space<vmem_shared>>
        tpu.enqueue_indirect_dma source(%arg6 : memref<128x128xf32, #tpu.memory_space<vmem>>) target(%dma_start3A_45 : memref<10240x128xf32, #tpu.memory_space<vmem_shared>>) offsets(%dma_start3A_42 : memref<128xi32, #tpu.memory_space<vmem>>) semaphore(%run_scoped3A : memref<!tpu.dma_semaphore, #tpu.memory_space<semaphore_mem>>) {add = true}
        %dma_wait3A = arith.constant 0 : i32
        %dma_wait3A_46 = tpu.memref_slice %arg5[%scan3A_40, %dma_wait3A] : memref<79x128xi32, #tpu.memory_space<vmem>> -> memref<1x128xi32, #tpu.memory_space<vmem>>
        %dma_wait3A_47 = tpu.memref_squeeze %dma_wait3A_46 : memref<1x128xi32, #tpu.memory_space<vmem>> -> memref<128xi32, #tpu.memory_space<vmem>>
        %dma_wait3A_48 = arith.constant 0 : i32
        %dma_wait3A_49 = arith.constant 0 : i32
        %dma_wait3A_50 = tpu.memref_slice %arg4[%dma_wait3A_48, %dma_wait3A_49] : memref<10240x128xf32, #tpu.memory_space<vmem_shared>> -> memref<10240x128xf32, #tpu.memory_space<vmem_shared>>
        tpu.wait_indirect_dma semaphore(%run_scoped3A : memref<!tpu.dma_semaphore, #tpu.memory_space<semaphore_mem>>) src(%arg6 : memref<128x128xf32, #tpu.memory_space<vmem>>) dst(%dma_wait3A_50 : memref<10240x128xf32, #tpu.memory_space<vmem_shared>>)
        tpu.yield
      }) : () -> ()
    }
    %scan3A_34 = arith.constant 79 : i32
    %barrier3A_35 = arith.constant 0 : index
    tpu.barrier barrier_id(%barrier3A_35)
    %mul3A_36 = arith.constant 640 : i32
    %mul3A_37 = arith.muli %arg1, %mul3A_36 : i32
    %mul3A_38 = arith.constant 640 : i32
    %mul3A_39 = arith.muli %arg1, %mul3A_38 : i32
    "tpu.region"() ({
      %run_scoped3A = tpu.sem_alloc : memref<!tpu.dma_semaphore, #tpu.memory_space<semaphore_mem>>
      %dma_start3A = arith.constant 0 : i32
      %dma_start3A_40 = tpu.memref_slice %arg3[%arg0, %mul3A_39, %dma_start3A] : memref<2x10240x128xf32, #tpu.memory_space<hbm>> -> memref<1x640x128xf32, #tpu.memory_space<hbm>>
      %dma_start3A_41 = tpu.memref_squeeze %dma_start3A_40 : memref<1x640x128xf32, #tpu.memory_space<hbm>> -> memref<640x128xf32, #tpu.memory_space<hbm>>
      %dma_start3A_42 = arith.constant 0 : i32
      %dma_start3A_43 = tpu.memref_slice %arg4[%mul3A_37, %dma_start3A_42] : memref<10240x128xf32, #tpu.memory_space<vmem_shared>> -> memref<640x128xf32, #tpu.memory_space<vmem_shared>>
      tpu.enqueue_dma source(%dma_start3A_43 : memref<640x128xf32, #tpu.memory_space<vmem_shared>>) target(%dma_start3A_41 : memref<640x128xf32, #tpu.memory_space<hbm>>) target_semaphore(%run_scoped3A : memref<!tpu.dma_semaphore, #tpu.memory_space<semaphore_mem>>)
      %dma_wait3A = arith.constant 0 : i32
      %dma_wait3A_44 = tpu.memref_slice %arg3[%arg0, %mul3A_39, %dma_wait3A] : memref<2x10240x128xf32, #tpu.memory_space<hbm>> -> memref<1x640x128xf32, #tpu.memory_space<hbm>>
      %dma_wait3A_45 = tpu.memref_squeeze %dma_wait3A_44 : memref<1x640x128xf32, #tpu.memory_space<hbm>> -> memref<640x128xf32, #tpu.memory_space<hbm>>
      %dma_wait3A_46 = arith.constant 0 : i32
      %dma_wait3A_47 = tpu.memref_slice %arg4[%mul3A_37, %dma_wait3A_46] : memref<10240x128xf32, #tpu.memory_space<vmem_shared>> -> memref<640x128xf32, #tpu.memory_space<vmem_shared>>
      tpu.wait_dma2 semaphore(%run_scoped3A : memref<!tpu.dma_semaphore, #tpu.memory_space<semaphore_mem>>) src(%dma_wait3A_47 : memref<640x128xf32, #tpu.memory_space<vmem_shared>>) dst(%dma_wait3A_45 : memref<640x128xf32, #tpu.memory_space<hbm>>)
      tpu.yield
    }) : () -> ()
    return
  }
}

#map = affine_map<(d0, d1) -> (0, 0, 0, 0, 0)>
#map1 = affine_map<(d0, d1) -> (0, 0)>
#map2 = affine_map<(d0, d1) -> (0, 0, 0)>
module attributes {stable_mosaic.version = 14 : i64} {
  func.func @_agg_kernel_body(%arg0: i32, %arg1: i32, %arg2: memref<2x16x126x3x80xi32, #tpu.memory_space<hbm>>, %arg3: memref<20480x128xf32, #tpu.memory_space<hbm>>, %arg4: memref<400x128xf32, #tpu.memory_space<hbm>>, %arg5: memref<2x10240x128xf32, #tpu.memory_space<hbm>>, %arg6: memref<10240x128xf32, #tpu.memory_space<vmem_shared>>, %arg7: memref<2x3x80xi32, #tpu.memory_space<vmem>>, %arg8: memref<2x80xi32, #tpu.memory_space<vmem>>, %arg9: memref<2x80x128xf32, #tpu.memory_space<vmem>>, %arg10: memref<2x80x128xf32, #tpu.memory_space<vmem>>, %arg11: memref<!tpu.dma_semaphore, #tpu.memory_space<semaphore_mem>>, %arg12: memref<!tpu.dma_semaphore, #tpu.memory_space<semaphore_mem>>, %arg13: memref<!tpu.dma_semaphore, #tpu.memory_space<semaphore_mem>>, %arg14: memref<!tpu.dma_semaphore, #tpu.memory_space<semaphore_mem>>, %arg15: memref<!tpu.dma_semaphore, #tpu.memory_space<semaphore_mem>>, %arg16: memref<!tpu.dma_semaphore, #tpu.memory_space<semaphore_mem>>) attributes {dimension_semantics = [#tpu.dimension_semantics<core_parallel>, #tpu.dimension_semantics<subcore_parallel>], iteration_bounds = array<i64: 2, 16>, scalar_prefetch = 0 : i64, scratch_operands = 11 : i64, tpu.core_type = #tpu.core_type<sc_vector_subcore>, window_params = [{transform_indices = #map}, {transform_indices = #map1}, {transform_indices = #map1}, {transform_indices = #map2}]} {
    %scan3A = arith.constant 0 : i32
    %scan3A_0 = arith.constant 0 : i32
    %scan3A_1 = arith.constant 80 : i32
    %scan3A_2 = arith.addi %scan3A_0, %scan3A_1 : i32
    %scan3A_3 = arith.constant 1 : i32
    scf.for %scan3A_108 = %scan3A_0 to %scan3A_2 step %scan3A_3  : i32 {
      %broadcast_in_dim3A = arith.constant 0.000000e+00 : f32
      %broadcast_in_dim3A_109 = vector.broadcast %broadcast_in_dim3A : f32 to vector<16xf32>
      %swap3A = arith.constant 0 : i32
      %swap3A_110 = arith.index_cast %swap3A : i32 to index
      %swap3A_111 = arith.index_cast %scan3A_108 : i32 to index
      %swap3A_112 = arith.constant 0 : index
      %swap3A_113 = tpu.vector_load %arg9[%swap3A_110, %swap3A_111, %swap3A_112] {strides = array<i32>} : memref<2x80x128xf32, #tpu.memory_space<vmem>>, vector<1x1x16xf32>,
      %swap3A_114 = vector.shape_cast %swap3A_113 : vector<1x1x16xf32> to vector<16xf32>
      %swap3A_115 = vector.shape_cast %broadcast_in_dim3A_109 : vector<16xf32> to vector<1x1x16xf32>
      tpu.vector_store %arg9[%swap3A_110, %swap3A_111, %swap3A_112], %swap3A_115 {strides = array<i32>} : memref<2x80x128xf32, #tpu.memory_space<vmem>>, vector<1x1x16xf32>,
      %broadcast_in_dim3A_116 = arith.constant 0.000000e+00 : f32
      %broadcast_in_dim3A_117 = vector.broadcast %broadcast_in_dim3A_116 : f32 to vector<16xf32>
      %swap3A_118 = arith.constant 0 : i32
      %swap3A_119 = arith.index_cast %swap3A_118 : i32 to index
      %swap3A_120 = arith.index_cast %scan3A_108 : i32 to index
      %swap3A_121 = arith.constant 16 : index
      %swap3A_122 = tpu.vector_load %arg9[%swap3A_119, %swap3A_120, %swap3A_121] {strides = array<i32>} : memref<2x80x128xf32, #tpu.memory_space<vmem>>, vector<1x1x16xf32>,
      %swap3A_123 = vector.shape_cast %swap3A_122 : vector<1x1x16xf32> to vector<16xf32>
      %swap3A_124 = vector.shape_cast %broadcast_in_dim3A_117 : vector<16xf32> to vector<1x1x16xf32>
      tpu.vector_store %arg9[%swap3A_119, %swap3A_120, %swap3A_121], %swap3A_124 {strides = array<i32>} : memref<2x80x128xf32, #tpu.memory_space<vmem>>, vector<1x1x16xf32>,
      %broadcast_in_dim3A_125 = arith.constant 0.000000e+00 : f32
      %broadcast_in_dim3A_126 = vector.broadcast %broadcast_in_dim3A_125 : f32 to vector<16xf32>
      %swap3A_127 = arith.constant 0 : i32
      %swap3A_128 = arith.index_cast %swap3A_127 : i32 to index
      %swap3A_129 = arith.index_cast %scan3A_108 : i32 to index
      %swap3A_130 = arith.constant 32 : index
      %swap3A_131 = tpu.vector_load %arg9[%swap3A_128, %swap3A_129, %swap3A_130] {strides = array<i32>} : memref<2x80x128xf32, #tpu.memory_space<vmem>>, vector<1x1x16xf32>,
      %swap3A_132 = vector.shape_cast %swap3A_131 : vector<1x1x16xf32> to vector<16xf32>
      %swap3A_133 = vector.shape_cast %broadcast_in_dim3A_126 : vector<16xf32> to vector<1x1x16xf32>
      tpu.vector_store %arg9[%swap3A_128, %swap3A_129, %swap3A_130], %swap3A_133 {strides = array<i32>} : memref<2x80x128xf32, #tpu.memory_space<vmem>>, vector<1x1x16xf32>,
      %broadcast_in_dim3A_134 = arith.constant 0.000000e+00 : f32
      %broadcast_in_dim3A_135 = vector.broadcast %broadcast_in_dim3A_134 : f32 to vector<16xf32>
      %swap3A_136 = arith.constant 0 : i32
      %swap3A_137 = arith.index_cast %swap3A_136 : i32 to index
      %swap3A_138 = arith.index_cast %scan3A_108 : i32 to index
      %swap3A_139 = arith.constant 48 : index
      %swap3A_140 = tpu.vector_load %arg9[%swap3A_137, %swap3A_138, %swap3A_139] {strides = array<i32>} : memref<2x80x128xf32, #tpu.memory_space<vmem>>, vector<1x1x16xf32>,
      %swap3A_141 = vector.shape_cast %swap3A_140 : vector<1x1x16xf32> to vector<16xf32>
      %swap3A_142 = vector.shape_cast %broadcast_in_dim3A_135 : vector<16xf32> to vector<1x1x16xf32>
      tpu.vector_store %arg9[%swap3A_137, %swap3A_138, %swap3A_139], %swap3A_142 {strides = array<i32>} : memref<2x80x128xf32, #tpu.memory_space<vmem>>, vector<1x1x16xf32>,
      %broadcast_in_dim3A_143 = arith.constant 0.000000e+00 : f32
      %broadcast_in_dim3A_144 = vector.broadcast %broadcast_in_dim3A_143 : f32 to vector<16xf32>
      %swap3A_145 = arith.constant 0 : i32
      %swap3A_146 = arith.index_cast %swap3A_145 : i32 to index
      %swap3A_147 = arith.index_cast %scan3A_108 : i32 to index
      %swap3A_148 = arith.constant 64 : index
      %swap3A_149 = tpu.vector_load %arg9[%swap3A_146, %swap3A_147, %swap3A_148] {strides = array<i32>} : memref<2x80x128xf32, #tpu.memory_space<vmem>>, vector<1x1x16xf32>,
      %swap3A_150 = vector.shape_cast %swap3A_149 : vector<1x1x16xf32> to vector<16xf32>
      %swap3A_151 = vector.shape_cast %broadcast_in_dim3A_144 : vector<16xf32> to vector<1x1x16xf32>
      tpu.vector_store %arg9[%swap3A_146, %swap3A_147, %swap3A_148], %swap3A_151 {strides = array<i32>} : memref<2x80x128xf32, #tpu.memory_space<vmem>>, vector<1x1x16xf32>,
      %broadcast_in_dim3A_152 = arith.constant 0.000000e+00 : f32
      %broadcast_in_dim3A_153 = vector.broadcast %broadcast_in_dim3A_152 : f32 to vector<16xf32>
      %swap3A_154 = arith.constant 0 : i32
      %swap3A_155 = arith.index_cast %swap3A_154 : i32 to index
      %swap3A_156 = arith.index_cast %scan3A_108 : i32 to index
      %swap3A_157 = arith.constant 80 : index
      %swap3A_158 = tpu.vector_load %arg9[%swap3A_155, %swap3A_156, %swap3A_157] {strides = array<i32>} : memref<2x80x128xf32, #tpu.memory_space<vmem>>, vector<1x1x16xf32>,
      %swap3A_159 = vector.shape_cast %swap3A_158 : vector<1x1x16xf32> to vector<16xf32>
      %swap3A_160 = vector.shape_cast %broadcast_in_dim3A_153 : vector<16xf32> to vector<1x1x16xf32>
      tpu.vector_store %arg9[%swap3A_155, %swap3A_156, %swap3A_157], %swap3A_160 {strides = array<i32>} : memref<2x80x128xf32, #tpu.memory_space<vmem>>, vector<1x1x16xf32>,
      %broadcast_in_dim3A_161 = arith.constant 0.000000e+00 : f32
      %broadcast_in_dim3A_162 = vector.broadcast %broadcast_in_dim3A_161 : f32 to vector<16xf32>
      %swap3A_163 = arith.constant 0 : i32
      %swap3A_164 = arith.index_cast %swap3A_163 : i32 to index
      %swap3A_165 = arith.index_cast %scan3A_108 : i32 to index
      %swap3A_166 = arith.constant 96 : index
      %swap3A_167 = tpu.vector_load %arg9[%swap3A_164, %swap3A_165, %swap3A_166] {strides = array<i32>} : memref<2x80x128xf32, #tpu.memory_space<vmem>>, vector<1x1x16xf32>,
      %swap3A_168 = vector.shape_cast %swap3A_167 : vector<1x1x16xf32> to vector<16xf32>
      %swap3A_169 = vector.shape_cast %broadcast_in_dim3A_162 : vector<16xf32> to vector<1x1x16xf32>
      tpu.vector_store %arg9[%swap3A_164, %swap3A_165, %swap3A_166], %swap3A_169 {strides = array<i32>} : memref<2x80x128xf32, #tpu.memory_space<vmem>>, vector<1x1x16xf32>,
      %broadcast_in_dim3A_170 = arith.constant 0.000000e+00 : f32
      %broadcast_in_dim3A_171 = vector.broadcast %broadcast_in_dim3A_170 : f32 to vector<16xf32>
      %swap3A_172 = arith.constant 0 : i32
      %swap3A_173 = arith.index_cast %swap3A_172 : i32 to index
      %swap3A_174 = arith.index_cast %scan3A_108 : i32 to index
      %swap3A_175 = arith.constant 112 : index
      %swap3A_176 = tpu.vector_load %arg9[%swap3A_173, %swap3A_174, %swap3A_175] {strides = array<i32>} : memref<2x80x128xf32, #tpu.memory_space<vmem>>, vector<1x1x16xf32>,
      %swap3A_177 = vector.shape_cast %swap3A_176 : vector<1x1x16xf32> to vector<16xf32>
      %swap3A_178 = vector.shape_cast %broadcast_in_dim3A_171 : vector<16xf32> to vector<1x1x16xf32>
      tpu.vector_store %arg9[%swap3A_173, %swap3A_174, %swap3A_175], %swap3A_178 {strides = array<i32>} : memref<2x80x128xf32, #tpu.memory_space<vmem>>, vector<1x1x16xf32>,
    }
    %scan3A_4 = arith.constant 80 : i32
    %mul3A = arith.constant 640 : i32
    %mul3A_5 = arith.muli %arg1, %mul3A : i32
    %add3A = arith.constant 0 : i32
    %add3A_6 = arith.addi %mul3A_5, %add3A : i32
    %run_scoped3A = arith.constant 0 : i32
    "tpu.region"() ({
      %run_scoped3A_108 = tpu.sem_alloc : memref<!tpu.dma_semaphore, #tpu.memory_space<semaphore_mem>>
      %dma_start3A_109 = arith.constant 0 : i32
      %dma_start3A_110 = arith.constant 0 : i32
      %dma_start3A_111 = tpu.memref_slice %arg9[%run_scoped3A, %dma_start3A_109, %dma_start3A_110] : memref<2x80x128xf32, #tpu.memory_space<vmem>> -> memref<1x80x128xf32, #tpu.memory_space<vmem>>
      %dma_start3A_112 = tpu.memref_squeeze %dma_start3A_111 : memref<1x80x128xf32, #tpu.memory_space<vmem>> -> memref<80x128xf32, #tpu.memory_space<vmem>>
      %dma_start3A_113 = arith.constant 0 : i32
      %dma_start3A_114 = tpu.memref_slice %arg6[%add3A_6, %dma_start3A_113] : memref<10240x128xf32, #tpu.memory_space<vmem_shared>> -> memref<80x128xf32, #tpu.memory_space<vmem_shared>>
      %dma_start3A_115 = arith.constant 0 : i32
      %dma_start3A_116 = tpu.memref_slice %arg6[%add3A_6, %dma_start3A_115] : memref<10240x128xf32, #tpu.memory_space<vmem_shared>> -> memref<80x128xf32, #tpu.memory_space<vmem_shared>>
      %dma_start3A_117 = arith.constant 0 : i32
      %dma_start3A_118 = arith.constant 0 : i32
      %dma_start3A_119 = tpu.memref_slice %arg9[%run_scoped3A, %dma_start3A_117, %dma_start3A_118] : memref<2x80x128xf32, #tpu.memory_space<vmem>> -> memref<1x80x128xf32, #tpu.memory_space<vmem>>
      %dma_start3A_120 = tpu.memref_squeeze %dma_start3A_119 : memref<1x80x128xf32, #tpu.memory_space<vmem>> -> memref<80x128xf32, #tpu.memory_space<vmem>>
      tpu.enqueue_dma source(%dma_start3A_120 : memref<80x128xf32, #tpu.memory_space<vmem>>) target(%dma_start3A_116 : memref<80x128xf32, #tpu.memory_space<vmem_shared>>) target_semaphore(%run_scoped3A_108 : memref<!tpu.dma_semaphore, #tpu.memory_space<semaphore_mem>>)
      %dma_wait3A = arith.constant 0 : i32
      %dma_wait3A_121 = arith.constant 0 : i32
      %dma_wait3A_122 = tpu.memref_slice %arg9[%run_scoped3A, %dma_wait3A, %dma_wait3A_121] : memref<2x80x128xf32, #tpu.memory_space<vmem>> -> memref<1x80x128xf32, #tpu.memory_space<vmem>>
      %dma_wait3A_123 = tpu.memref_squeeze %dma_wait3A_122 : memref<1x80x128xf32, #tpu.memory_space<vmem>> -> memref<80x128xf32, #tpu.memory_space<vmem>>
      %dma_wait3A_124 = arith.constant 0 : i32
      %dma_wait3A_125 = tpu.memref_slice %arg6[%add3A_6, %dma_wait3A_124] : memref<10240x128xf32, #tpu.memory_space<vmem_shared>> -> memref<80x128xf32, #tpu.memory_space<vmem_shared>>
      %dma_wait3A_126 = arith.constant 0 : i32
      %dma_wait3A_127 = tpu.memref_slice %arg6[%add3A_6, %dma_wait3A_126] : memref<10240x128xf32, #tpu.memory_space<vmem_shared>> -> memref<80x128xf32, #tpu.memory_space<vmem_shared>>
      %dma_wait3A_128 = arith.constant 0 : i32
      %dma_wait3A_129 = arith.constant 0 : i32
      %dma_wait3A_130 = tpu.memref_slice %arg9[%run_scoped3A, %dma_wait3A_128, %dma_wait3A_129] : memref<2x80x128xf32, #tpu.memory_space<vmem>> -> memref<1x80x128xf32, #tpu.memory_space<vmem>>
      %dma_wait3A_131 = tpu.memref_squeeze %dma_wait3A_130 : memref<1x80x128xf32, #tpu.memory_space<vmem>> -> memref<80x128xf32, #tpu.memory_space<vmem>>
      tpu.wait_dma2 semaphore(%run_scoped3A_108 : memref<!tpu.dma_semaphore, #tpu.memory_space<semaphore_mem>>) src(%dma_wait3A_131 : memref<80x128xf32, #tpu.memory_space<vmem>>) dst(%dma_wait3A_127 : memref<80x128xf32, #tpu.memory_space<vmem_shared>>)
      tpu.yield
    }) : () -> ()
    %mul3A_7 = arith.constant 640 : i32
    %mul3A_8 = arith.muli %arg1, %mul3A_7 : i32
    %add3A_9 = arith.constant 80 : i32
    %add3A_10 = arith.addi %mul3A_8, %add3A_9 : i32
    %run_scoped3A_11 = arith.constant 0 : i32
    "tpu.region"() ({
      %run_scoped3A_108 = tpu.sem_alloc : memref<!tpu.dma_semaphore, #tpu.memory_space<semaphore_mem>>
      %dma_start3A_109 = arith.constant 0 : i32
      %dma_start3A_110 = arith.constant 0 : i32
      %dma_start3A_111 = tpu.memref_slice %arg9[%run_scoped3A_11, %dma_start3A_109, %dma_start3A_110] : memref<2x80x128xf32, #tpu.memory_space<vmem>> -> memref<1x80x128xf32, #tpu.memory_space<vmem>>
      %dma_start3A_112 = tpu.memref_squeeze %dma_start3A_111 : memref<1x80x128xf32, #tpu.memory_space<vmem>> -> memref<80x128xf32, #tpu.memory_space<vmem>>
      %dma_start3A_113 = arith.constant 0 : i32
      %dma_start3A_114 = tpu.memref_slice %arg6[%add3A_10, %dma_start3A_113] : memref<10240x128xf32, #tpu.memory_space<vmem_shared>> -> memref<80x128xf32, #tpu.memory_space<vmem_shared>>
      %dma_start3A_115 = arith.constant 0 : i32
      %dma_start3A_116 = tpu.memref_slice %arg6[%add3A_10, %dma_start3A_115] : memref<10240x128xf32, #tpu.memory_space<vmem_shared>> -> memref<80x128xf32, #tpu.memory_space<vmem_shared>>
      %dma_start3A_117 = arith.constant 0 : i32
      %dma_start3A_118 = arith.constant 0 : i32
      %dma_start3A_119 = tpu.memref_slice %arg9[%run_scoped3A_11, %dma_start3A_117, %dma_start3A_118] : memref<2x80x128xf32, #tpu.memory_space<vmem>> -> memref<1x80x128xf32, #tpu.memory_space<vmem>>
      %dma_start3A_120 = tpu.memref_squeeze %dma_start3A_119 : memref<1x80x128xf32, #tpu.memory_space<vmem>> -> memref<80x128xf32, #tpu.memory_space<vmem>>
      tpu.enqueue_dma source(%dma_start3A_120 : memref<80x128xf32, #tpu.memory_space<vmem>>) target(%dma_start3A_116 : memref<80x128xf32, #tpu.memory_space<vmem_shared>>) target_semaphore(%run_scoped3A_108 : memref<!tpu.dma_semaphore, #tpu.memory_space<semaphore_mem>>)
      %dma_wait3A = arith.constant 0 : i32
      %dma_wait3A_121 = arith.constant 0 : i32
      %dma_wait3A_122 = tpu.memref_slice %arg9[%run_scoped3A_11, %dma_wait3A, %dma_wait3A_121] : memref<2x80x128xf32, #tpu.memory_space<vmem>> -> memref<1x80x128xf32, #tpu.memory_space<vmem>>
      %dma_wait3A_123 = tpu.memref_squeeze %dma_wait3A_122 : memref<1x80x128xf32, #tpu.memory_space<vmem>> -> memref<80x128xf32, #tpu.memory_space<vmem>>
      %dma_wait3A_124 = arith.constant 0 : i32
      %dma_wait3A_125 = tpu.memref_slice %arg6[%add3A_10, %dma_wait3A_124] : memref<10240x128xf32, #tpu.memory_space<vmem_shared>> -> memref<80x128xf32, #tpu.memory_space<vmem_shared>>
      %dma_wait3A_126 = arith.constant 0 : i32
      %dma_wait3A_127 = tpu.memref_slice %arg6[%add3A_10, %dma_wait3A_126] : memref<10240x128xf32, #tpu.memory_space<vmem_shared>> -> memref<80x128xf32, #tpu.memory_space<vmem_shared>>
      %dma_wait3A_128 = arith.constant 0 : i32
      %dma_wait3A_129 = arith.constant 0 : i32
      %dma_wait3A_130 = tpu.memref_slice %arg9[%run_scoped3A_11, %dma_wait3A_128, %dma_wait3A_129] : memref<2x80x128xf32, #tpu.memory_space<vmem>> -> memref<1x80x128xf32, #tpu.memory_space<vmem>>
      %dma_wait3A_131 = tpu.memref_squeeze %dma_wait3A_130 : memref<1x80x128xf32, #tpu.memory_space<vmem>> -> memref<80x128xf32, #tpu.memory_space<vmem>>
      tpu.wait_dma2 semaphore(%run_scoped3A_108 : memref<!tpu.dma_semaphore, #tpu.memory_space<semaphore_mem>>) src(%dma_wait3A_131 : memref<80x128xf32, #tpu.memory_space<vmem>>) dst(%dma_wait3A_127 : memref<80x128xf32, #tpu.memory_space<vmem_shared>>)
      tpu.yield
    }) : () -> ()
    %mul3A_12 = arith.constant 640 : i32
    %mul3A_13 = arith.muli %arg1, %mul3A_12 : i32
    %add3A_14 = arith.constant 160 : i32
    %add3A_15 = arith.addi %mul3A_13, %add3A_14 : i32
    %run_scoped3A_16 = arith.constant 0 : i32
    "tpu.region"() ({
      %run_scoped3A_108 = tpu.sem_alloc : memref<!tpu.dma_semaphore, #tpu.memory_space<semaphore_mem>>
      %dma_start3A_109 = arith.constant 0 : i32
      %dma_start3A_110 = arith.constant 0 : i32
      %dma_start3A_111 = tpu.memref_slice %arg9[%run_scoped3A_16, %dma_start3A_109, %dma_start3A_110] : memref<2x80x128xf32, #tpu.memory_space<vmem>> -> memref<1x80x128xf32, #tpu.memory_space<vmem>>
      %dma_start3A_112 = tpu.memref_squeeze %dma_start3A_111 : memref<1x80x128xf32, #tpu.memory_space<vmem>> -> memref<80x128xf32, #tpu.memory_space<vmem>>
      %dma_start3A_113 = arith.constant 0 : i32
      %dma_start3A_114 = tpu.memref_slice %arg6[%add3A_15, %dma_start3A_113] : memref<10240x128xf32, #tpu.memory_space<vmem_shared>> -> memref<80x128xf32, #tpu.memory_space<vmem_shared>>
      %dma_start3A_115 = arith.constant 0 : i32
      %dma_start3A_116 = tpu.memref_slice %arg6[%add3A_15, %dma_start3A_115] : memref<10240x128xf32, #tpu.memory_space<vmem_shared>> -> memref<80x128xf32, #tpu.memory_space<vmem_shared>>
      %dma_start3A_117 = arith.constant 0 : i32
      %dma_start3A_118 = arith.constant 0 : i32
      %dma_start3A_119 = tpu.memref_slice %arg9[%run_scoped3A_16, %dma_start3A_117, %dma_start3A_118] : memref<2x80x128xf32, #tpu.memory_space<vmem>> -> memref<1x80x128xf32, #tpu.memory_space<vmem>>
      %dma_start3A_120 = tpu.memref_squeeze %dma_start3A_119 : memref<1x80x128xf32, #tpu.memory_space<vmem>> -> memref<80x128xf32, #tpu.memory_space<vmem>>
      tpu.enqueue_dma source(%dma_start3A_120 : memref<80x128xf32, #tpu.memory_space<vmem>>) target(%dma_start3A_116 : memref<80x128xf32, #tpu.memory_space<vmem_shared>>) target_semaphore(%run_scoped3A_108 : memref<!tpu.dma_semaphore, #tpu.memory_space<semaphore_mem>>)
      %dma_wait3A = arith.constant 0 : i32
      %dma_wait3A_121 = arith.constant 0 : i32
      %dma_wait3A_122 = tpu.memref_slice %arg9[%run_scoped3A_16, %dma_wait3A, %dma_wait3A_121] : memref<2x80x128xf32, #tpu.memory_space<vmem>> -> memref<1x80x128xf32, #tpu.memory_space<vmem>>
      %dma_wait3A_123 = tpu.memref_squeeze %dma_wait3A_122 : memref<1x80x128xf32, #tpu.memory_space<vmem>> -> memref<80x128xf32, #tpu.memory_space<vmem>>
      %dma_wait3A_124 = arith.constant 0 : i32
      %dma_wait3A_125 = tpu.memref_slice %arg6[%add3A_15, %dma_wait3A_124] : memref<10240x128xf32, #tpu.memory_space<vmem_shared>> -> memref<80x128xf32, #tpu.memory_space<vmem_shared>>
      %dma_wait3A_126 = arith.constant 0 : i32
      %dma_wait3A_127 = tpu.memref_slice %arg6[%add3A_15, %dma_wait3A_126] : memref<10240x128xf32, #tpu.memory_space<vmem_shared>> -> memref<80x128xf32, #tpu.memory_space<vmem_shared>>
      %dma_wait3A_128 = arith.constant 0 : i32
      %dma_wait3A_129 = arith.constant 0 : i32
      %dma_wait3A_130 = tpu.memref_slice %arg9[%run_scoped3A_16, %dma_wait3A_128, %dma_wait3A_129] : memref<2x80x128xf32, #tpu.memory_space<vmem>> -> memref<1x80x128xf32, #tpu.memory_space<vmem>>
      %dma_wait3A_131 = tpu.memref_squeeze %dma_wait3A_130 : memref<1x80x128xf32, #tpu.memory_space<vmem>> -> memref<80x128xf32, #tpu.memory_space<vmem>>
      tpu.wait_dma2 semaphore(%run_scoped3A_108 : memref<!tpu.dma_semaphore, #tpu.memory_space<semaphore_mem>>) src(%dma_wait3A_131 : memref<80x128xf32, #tpu.memory_space<vmem>>) dst(%dma_wait3A_127 : memref<80x128xf32, #tpu.memory_space<vmem_shared>>)
      tpu.yield
    }) : () -> ()
    %mul3A_17 = arith.constant 640 : i32
    %mul3A_18 = arith.muli %arg1, %mul3A_17 : i32
    %add3A_19 = arith.constant 240 : i32
    %add3A_20 = arith.addi %mul3A_18, %add3A_19 : i32
    %run_scoped3A_21 = arith.constant 0 : i32
    "tpu.region"() ({
      %run_scoped3A_108 = tpu.sem_alloc : memref<!tpu.dma_semaphore, #tpu.memory_space<semaphore_mem>>
      %dma_start3A_109 = arith.constant 0 : i32
      %dma_start3A_110 = arith.constant 0 : i32
      %dma_start3A_111 = tpu.memref_slice %arg9[%run_scoped3A_21, %dma_start3A_109, %dma_start3A_110] : memref<2x80x128xf32, #tpu.memory_space<vmem>> -> memref<1x80x128xf32, #tpu.memory_space<vmem>>
      %dma_start3A_112 = tpu.memref_squeeze %dma_start3A_111 : memref<1x80x128xf32, #tpu.memory_space<vmem>> -> memref<80x128xf32, #tpu.memory_space<vmem>>
      %dma_start3A_113 = arith.constant 0 : i32
      %dma_start3A_114 = tpu.memref_slice %arg6[%add3A_20, %dma_start3A_113] : memref<10240x128xf32, #tpu.memory_space<vmem_shared>> -> memref<80x128xf32, #tpu.memory_space<vmem_shared>>
      %dma_start3A_115 = arith.constant 0 : i32
      %dma_start3A_116 = tpu.memref_slice %arg6[%add3A_20, %dma_start3A_115] : memref<10240x128xf32, #tpu.memory_space<vmem_shared>> -> memref<80x128xf32, #tpu.memory_space<vmem_shared>>
      %dma_start3A_117 = arith.constant 0 : i32
      %dma_start3A_118 = arith.constant 0 : i32
      %dma_start3A_119 = tpu.memref_slice %arg9[%run_scoped3A_21, %dma_start3A_117, %dma_start3A_118] : memref<2x80x128xf32, #tpu.memory_space<vmem>> -> memref<1x80x128xf32, #tpu.memory_space<vmem>>
      %dma_start3A_120 = tpu.memref_squeeze %dma_start3A_119 : memref<1x80x128xf32, #tpu.memory_space<vmem>> -> memref<80x128xf32, #tpu.memory_space<vmem>>
      tpu.enqueue_dma source(%dma_start3A_120 : memref<80x128xf32, #tpu.memory_space<vmem>>) target(%dma_start3A_116 : memref<80x128xf32, #tpu.memory_space<vmem_shared>>) target_semaphore(%run_scoped3A_108 : memref<!tpu.dma_semaphore, #tpu.memory_space<semaphore_mem>>)
      %dma_wait3A = arith.constant 0 : i32
      %dma_wait3A_121 = arith.constant 0 : i32
      %dma_wait3A_122 = tpu.memref_slice %arg9[%run_scoped3A_21, %dma_wait3A, %dma_wait3A_121] : memref<2x80x128xf32, #tpu.memory_space<vmem>> -> memref<1x80x128xf32, #tpu.memory_space<vmem>>
      %dma_wait3A_123 = tpu.memref_squeeze %dma_wait3A_122 : memref<1x80x128xf32, #tpu.memory_space<vmem>> -> memref<80x128xf32, #tpu.memory_space<vmem>>
      %dma_wait3A_124 = arith.constant 0 : i32
      %dma_wait3A_125 = tpu.memref_slice %arg6[%add3A_20, %dma_wait3A_124] : memref<10240x128xf32, #tpu.memory_space<vmem_shared>> -> memref<80x128xf32, #tpu.memory_space<vmem_shared>>
      %dma_wait3A_126 = arith.constant 0 : i32
      %dma_wait3A_127 = tpu.memref_slice %arg6[%add3A_20, %dma_wait3A_126] : memref<10240x128xf32, #tpu.memory_space<vmem_shared>> -> memref<80x128xf32, #tpu.memory_space<vmem_shared>>
      %dma_wait3A_128 = arith.constant 0 : i32
      %dma_wait3A_129 = arith.constant 0 : i32
      %dma_wait3A_130 = tpu.memref_slice %arg9[%run_scoped3A_21, %dma_wait3A_128, %dma_wait3A_129] : memref<2x80x128xf32, #tpu.memory_space<vmem>> -> memref<1x80x128xf32, #tpu.memory_space<vmem>>
      %dma_wait3A_131 = tpu.memref_squeeze %dma_wait3A_130 : memref<1x80x128xf32, #tpu.memory_space<vmem>> -> memref<80x128xf32, #tpu.memory_space<vmem>>
      tpu.wait_dma2 semaphore(%run_scoped3A_108 : memref<!tpu.dma_semaphore, #tpu.memory_space<semaphore_mem>>) src(%dma_wait3A_131 : memref<80x128xf32, #tpu.memory_space<vmem>>) dst(%dma_wait3A_127 : memref<80x128xf32, #tpu.memory_space<vmem_shared>>)
      tpu.yield
    }) : () -> ()
    %mul3A_22 = arith.constant 640 : i32
    %mul3A_23 = arith.muli %arg1, %mul3A_22 : i32
    %add3A_24 = arith.constant 320 : i32
    %add3A_25 = arith.addi %mul3A_23, %add3A_24 : i32
    %run_scoped3A_26 = arith.constant 0 : i32
    "tpu.region"() ({
      %run_scoped3A_108 = tpu.sem_alloc : memref<!tpu.dma_semaphore, #tpu.memory_space<semaphore_mem>>
      %dma_start3A_109 = arith.constant 0 : i32
      %dma_start3A_110 = arith.constant 0 : i32
      %dma_start3A_111 = tpu.memref_slice %arg9[%run_scoped3A_26, %dma_start3A_109, %dma_start3A_110] : memref<2x80x128xf32, #tpu.memory_space<vmem>> -> memref<1x80x128xf32, #tpu.memory_space<vmem>>
      %dma_start3A_112 = tpu.memref_squeeze %dma_start3A_111 : memref<1x80x128xf32, #tpu.memory_space<vmem>> -> memref<80x128xf32, #tpu.memory_space<vmem>>
      %dma_start3A_113 = arith.constant 0 : i32
      %dma_start3A_114 = tpu.memref_slice %arg6[%add3A_25, %dma_start3A_113] : memref<10240x128xf32, #tpu.memory_space<vmem_shared>> -> memref<80x128xf32, #tpu.memory_space<vmem_shared>>
      %dma_start3A_115 = arith.constant 0 : i32
      %dma_start3A_116 = tpu.memref_slice %arg6[%add3A_25, %dma_start3A_115] : memref<10240x128xf32, #tpu.memory_space<vmem_shared>> -> memref<80x128xf32, #tpu.memory_space<vmem_shared>>
      %dma_start3A_117 = arith.constant 0 : i32
      %dma_start3A_118 = arith.constant 0 : i32
      %dma_start3A_119 = tpu.memref_slice %arg9[%run_scoped3A_26, %dma_start3A_117, %dma_start3A_118] : memref<2x80x128xf32, #tpu.memory_space<vmem>> -> memref<1x80x128xf32, #tpu.memory_space<vmem>>
      %dma_start3A_120 = tpu.memref_squeeze %dma_start3A_119 : memref<1x80x128xf32, #tpu.memory_space<vmem>> -> memref<80x128xf32, #tpu.memory_space<vmem>>
      tpu.enqueue_dma source(%dma_start3A_120 : memref<80x128xf32, #tpu.memory_space<vmem>>) target(%dma_start3A_116 : memref<80x128xf32, #tpu.memory_space<vmem_shared>>) target_semaphore(%run_scoped3A_108 : memref<!tpu.dma_semaphore, #tpu.memory_space<semaphore_mem>>)
      %dma_wait3A = arith.constant 0 : i32
      %dma_wait3A_121 = arith.constant 0 : i32
      %dma_wait3A_122 = tpu.memref_slice %arg9[%run_scoped3A_26, %dma_wait3A, %dma_wait3A_121] : memref<2x80x128xf32, #tpu.memory_space<vmem>> -> memref<1x80x128xf32, #tpu.memory_space<vmem>>
      %dma_wait3A_123 = tpu.memref_squeeze %dma_wait3A_122 : memref<1x80x128xf32, #tpu.memory_space<vmem>> -> memref<80x128xf32, #tpu.memory_space<vmem>>
      %dma_wait3A_124 = arith.constant 0 : i32
      %dma_wait3A_125 = tpu.memref_slice %arg6[%add3A_25, %dma_wait3A_124] : memref<10240x128xf32, #tpu.memory_space<vmem_shared>> -> memref<80x128xf32, #tpu.memory_space<vmem_shared>>
      %dma_wait3A_126 = arith.constant 0 : i32
      %dma_wait3A_127 = tpu.memref_slice %arg6[%add3A_25, %dma_wait3A_126] : memref<10240x128xf32, #tpu.memory_space<vmem_shared>> -> memref<80x128xf32, #tpu.memory_space<vmem_shared>>
      %dma_wait3A_128 = arith.constant 0 : i32
      %dma_wait3A_129 = arith.constant 0 : i32
      %dma_wait3A_130 = tpu.memref_slice %arg9[%run_scoped3A_26, %dma_wait3A_128, %dma_wait3A_129] : memref<2x80x128xf32, #tpu.memory_space<vmem>> -> memref<1x80x128xf32, #tpu.memory_space<vmem>>
      %dma_wait3A_131 = tpu.memref_squeeze %dma_wait3A_130 : memref<1x80x128xf32, #tpu.memory_space<vmem>> -> memref<80x128xf32, #tpu.memory_space<vmem>>
      tpu.wait_dma2 semaphore(%run_scoped3A_108 : memref<!tpu.dma_semaphore, #tpu.memory_space<semaphore_mem>>) src(%dma_wait3A_131 : memref<80x128xf32, #tpu.memory_space<vmem>>) dst(%dma_wait3A_127 : memref<80x128xf32, #tpu.memory_space<vmem_shared>>)
      tpu.yield
    }) : () -> ()
    %mul3A_27 = arith.constant 640 : i32
    %mul3A_28 = arith.muli %arg1, %mul3A_27 : i32
    %add3A_29 = arith.constant 400 : i32
    %add3A_30 = arith.addi %mul3A_28, %add3A_29 : i32
    %run_scoped3A_31 = arith.constant 0 : i32
    "tpu.region"() ({
      %run_scoped3A_108 = tpu.sem_alloc : memref<!tpu.dma_semaphore, #tpu.memory_space<semaphore_mem>>
      %dma_start3A_109 = arith.constant 0 : i32
      %dma_start3A_110 = arith.constant 0 : i32
      %dma_start3A_111 = tpu.memref_slice %arg9[%run_scoped3A_31, %dma_start3A_109, %dma_start3A_110] : memref<2x80x128xf32, #tpu.memory_space<vmem>> -> memref<1x80x128xf32, #tpu.memory_space<vmem>>
      %dma_start3A_112 = tpu.memref_squeeze %dma_start3A_111 : memref<1x80x128xf32, #tpu.memory_space<vmem>> -> memref<80x128xf32, #tpu.memory_space<vmem>>
      %dma_start3A_113 = arith.constant 0 : i32
      %dma_start3A_114 = tpu.memref_slice %arg6[%add3A_30, %dma_start3A_113] : memref<10240x128xf32, #tpu.memory_space<vmem_shared>> -> memref<80x128xf32, #tpu.memory_space<vmem_shared>>
      %dma_start3A_115 = arith.constant 0 : i32
      %dma_start3A_116 = tpu.memref_slice %arg6[%add3A_30, %dma_start3A_115] : memref<10240x128xf32, #tpu.memory_space<vmem_shared>> -> memref<80x128xf32, #tpu.memory_space<vmem_shared>>
      %dma_start3A_117 = arith.constant 0 : i32
      %dma_start3A_118 = arith.constant 0 : i32
      %dma_start3A_119 = tpu.memref_slice %arg9[%run_scoped3A_31, %dma_start3A_117, %dma_start3A_118] : memref<2x80x128xf32, #tpu.memory_space<vmem>> -> memref<1x80x128xf32, #tpu.memory_space<vmem>>
      %dma_start3A_120 = tpu.memref_squeeze %dma_start3A_119 : memref<1x80x128xf32, #tpu.memory_space<vmem>> -> memref<80x128xf32, #tpu.memory_space<vmem>>
      tpu.enqueue_dma source(%dma_start3A_120 : memref<80x128xf32, #tpu.memory_space<vmem>>) target(%dma_start3A_116 : memref<80x128xf32, #tpu.memory_space<vmem_shared>>) target_semaphore(%run_scoped3A_108 : memref<!tpu.dma_semaphore, #tpu.memory_space<semaphore_mem>>)
      %dma_wait3A = arith.constant 0 : i32
      %dma_wait3A_121 = arith.constant 0 : i32
      %dma_wait3A_122 = tpu.memref_slice %arg9[%run_scoped3A_31, %dma_wait3A, %dma_wait3A_121] : memref<2x80x128xf32, #tpu.memory_space<vmem>> -> memref<1x80x128xf32, #tpu.memory_space<vmem>>
      %dma_wait3A_123 = tpu.memref_squeeze %dma_wait3A_122 : memref<1x80x128xf32, #tpu.memory_space<vmem>> -> memref<80x128xf32, #tpu.memory_space<vmem>>
      %dma_wait3A_124 = arith.constant 0 : i32
      %dma_wait3A_125 = tpu.memref_slice %arg6[%add3A_30, %dma_wait3A_124] : memref<10240x128xf32, #tpu.memory_space<vmem_shared>> -> memref<80x128xf32, #tpu.memory_space<vmem_shared>>
      %dma_wait3A_126 = arith.constant 0 : i32
      %dma_wait3A_127 = tpu.memref_slice %arg6[%add3A_30, %dma_wait3A_126] : memref<10240x128xf32, #tpu.memory_space<vmem_shared>> -> memref<80x128xf32, #tpu.memory_space<vmem_shared>>
      %dma_wait3A_128 = arith.constant 0 : i32
      %dma_wait3A_129 = arith.constant 0 : i32
      %dma_wait3A_130 = tpu.memref_slice %arg9[%run_scoped3A_31, %dma_wait3A_128, %dma_wait3A_129] : memref<2x80x128xf32, #tpu.memory_space<vmem>> -> memref<1x80x128xf32, #tpu.memory_space<vmem>>
      %dma_wait3A_131 = tpu.memref_squeeze %dma_wait3A_130 : memref<1x80x128xf32, #tpu.memory_space<vmem>> -> memref<80x128xf32, #tpu.memory_space<vmem>>
      tpu.wait_dma2 semaphore(%run_scoped3A_108 : memref<!tpu.dma_semaphore, #tpu.memory_space<semaphore_mem>>) src(%dma_wait3A_131 : memref<80x128xf32, #tpu.memory_space<vmem>>) dst(%dma_wait3A_127 : memref<80x128xf32, #tpu.memory_space<vmem_shared>>)
      tpu.yield
    }) : () -> ()
    %mul3A_32 = arith.constant 640 : i32
    %mul3A_33 = arith.muli %arg1, %mul3A_32 : i32
    %add3A_34 = arith.constant 480 : i32
    %add3A_35 = arith.addi %mul3A_33, %add3A_34 : i32
    %run_scoped3A_36 = arith.constant 0 : i32
    "tpu.region"() ({
      %run_scoped3A_108 = tpu.sem_alloc : memref<!tpu.dma_semaphore, #tpu.memory_space<semaphore_mem>>
      %dma_start3A_109 = arith.constant 0 : i32
      %dma_start3A_110 = arith.constant 0 : i32
      %dma_start3A_111 = tpu.memref_slice %arg9[%run_scoped3A_36, %dma_start3A_109, %dma_start3A_110] : memref<2x80x128xf32, #tpu.memory_space<vmem>> -> memref<1x80x128xf32, #tpu.memory_space<vmem>>
      %dma_start3A_112 = tpu.memref_squeeze %dma_start3A_111 : memref<1x80x128xf32, #tpu.memory_space<vmem>> -> memref<80x128xf32, #tpu.memory_space<vmem>>
      %dma_start3A_113 = arith.constant 0 : i32
      %dma_start3A_114 = tpu.memref_slice %arg6[%add3A_35, %dma_start3A_113] : memref<10240x128xf32, #tpu.memory_space<vmem_shared>> -> memref<80x128xf32, #tpu.memory_space<vmem_shared>>
      %dma_start3A_115 = arith.constant 0 : i32
      %dma_start3A_116 = tpu.memref_slice %arg6[%add3A_35, %dma_start3A_115] : memref<10240x128xf32, #tpu.memory_space<vmem_shared>> -> memref<80x128xf32, #tpu.memory_space<vmem_shared>>
      %dma_start3A_117 = arith.constant 0 : i32
      %dma_start3A_118 = arith.constant 0 : i32
      %dma_start3A_119 = tpu.memref_slice %arg9[%run_scoped3A_36, %dma_start3A_117, %dma_start3A_118] : memref<2x80x128xf32, #tpu.memory_space<vmem>> -> memref<1x80x128xf32, #tpu.memory_space<vmem>>
      %dma_start3A_120 = tpu.memref_squeeze %dma_start3A_119 : memref<1x80x128xf32, #tpu.memory_space<vmem>> -> memref<80x128xf32, #tpu.memory_space<vmem>>
      tpu.enqueue_dma source(%dma_start3A_120 : memref<80x128xf32, #tpu.memory_space<vmem>>) target(%dma_start3A_116 : memref<80x128xf32, #tpu.memory_space<vmem_shared>>) target_semaphore(%run_scoped3A_108 : memref<!tpu.dma_semaphore, #tpu.memory_space<semaphore_mem>>)
      %dma_wait3A = arith.constant 0 : i32
      %dma_wait3A_121 = arith.constant 0 : i32
      %dma_wait3A_122 = tpu.memref_slice %arg9[%run_scoped3A_36, %dma_wait3A, %dma_wait3A_121] : memref<2x80x128xf32, #tpu.memory_space<vmem>> -> memref<1x80x128xf32, #tpu.memory_space<vmem>>
      %dma_wait3A_123 = tpu.memref_squeeze %dma_wait3A_122 : memref<1x80x128xf32, #tpu.memory_space<vmem>> -> memref<80x128xf32, #tpu.memory_space<vmem>>
      %dma_wait3A_124 = arith.constant 0 : i32
      %dma_wait3A_125 = tpu.memref_slice %arg6[%add3A_35, %dma_wait3A_124] : memref<10240x128xf32, #tpu.memory_space<vmem_shared>> -> memref<80x128xf32, #tpu.memory_space<vmem_shared>>
      %dma_wait3A_126 = arith.constant 0 : i32
      %dma_wait3A_127 = tpu.memref_slice %arg6[%add3A_35, %dma_wait3A_126] : memref<10240x128xf32, #tpu.memory_space<vmem_shared>> -> memref<80x128xf32, #tpu.memory_space<vmem_shared>>
      %dma_wait3A_128 = arith.constant 0 : i32
      %dma_wait3A_129 = arith.constant 0 : i32
      %dma_wait3A_130 = tpu.memref_slice %arg9[%run_scoped3A_36, %dma_wait3A_128, %dma_wait3A_129] : memref<2x80x128xf32, #tpu.memory_space<vmem>> -> memref<1x80x128xf32, #tpu.memory_space<vmem>>
      %dma_wait3A_131 = tpu.memref_squeeze %dma_wait3A_130 : memref<1x80x128xf32, #tpu.memory_space<vmem>> -> memref<80x128xf32, #tpu.memory_space<vmem>>
      tpu.wait_dma2 semaphore(%run_scoped3A_108 : memref<!tpu.dma_semaphore, #tpu.memory_space<semaphore_mem>>) src(%dma_wait3A_131 : memref<80x128xf32, #tpu.memory_space<vmem>>) dst(%dma_wait3A_127 : memref<80x128xf32, #tpu.memory_space<vmem_shared>>)
      tpu.yield
    }) : () -> ()
    %mul3A_37 = arith.constant 640 : i32
    %mul3A_38 = arith.muli %arg1, %mul3A_37 : i32
    %add3A_39 = arith.constant 560 : i32
    %add3A_40 = arith.addi %mul3A_38, %add3A_39 : i32
    %run_scoped3A_41 = arith.constant 0 : i32
    "tpu.region"() ({
      %run_scoped3A_108 = tpu.sem_alloc : memref<!tpu.dma_semaphore, #tpu.memory_space<semaphore_mem>>
      %dma_start3A_109 = arith.constant 0 : i32
      %dma_start3A_110 = arith.constant 0 : i32
      %dma_start3A_111 = tpu.memref_slice %arg9[%run_scoped3A_41, %dma_start3A_109, %dma_start3A_110] : memref<2x80x128xf32, #tpu.memory_space<vmem>> -> memref<1x80x128xf32, #tpu.memory_space<vmem>>
      %dma_start3A_112 = tpu.memref_squeeze %dma_start3A_111 : memref<1x80x128xf32, #tpu.memory_space<vmem>> -> memref<80x128xf32, #tpu.memory_space<vmem>>
      %dma_start3A_113 = arith.constant 0 : i32
      %dma_start3A_114 = tpu.memref_slice %arg6[%add3A_40, %dma_start3A_113] : memref<10240x128xf32, #tpu.memory_space<vmem_shared>> -> memref<80x128xf32, #tpu.memory_space<vmem_shared>>
      %dma_start3A_115 = arith.constant 0 : i32
      %dma_start3A_116 = tpu.memref_slice %arg6[%add3A_40, %dma_start3A_115] : memref<10240x128xf32, #tpu.memory_space<vmem_shared>> -> memref<80x128xf32, #tpu.memory_space<vmem_shared>>
      %dma_start3A_117 = arith.constant 0 : i32
      %dma_start3A_118 = arith.constant 0 : i32
      %dma_start3A_119 = tpu.memref_slice %arg9[%run_scoped3A_41, %dma_start3A_117, %dma_start3A_118] : memref<2x80x128xf32, #tpu.memory_space<vmem>> -> memref<1x80x128xf32, #tpu.memory_space<vmem>>
      %dma_start3A_120 = tpu.memref_squeeze %dma_start3A_119 : memref<1x80x128xf32, #tpu.memory_space<vmem>> -> memref<80x128xf32, #tpu.memory_space<vmem>>
      tpu.enqueue_dma source(%dma_start3A_120 : memref<80x128xf32, #tpu.memory_space<vmem>>) target(%dma_start3A_116 : memref<80x128xf32, #tpu.memory_space<vmem_shared>>) target_semaphore(%run_scoped3A_108 : memref<!tpu.dma_semaphore, #tpu.memory_space<semaphore_mem>>)
      %dma_wait3A = arith.constant 0 : i32
      %dma_wait3A_121 = arith.constant 0 : i32
      %dma_wait3A_122 = tpu.memref_slice %arg9[%run_scoped3A_41, %dma_wait3A, %dma_wait3A_121] : memref<2x80x128xf32, #tpu.memory_space<vmem>> -> memref<1x80x128xf32, #tpu.memory_space<vmem>>
      %dma_wait3A_123 = tpu.memref_squeeze %dma_wait3A_122 : memref<1x80x128xf32, #tpu.memory_space<vmem>> -> memref<80x128xf32, #tpu.memory_space<vmem>>
      %dma_wait3A_124 = arith.constant 0 : i32
      %dma_wait3A_125 = tpu.memref_slice %arg6[%add3A_40, %dma_wait3A_124] : memref<10240x128xf32, #tpu.memory_space<vmem_shared>> -> memref<80x128xf32, #tpu.memory_space<vmem_shared>>
      %dma_wait3A_126 = arith.constant 0 : i32
      %dma_wait3A_127 = tpu.memref_slice %arg6[%add3A_40, %dma_wait3A_126] : memref<10240x128xf32, #tpu.memory_space<vmem_shared>> -> memref<80x128xf32, #tpu.memory_space<vmem_shared>>
      %dma_wait3A_128 = arith.constant 0 : i32
      %dma_wait3A_129 = arith.constant 0 : i32
      %dma_wait3A_130 = tpu.memref_slice %arg9[%run_scoped3A_41, %dma_wait3A_128, %dma_wait3A_129] : memref<2x80x128xf32, #tpu.memory_space<vmem>> -> memref<1x80x128xf32, #tpu.memory_space<vmem>>
      %dma_wait3A_131 = tpu.memref_squeeze %dma_wait3A_130 : memref<1x80x128xf32, #tpu.memory_space<vmem>> -> memref<80x128xf32, #tpu.memory_space<vmem>>
      tpu.wait_dma2 semaphore(%run_scoped3A_108 : memref<!tpu.dma_semaphore, #tpu.memory_space<semaphore_mem>>) src(%dma_wait3A_131 : memref<80x128xf32, #tpu.memory_space<vmem>>) dst(%dma_wait3A_127 : memref<80x128xf32, #tpu.memory_space<vmem_shared>>)
      tpu.yield
    }) : () -> ()
    %barrier3A = arith.constant 0 : index
    tpu.barrier barrier_id(%barrier3A)
    %run_scoped3A_42 = arith.constant 0 : i32
    %run_scoped3A_43 = arith.constant 0 : i32
    "tpu.region"() ({
      %run_scoped3A_108 = tpu.sem_alloc : memref<!tpu.dma_semaphore, #tpu.memory_space<semaphore_mem>>
      %dma_start3A_109 = arith.constant 0 : i32
      %dma_start3A_110 = arith.constant 0 : i32
      %dma_start3A_111 = tpu.memref_slice %arg7[%run_scoped3A_43, %dma_start3A_109, %dma_start3A_110] : memref<2x3x80xi32, #tpu.memory_space<vmem>> -> memref<1x3x80xi32, #tpu.memory_space<vmem>>
      %dma_start3A_112 = tpu.memref_squeeze %dma_start3A_111 : memref<1x3x80xi32, #tpu.memory_space<vmem>> -> memref<3x80xi32, #tpu.memory_space<vmem>>
      %dma_start3A_113 = arith.constant 0 : i32
      %dma_start3A_114 = arith.constant 0 : i32
      %dma_start3A_115 = tpu.memref_slice %arg2[%arg0, %arg1, %run_scoped3A_42, %dma_start3A_113, %dma_start3A_114] : memref<2x16x126x3x80xi32, #tpu.memory_space<hbm>> -> memref<1x1x1x3x80xi32, #tpu.memory_space<hbm>>
      %dma_start3A_116 = tpu.memref_squeeze %dma_start3A_115 : memref<1x1x1x3x80xi32, #tpu.memory_space<hbm>> -> memref<3x80xi32, #tpu.memory_space<hbm>>
      %dma_start3A_117 = arith.constant 0 : i32
      %dma_start3A_118 = arith.constant 0 : i32
      %dma_start3A_119 = tpu.memref_slice %arg7[%run_scoped3A_43, %dma_start3A_117, %dma_start3A_118] : memref<2x3x80xi32, #tpu.memory_space<vmem>> -> memref<1x3x80xi32, #tpu.memory_space<vmem>>
      %dma_start3A_120 = tpu.memref_squeeze %dma_start3A_119 : memref<1x3x80xi32, #tpu.memory_space<vmem>> -> memref<3x80xi32, #tpu.memory_space<vmem>>
      %dma_start3A_121 = arith.constant 0 : i32
      %dma_start3A_122 = arith.constant 0 : i32
      %dma_start3A_123 = tpu.memref_slice %arg2[%arg0, %arg1, %run_scoped3A_42, %dma_start3A_121, %dma_start3A_122] : memref<2x16x126x3x80xi32, #tpu.memory_space<hbm>> -> memref<1x1x1x3x80xi32, #tpu.memory_space<hbm>>
      %dma_start3A_124 = tpu.memref_squeeze %dma_start3A_123 : memref<1x1x1x3x80xi32, #tpu.memory_space<hbm>> -> memref<3x80xi32, #tpu.memory_space<hbm>>
      tpu.enqueue_dma source(%dma_start3A_124 : memref<3x80xi32, #tpu.memory_space<hbm>>) target(%dma_start3A_120 : memref<3x80xi32, #tpu.memory_space<vmem>>) target_semaphore(%run_scoped3A_108 : memref<!tpu.dma_semaphore, #tpu.memory_space<semaphore_mem>>)
      %dma_wait3A = arith.constant 0 : i32
      %dma_wait3A_125 = arith.constant 0 : i32
      %dma_wait3A_126 = tpu.memref_slice %arg7[%run_scoped3A_43, %dma_wait3A, %dma_wait3A_125] : memref<2x3x80xi32, #tpu.memory_space<vmem>> -> memref<1x3x80xi32, #tpu.memory_space<vmem>>
      %dma_wait3A_127 = tpu.memref_squeeze %dma_wait3A_126 : memref<1x3x80xi32, #tpu.memory_space<vmem>> -> memref<3x80xi32, #tpu.memory_space<vmem>>
      %dma_wait3A_128 = arith.constant 0 : i32
      %dma_wait3A_129 = arith.constant 0 : i32
      %dma_wait3A_130 = tpu.memref_slice %arg2[%arg0, %arg1, %run_scoped3A_42, %dma_wait3A_128, %dma_wait3A_129] : memref<2x16x126x3x80xi32, #tpu.memory_space<hbm>> -> memref<1x1x1x3x80xi32, #tpu.memory_space<hbm>>
      %dma_wait3A_131 = tpu.memref_squeeze %dma_wait3A_130 : memref<1x1x1x3x80xi32, #tpu.memory_space<hbm>> -> memref<3x80xi32, #tpu.memory_space<hbm>>
      %dma_wait3A_132 = arith.constant 0 : i32
      %dma_wait3A_133 = arith.constant 0 : i32
      %dma_wait3A_134 = tpu.memref_slice %arg7[%run_scoped3A_43, %dma_wait3A_132, %dma_wait3A_133] : memref<2x3x80xi32, #tpu.memory_space<vmem>> -> memref<1x3x80xi32, #tpu.memory_space<vmem>>
      %dma_wait3A_135 = tpu.memref_squeeze %dma_wait3A_134 : memref<1x3x80xi32, #tpu.memory_space<vmem>> -> memref<3x80xi32, #tpu.memory_space<vmem>>
      %dma_wait3A_136 = arith.constant 0 : i32
      %dma_wait3A_137 = arith.constant 0 : i32
      %dma_wait3A_138 = tpu.memref_slice %arg2[%arg0, %arg1, %run_scoped3A_42, %dma_wait3A_136, %dma_wait3A_137] : memref<2x16x126x3x80xi32, #tpu.memory_space<hbm>> -> memref<1x1x1x3x80xi32, #tpu.memory_space<hbm>>
      %dma_wait3A_139 = tpu.memref_squeeze %dma_wait3A_138 : memref<1x1x1x3x80xi32, #tpu.memory_space<hbm>> -> memref<3x80xi32, #tpu.memory_space<hbm>>
      tpu.wait_dma2 semaphore(%run_scoped3A_108 : memref<!tpu.dma_semaphore, #tpu.memory_space<semaphore_mem>>) src(%dma_wait3A_139 : memref<3x80xi32, #tpu.memory_space<hbm>>) dst(%dma_wait3A_135 : memref<3x80xi32, #tpu.memory_space<vmem>>)
      tpu.yield
    }) : () -> ()
    %dma_start3A = arith.constant 0 : i32
    %dma_start3A_44 = arith.constant 0 : i32
    %dma_start3A_45 = arith.constant 0 : i32
    %dma_start3A_46 = arith.constant 0 : i32
    %dma_start3A_47 = arith.constant 0 : i32
    %dma_start3A_48 = tpu.memref_slice %arg9[%dma_start3A_45, %dma_start3A_46, %dma_start3A_47] : memref<2x80x128xf32, #tpu.memory_space<vmem>> -> memref<1x80x128xf32, #tpu.memory_space<vmem>>
    %dma_start3A_49 = tpu.memref_squeeze %dma_start3A_48 : memref<1x80x128xf32, #tpu.memory_space<vmem>> -> memref<80x128xf32, #tpu.memory_space<vmem>>
    %dma_start3A_50 = arith.constant 0 : i32
    %dma_start3A_51 = tpu.memref_slice %arg7[%dma_start3A, %dma_start3A_44, %dma_start3A_50] : memref<2x3x80xi32, #tpu.memory_space<vmem>> -> memref<1x1x80xi32, #tpu.memory_space<vmem>>
    %dma_start3A_52 = tpu.memref_squeeze %dma_start3A_51 : memref<1x1x80xi32, #tpu.memory_space<vmem>> -> memref<80xi32, #tpu.memory_space<vmem>>
    %dma_start3A_53 = arith.constant 0 : i32
    %dma_start3A_54 = arith.constant 0 : i32
    %dma_start3A_55 = tpu.memref_slice %arg3[%dma_start3A_53, %dma_start3A_54] : memref<20480x128xf32, #tpu.memory_space<hbm>> -> memref<20480x128xf32, #tpu.memory_space<hbm>>
    tpu.enqueue_indirect_dma source(%dma_start3A_55 : memref<20480x128xf32, #tpu.memory_space<hbm>>) target(%dma_start3A_49 : memref<80x128xf32, #tpu.memory_space<vmem>>) offsets(%dma_start3A_52 : memref<80xi32, #tpu.memory_space<vmem>>) semaphore(%arg11 : memref<!tpu.dma_semaphore, #tpu.memory_space<semaphore_mem>>)
    %dma_start3A_56 = arith.constant 0 : i32
    %dma_start3A_57 = arith.constant 1 : i32
    %dma_start3A_58 = arith.constant 0 : i32
    %dma_start3A_59 = arith.constant 0 : i32
    %dma_start3A_60 = arith.constant 0 : i32
    %dma_start3A_61 = tpu.memref_slice %arg10[%dma_start3A_58, %dma_start3A_59, %dma_start3A_60] : memref<2x80x128xf32, #tpu.memory_space<vmem>> -> memref<1x80x128xf32, #tpu.memory_space<vmem>>
    %dma_start3A_62 = tpu.memref_squeeze %dma_start3A_61 : memref<1x80x128xf32, #tpu.memory_space<vmem>> -> memref<80x128xf32, #tpu.memory_space<vmem>>
    %dma_start3A_63 = arith.constant 0 : i32
    %dma_start3A_64 = tpu.memref_slice %arg7[%dma_start3A_56, %dma_start3A_57, %dma_start3A_63] : memref<2x3x80xi32, #tpu.memory_space<vmem>> -> memref<1x1x80xi32, #tpu.memory_space<vmem>>
    %dma_start3A_65 = tpu.memref_squeeze %dma_start3A_64 : memref<1x1x80xi32, #tpu.memory_space<vmem>> -> memref<80xi32, #tpu.memory_space<vmem>>
    %dma_start3A_66 = arith.constant 0 : i32
    %dma_start3A_67 = arith.constant 0 : i32
    %dma_start3A_68 = tpu.memref_slice %arg4[%dma_start3A_66, %dma_start3A_67] : memref<400x128xf32, #tpu.memory_space<hbm>> -> memref<400x128xf32, #tpu.memory_space<hbm>>
    tpu.enqueue_indirect_dma source(%dma_start3A_68 : memref<400x128xf32, #tpu.memory_space<hbm>>) target(%dma_start3A_62 : memref<80x128xf32, #tpu.memory_space<vmem>>) offsets(%dma_start3A_65 : memref<80xi32, #tpu.memory_space<vmem>>) semaphore(%arg13 : memref<!tpu.dma_semaphore, #tpu.memory_space<semaphore_mem>>)
    %run_scoped3A_69 = arith.constant 1 : i32
    %run_scoped3A_70 = arith.constant 1 : i32
    "tpu.region"() ({
      %run_scoped3A_108 = tpu.sem_alloc : memref<!tpu.dma_semaphore, #tpu.memory_space<semaphore_mem>>
      %dma_start3A_109 = arith.constant 0 : i32
      %dma_start3A_110 = arith.constant 0 : i32
      %dma_start3A_111 = tpu.memref_slice %arg7[%run_scoped3A_70, %dma_start3A_109, %dma_start3A_110] : memref<2x3x80xi32, #tpu.memory_space<vmem>> -> memref<1x3x80xi32, #tpu.memory_space<vmem>>
      %dma_start3A_112 = tpu.memref_squeeze %dma_start3A_111 : memref<1x3x80xi32, #tpu.memory_space<vmem>> -> memref<3x80xi32, #tpu.memory_space<vmem>>
      %dma_start3A_113 = arith.constant 0 : i32
      %dma_start3A_114 = arith.constant 0 : i32
      %dma_start3A_115 = tpu.memref_slice %arg2[%arg0, %arg1, %run_scoped3A_69, %dma_start3A_113, %dma_start3A_114] : memref<2x16x126x3x80xi32, #tpu.memory_space<hbm>> -> memref<1x1x1x3x80xi32, #tpu.memory_space<hbm>>
      %dma_start3A_116 = tpu.memref_squeeze %dma_start3A_115 : memref<1x1x1x3x80xi32, #tpu.memory_space<hbm>> -> memref<3x80xi32, #tpu.memory_space<hbm>>
      %dma_start3A_117 = arith.constant 0 : i32
      %dma_start3A_118 = arith.constant 0 : i32
      %dma_start3A_119 = tpu.memref_slice %arg7[%run_scoped3A_70, %dma_start3A_117, %dma_start3A_118] : memref<2x3x80xi32, #tpu.memory_space<vmem>> -> memref<1x3x80xi32, #tpu.memory_space<vmem>>
      %dma_start3A_120 = tpu.memref_squeeze %dma_start3A_119 : memref<1x3x80xi32, #tpu.memory_space<vmem>> -> memref<3x80xi32, #tpu.memory_space<vmem>>
      %dma_start3A_121 = arith.constant 0 : i32
      %dma_start3A_122 = arith.constant 0 : i32
      %dma_start3A_123 = tpu.memref_slice %arg2[%arg0, %arg1, %run_scoped3A_69, %dma_start3A_121, %dma_start3A_122] : memref<2x16x126x3x80xi32, #tpu.memory_space<hbm>> -> memref<1x1x1x3x80xi32, #tpu.memory_space<hbm>>
      %dma_start3A_124 = tpu.memref_squeeze %dma_start3A_123 : memref<1x1x1x3x80xi32, #tpu.memory_space<hbm>> -> memref<3x80xi32, #tpu.memory_space<hbm>>
      tpu.enqueue_dma source(%dma_start3A_124 : memref<3x80xi32, #tpu.memory_space<hbm>>) target(%dma_start3A_120 : memref<3x80xi32, #tpu.memory_space<vmem>>) target_semaphore(%run_scoped3A_108 : memref<!tpu.dma_semaphore, #tpu.memory_space<semaphore_mem>>)
      %dma_wait3A = arith.constant 0 : i32
      %dma_wait3A_125 = arith.constant 0 : i32
      %dma_wait3A_126 = tpu.memref_slice %arg7[%run_scoped3A_70, %dma_wait3A, %dma_wait3A_125] : memref<2x3x80xi32, #tpu.memory_space<vmem>> -> memref<1x3x80xi32, #tpu.memory_space<vmem>>
      %dma_wait3A_127 = tpu.memref_squeeze %dma_wait3A_126 : memref<1x3x80xi32, #tpu.memory_space<vmem>> -> memref<3x80xi32, #tpu.memory_space<vmem>>
      %dma_wait3A_128 = arith.constant 0 : i32
      %dma_wait3A_129 = arith.constant 0 : i32
      %dma_wait3A_130 = tpu.memref_slice %arg2[%arg0, %arg1, %run_scoped3A_69, %dma_wait3A_128, %dma_wait3A_129] : memref<2x16x126x3x80xi32, #tpu.memory_space<hbm>> -> memref<1x1x1x3x80xi32, #tpu.memory_space<hbm>>
      %dma_wait3A_131 = tpu.memref_squeeze %dma_wait3A_130 : memref<1x1x1x3x80xi32, #tpu.memory_space<hbm>> -> memref<3x80xi32, #tpu.memory_space<hbm>>
      %dma_wait3A_132 = arith.constant 0 : i32
      %dma_wait3A_133 = arith.constant 0 : i32
      %dma_wait3A_134 = tpu.memref_slice %arg7[%run_scoped3A_70, %dma_wait3A_132, %dma_wait3A_133] : memref<2x3x80xi32, #tpu.memory_space<vmem>> -> memref<1x3x80xi32, #tpu.memory_space<vmem>>
      %dma_wait3A_135 = tpu.memref_squeeze %dma_wait3A_134 : memref<1x3x80xi32, #tpu.memory_space<vmem>> -> memref<3x80xi32, #tpu.memory_space<vmem>>
      %dma_wait3A_136 = arith.constant 0 : i32
      %dma_wait3A_137 = arith.constant 0 : i32
      %dma_wait3A_138 = tpu.memref_slice %arg2[%arg0, %arg1, %run_scoped3A_69, %dma_wait3A_136, %dma_wait3A_137] : memref<2x16x126x3x80xi32, #tpu.memory_space<hbm>> -> memref<1x1x1x3x80xi32, #tpu.memory_space<hbm>>
      %dma_wait3A_139 = tpu.memref_squeeze %dma_wait3A_138 : memref<1x1x1x3x80xi32, #tpu.memory_space<hbm>> -> memref<3x80xi32, #tpu.memory_space<hbm>>
      tpu.wait_dma2 semaphore(%run_scoped3A_108 : memref<!tpu.dma_semaphore, #tpu.memory_space<semaphore_mem>>) src(%dma_wait3A_139 : memref<3x80xi32, #tpu.memory_space<hbm>>) dst(%dma_wait3A_135 : memref<3x80xi32, #tpu.memory_space<vmem>>)
      tpu.yield
    }) : () -> ()
    %dma_start3A_71 = arith.constant 1 : i32
    %dma_start3A_72 = arith.constant 0 : i32
    %dma_start3A_73 = arith.constant 1 : i32
    %dma_start3A_74 = arith.constant 0 : i32
    %dma_start3A_75 = arith.constant 0 : i32
    %dma_start3A_76 = tpu.memref_slice %arg9[%dma_start3A_73, %dma_start3A_74, %dma_start3A_75] : memref<2x80x128xf32, #tpu.memory_space<vmem>> -> memref<1x80x128xf32, #tpu.memory_space<vmem>>
    %dma_start3A_77 = tpu.memref_squeeze %dma_start3A_76 : memref<1x80x128xf32, #tpu.memory_space<vmem>> -> memref<80x128xf32, #tpu.memory_space<vmem>>
    %dma_start3A_78 = arith.constant 0 : i32
    %dma_start3A_79 = tpu.memref_slice %arg7[%dma_start3A_71, %dma_start3A_72, %dma_start3A_78] : memref<2x3x80xi32, #tpu.memory_space<vmem>> -> memref<1x1x80xi32, #tpu.memory_space<vmem>>
    %dma_start3A_80 = tpu.memref_squeeze %dma_start3A_79 : memref<1x1x80xi32, #tpu.memory_space<vmem>> -> memref<80xi32, #tpu.memory_space<vmem>>
    %dma_start3A_81 = arith.constant 0 : i32
    %dma_start3A_82 = arith.constant 0 : i32
    %dma_start3A_83 = tpu.memref_slice %arg3[%dma_start3A_81, %dma_start3A_82] : memref<20480x128xf32, #tpu.memory_space<hbm>> -> memref<20480x128xf32, #tpu.memory_space<hbm>>
    tpu.enqueue_indirect_dma source(%dma_start3A_83 : memref<20480x128xf32, #tpu.memory_space<hbm>>) target(%dma_start3A_77 : memref<80x128xf32, #tpu.memory_space<vmem>>) offsets(%dma_start3A_80 : memref<80xi32, #tpu.memory_space<vmem>>) semaphore(%arg12 : memref<!tpu.dma_semaphore, #tpu.memory_space<semaphore_mem>>)
    %dma_start3A_84 = arith.constant 1 : i32
    %dma_start3A_85 = arith.constant 1 : i32
    %dma_start3A_86 = arith.constant 1 : i32
    %dma_start3A_87 = arith.constant 0 : i32
    %dma_start3A_88 = arith.constant 0 : i32
    %dma_start3A_89 = tpu.memref_slice %arg10[%dma_start3A_86, %dma_start3A_87, %dma_start3A_88] : memref<2x80x128xf32, #tpu.memory_space<vmem>> -> memref<1x80x128xf32, #tpu.memory_space<vmem>>
    %dma_start3A_90 = tpu.memref_squeeze %dma_start3A_89 : memref<1x80x128xf32, #tpu.memory_space<vmem>> -> memref<80x128xf32, #tpu.memory_space<vmem>>
    %dma_start3A_91 = arith.constant 0 : i32
    %dma_start3A_92 = tpu.memref_slice %arg7[%dma_start3A_84, %dma_start3A_85, %dma_start3A_91] : memref<2x3x80xi32, #tpu.memory_space<vmem>> -> memref<1x1x80xi32, #tpu.memory_space<vmem>>
    %dma_start3A_93 = tpu.memref_squeeze %dma_start3A_92 : memref<1x1x80xi32, #tpu.memory_space<vmem>> -> memref<80xi32, #tpu.memory_space<vmem>>
    %dma_start3A_94 = arith.constant 0 : i32
    %dma_start3A_95 = arith.constant 0 : i32
    %dma_start3A_96 = tpu.memref_slice %arg4[%dma_start3A_94, %dma_start3A_95] : memref<400x128xf32, #tpu.memory_space<hbm>> -> memref<400x128xf32, #tpu.memory_space<hbm>>
    tpu.enqueue_indirect_dma source(%dma_start3A_96 : memref<400x128xf32, #tpu.memory_space<hbm>>) target(%dma_start3A_90 : memref<80x128xf32, #tpu.memory_space<vmem>>) offsets(%dma_start3A_93 : memref<80xi32, #tpu.memory_space<vmem>>) semaphore(%arg14 : memref<!tpu.dma_semaphore, #tpu.memory_space<semaphore_mem>>)
    %scan3A_97 = arith.constant 0 : i32
    %scan3A_98 = arith.constant 0 : i32
    %scan3A_99 = arith.constant 63 : i32
    %scan3A_100 = arith.addi %scan3A_98, %scan3A_99 : i32
    %scan3A_101 = arith.constant 1 : i32
    scf.for %scan3A_108 = %scan3A_98 to %scan3A_100 step %scan3A_101  : i32 {
      %lt3A = arith.constant 62 : i32
      %lt3A_109 = arith.cmpi slt, %scan3A_108, %lt3A : i32
      %mul3A_110 = arith.constant 2 : i32
      %mul3A_111 = arith.muli %mul3A_110, %scan3A_108 : i32
      %add3A_112 = arith.constant 0 : i32
      %add3A_113 = arith.addi %mul3A_111, %add3A_112 : i32
      %dma_wait3A = arith.constant 0 : i32
      %dma_wait3A_114 = arith.constant 0 : i32
      %dma_wait3A_115 = arith.constant 0 : i32
      %dma_wait3A_116 = arith.constant 0 : i32
      %dma_wait3A_117 = arith.constant 0 : i32
      %dma_wait3A_118 = tpu.memref_slice %arg9[%dma_wait3A_115, %dma_wait3A_116, %dma_wait3A_117] : memref<2x80x128xf32, #tpu.memory_space<vmem>> -> memref<1x80x128xf32, #tpu.memory_space<vmem>>
      %dma_wait3A_119 = tpu.memref_squeeze %dma_wait3A_118 : memref<1x80x128xf32, #tpu.memory_space<vmem>> -> memref<80x128xf32, #tpu.memory_space<vmem>>
      %dma_wait3A_120 = arith.constant 0 : i32
      %dma_wait3A_121 = tpu.memref_slice %arg7[%dma_wait3A, %dma_wait3A_114, %dma_wait3A_120] : memref<2x3x80xi32, #tpu.memory_space<vmem>> -> memref<1x1x80xi32, #tpu.memory_space<vmem>>
      %dma_wait3A_122 = tpu.memref_squeeze %dma_wait3A_121 : memref<1x1x80xi32, #tpu.memory_space<vmem>> -> memref<80xi32, #tpu.memory_space<vmem>>
      %dma_wait3A_123 = arith.constant 0 : i32
      %dma_wait3A_124 = arith.constant 0 : i32
      %dma_wait3A_125 = tpu.memref_slice %arg3[%dma_wait3A_123, %dma_wait3A_124] : memref<20480x128xf32, #tpu.memory_space<hbm>> -> memref<20480x128xf32, #tpu.memory_space<hbm>>
      tpu.wait_indirect_dma semaphore(%arg11 : memref<!tpu.dma_semaphore, #tpu.memory_space<semaphore_mem>>) src(%dma_wait3A_125 : memref<20480x128xf32, #tpu.memory_space<hbm>>) dst(%dma_wait3A_119 : memref<80x128xf32, #tpu.memory_space<vmem>>)
      %dma_wait3A_126 = arith.constant 0 : i32
      %dma_wait3A_127 = arith.constant 1 : i32
      %dma_wait3A_128 = arith.constant 0 : i32
      %dma_wait3A_129 = arith.constant 0 : i32
      %dma_wait3A_130 = arith.constant 0 : i32
      %dma_wait3A_131 = tpu.memref_slice %arg10[%dma_wait3A_128, %dma_wait3A_129, %dma_wait3A_130] : memref<2x80x128xf32, #tpu.memory_space<vmem>> -> memref<1x80x128xf32, #tpu.memory_space<vmem>>
      %dma_wait3A_132 = tpu.memref_squeeze %dma_wait3A_131 : memref<1x80x128xf32, #tpu.memory_space<vmem>> -> memref<80x128xf32, #tpu.memory_space<vmem>>
      %dma_wait3A_133 = arith.constant 0 : i32
      %dma_wait3A_134 = tpu.memref_slice %arg7[%dma_wait3A_126, %dma_wait3A_127, %dma_wait3A_133] : memref<2x3x80xi32, #tpu.memory_space<vmem>> -> memref<1x1x80xi32, #tpu.memory_space<vmem>>
      %dma_wait3A_135 = tpu.memref_squeeze %dma_wait3A_134 : memref<1x1x80xi32, #tpu.memory_space<vmem>> -> memref<80xi32, #tpu.memory_space<vmem>>
      %dma_wait3A_136 = arith.constant 0 : i32
      %dma_wait3A_137 = arith.constant 0 : i32
      %dma_wait3A_138 = tpu.memref_slice %arg4[%dma_wait3A_136, %dma_wait3A_137] : memref<400x128xf32, #tpu.memory_space<hbm>> -> memref<400x128xf32, #tpu.memory_space<hbm>>
      tpu.wait_indirect_dma semaphore(%arg13 : memref<!tpu.dma_semaphore, #tpu.memory_space<semaphore_mem>>) src(%dma_wait3A_138 : memref<400x128xf32, #tpu.memory_space<hbm>>) dst(%dma_wait3A_132 : memref<80x128xf32, #tpu.memory_space<vmem>>)
      %get3A = arith.constant 0 : i32
      %get3A_139 = arith.constant 2 : i32
      %get3A_140 = arith.index_cast %get3A : i32 to index
      %get3A_141 = arith.index_cast %get3A_139 : i32 to index
      %get3A_142 = arith.constant 0 : index
      %get3A_143 = tpu.vector_load %arg7[%get3A_140, %get3A_141, %get3A_142] {strides = array<i32>} : memref<2x3x80xi32, #tpu.memory_space<vmem>>, vector<1x1x16xi32>,
      %get3A_144 = vector.shape_cast %get3A_143 : vector<1x1x16xi32> to vector<16xi32>
      %swap3A = arith.constant 0 : i32
      %swap3A_145 = arith.index_cast %swap3A : i32 to index
      %swap3A_146 = arith.constant 0 : index
      %swap3A_147 = tpu.vector_load %arg8[%swap3A_145, %swap3A_146] {strides = array<i32>} : memref<2x80xi32, #tpu.memory_space<vmem>>, vector<1x16xi32>,
      %swap3A_148 = vector.shape_cast %swap3A_147 : vector<1x16xi32> to vector<16xi32>
      %swap3A_149 = vector.shape_cast %get3A_144 : vector<16xi32> to vector<1x16xi32>
      tpu.vector_store %arg8[%swap3A_145, %swap3A_146], %swap3A_149 {strides = array<i32>} : memref<2x80xi32, #tpu.memory_space<vmem>>, vector<1x16xi32>,
      %get3A_150 = arith.constant 0 : i32
      %get3A_151 = arith.constant 2 : i32
      %get3A_152 = arith.index_cast %get3A_150 : i32 to index
      %get3A_153 = arith.index_cast %get3A_151 : i32 to index
      %get3A_154 = arith.constant 16 : index
      %get3A_155 = tpu.vector_load %arg7[%get3A_152, %get3A_153, %get3A_154] {strides = array<i32>} : memref<2x3x80xi32, #tpu.memory_space<vmem>>, vector<1x1x16xi32>,
      %get3A_156 = vector.shape_cast %get3A_155 : vector<1x1x16xi32> to vector<16xi32>
      %swap3A_157 = arith.constant 0 : i32
      %swap3A_158 = arith.index_cast %swap3A_157 : i32 to index
      %swap3A_159 = arith.constant 16 : index
      %swap3A_160 = tpu.vector_load %arg8[%swap3A_158, %swap3A_159] {strides = array<i32>} : memref<2x80xi32, #tpu.memory_space<vmem>>, vector<1x16xi32>,
      %swap3A_161 = vector.shape_cast %swap3A_160 : vector<1x16xi32> to vector<16xi32>
      %swap3A_162 = vector.shape_cast %get3A_156 : vector<16xi32> to vector<1x16xi32>
      tpu.vector_store %arg8[%swap3A_158, %swap3A_159], %swap3A_162 {strides = array<i32>} : memref<2x80xi32, #tpu.memory_space<vmem>>, vector<1x16xi32>,
      %get3A_163 = arith.constant 0 : i32
      %get3A_164 = arith.constant 2 : i32
      %get3A_165 = arith.index_cast %get3A_163 : i32 to index
      %get3A_166 = arith.index_cast %get3A_164 : i32 to index
      %get3A_167 = arith.constant 32 : index
      %get3A_168 = tpu.vector_load %arg7[%get3A_165, %get3A_166, %get3A_167] {strides = array<i32>} : memref<2x3x80xi32, #tpu.memory_space<vmem>>, vector<1x1x16xi32>,
      %get3A_169 = vector.shape_cast %get3A_168 : vector<1x1x16xi32> to vector<16xi32>
      %swap3A_170 = arith.constant 0 : i32
      %swap3A_171 = arith.index_cast %swap3A_170 : i32 to index
      %swap3A_172 = arith.constant 32 : index
      %swap3A_173 = tpu.vector_load %arg8[%swap3A_171, %swap3A_172] {strides = array<i32>} : memref<2x80xi32, #tpu.memory_space<vmem>>, vector<1x16xi32>,
      %swap3A_174 = vector.shape_cast %swap3A_173 : vector<1x16xi32> to vector<16xi32>
      %swap3A_175 = vector.shape_cast %get3A_169 : vector<16xi32> to vector<1x16xi32>
      tpu.vector_store %arg8[%swap3A_171, %swap3A_172], %swap3A_175 {strides = array<i32>} : memref<2x80xi32, #tpu.memory_space<vmem>>, vector<1x16xi32>,
      %get3A_176 = arith.constant 0 : i32
      %get3A_177 = arith.constant 2 : i32
      %get3A_178 = arith.index_cast %get3A_176 : i32 to index
      %get3A_179 = arith.index_cast %get3A_177 : i32 to index
      %get3A_180 = arith.constant 48 : index
      %get3A_181 = tpu.vector_load %arg7[%get3A_178, %get3A_179, %get3A_180] {strides = array<i32>} : memref<2x3x80xi32, #tpu.memory_space<vmem>>, vector<1x1x16xi32>,
      %get3A_182 = vector.shape_cast %get3A_181 : vector<1x1x16xi32> to vector<16xi32>
      %swap3A_183 = arith.constant 0 : i32
      %swap3A_184 = arith.index_cast %swap3A_183 : i32 to index
      %swap3A_185 = arith.constant 48 : index
      %swap3A_186 = tpu.vector_load %arg8[%swap3A_184, %swap3A_185] {strides = array<i32>} : memref<2x80xi32, #tpu.memory_space<vmem>>, vector<1x16xi32>,
      %swap3A_187 = vector.shape_cast %swap3A_186 : vector<1x16xi32> to vector<16xi32>
      %swap3A_188 = vector.shape_cast %get3A_182 : vector<16xi32> to vector<1x16xi32>
      tpu.vector_store %arg8[%swap3A_184, %swap3A_185], %swap3A_188 {strides = array<i32>} : memref<2x80xi32, #tpu.memory_space<vmem>>, vector<1x16xi32>,
      %get3A_189 = arith.constant 0 : i32
      %get3A_190 = arith.constant 2 : i32
      %get3A_191 = arith.index_cast %get3A_189 : i32 to index
      %get3A_192 = arith.index_cast %get3A_190 : i32 to index
      %get3A_193 = arith.constant 64 : index
      %get3A_194 = tpu.vector_load %arg7[%get3A_191, %get3A_192, %get3A_193] {strides = array<i32>} : memref<2x3x80xi32, #tpu.memory_space<vmem>>, vector<1x1x16xi32>,
      %get3A_195 = vector.shape_cast %get3A_194 : vector<1x1x16xi32> to vector<16xi32>
      %swap3A_196 = arith.constant 0 : i32
      %swap3A_197 = arith.index_cast %swap3A_196 : i32 to index
      %swap3A_198 = arith.constant 64 : index
      %swap3A_199 = tpu.vector_load %arg8[%swap3A_197, %swap3A_198] {strides = array<i32>} : memref<2x80xi32, #tpu.memory_space<vmem>>, vector<1x16xi32>,
      %swap3A_200 = vector.shape_cast %swap3A_199 : vector<1x16xi32> to vector<16xi32>
      %swap3A_201 = vector.shape_cast %get3A_195 : vector<16xi32> to vector<1x16xi32>
      tpu.vector_store %arg8[%swap3A_197, %swap3A_198], %swap3A_201 {strides = array<i32>} : memref<2x80xi32, #tpu.memory_space<vmem>>, vector<1x16xi32>,
      %scan3A_202 = arith.constant 0 : i32
      %scan3A_203 = arith.constant 0 : i32
      %scan3A_204 = arith.constant 80 : i32
      %scan3A_205 = arith.addi %scan3A_203, %scan3A_204 : i32
      %scan3A_206 = arith.constant 1 : i32
      scf.for %scan3A_367 = %scan3A_203 to %scan3A_205 step %scan3A_206  : i32 {
        %get3A_368 = arith.constant 0 : i32
        %get3A_369 = arith.index_cast %get3A_368 : i32 to index
        %get3A_370 = arith.index_cast %scan3A_367 : i32 to index
        %get3A_371 = arith.constant 0 : index
        %get3A_372 = tpu.vector_load %arg9[%get3A_369, %get3A_370, %get3A_371] {strides = array<i32>} : memref<2x80x128xf32, #tpu.memory_space<vmem>>, vector<1x1x16xf32>,
        %get3A_373 = vector.shape_cast %get3A_372 : vector<1x1x16xf32> to vector<16xf32>
        %get3A_374 = arith.constant 0 : i32
        %get3A_375 = arith.index_cast %get3A_374 : i32 to index
        %get3A_376 = arith.index_cast %scan3A_367 : i32 to index
        %get3A_377 = arith.constant 0 : index
        %get3A_378 = tpu.vector_load %arg10[%get3A_375, %get3A_376, %get3A_377] {strides = array<i32>} : memref<2x80x128xf32, #tpu.memory_space<vmem>>, vector<1x1x16xf32>,
        %get3A_379 = vector.shape_cast %get3A_378 : vector<1x1x16xf32> to vector<16xf32>
        %mul3A_380 = arith.mulf %get3A_373, %get3A_379 : vector<16xf32>
        %swap3A_381 = arith.constant 0 : i32
        %swap3A_382 = arith.index_cast %swap3A_381 : i32 to index
        %swap3A_383 = arith.index_cast %scan3A_367 : i32 to index
        %swap3A_384 = arith.constant 0 : index
        %swap3A_385 = tpu.vector_load %arg10[%swap3A_382, %swap3A_383, %swap3A_384] {strides = array<i32>} : memref<2x80x128xf32, #tpu.memory_space<vmem>>, vector<1x1x16xf32>,
        %swap3A_386 = vector.shape_cast %swap3A_385 : vector<1x1x16xf32> to vector<16xf32>
        %swap3A_387 = vector.shape_cast %mul3A_380 : vector<16xf32> to vector<1x1x16xf32>
        tpu.vector_store %arg10[%swap3A_382, %swap3A_383, %swap3A_384], %swap3A_387 {strides = array<i32>} : memref<2x80x128xf32, #tpu.memory_space<vmem>>, vector<1x1x16xf32>,
        %get3A_388 = arith.constant 0 : i32
        %get3A_389 = arith.index_cast %get3A_388 : i32 to index
        %get3A_390 = arith.index_cast %scan3A_367 : i32 to index
        %get3A_391 = arith.constant 16 : index
        %get3A_392 = tpu.vector_load %arg9[%get3A_389, %get3A_390, %get3A_391] {strides = array<i32>} : memref<2x80x128xf32, #tpu.memory_space<vmem>>, vector<1x1x16xf32>,
        %get3A_393 = vector.shape_cast %get3A_392 : vector<1x1x16xf32> to vector<16xf32>
        %get3A_394 = arith.constant 0 : i32
        %get3A_395 = arith.index_cast %get3A_394 : i32 to index
        %get3A_396 = arith.index_cast %scan3A_367 : i32 to index
        %get3A_397 = arith.constant 16 : index
        %get3A_398 = tpu.vector_load %arg10[%get3A_395, %get3A_396, %get3A_397] {strides = array<i32>} : memref<2x80x128xf32, #tpu.memory_space<vmem>>, vector<1x1x16xf32>,
        %get3A_399 = vector.shape_cast %get3A_398 : vector<1x1x16xf32> to vector<16xf32>
        %mul3A_400 = arith.mulf %get3A_393, %get3A_399 : vector<16xf32>
        %swap3A_401 = arith.constant 0 : i32
        %swap3A_402 = arith.index_cast %swap3A_401 : i32 to index
        %swap3A_403 = arith.index_cast %scan3A_367 : i32 to index
        %swap3A_404 = arith.constant 16 : index
        %swap3A_405 = tpu.vector_load %arg10[%swap3A_402, %swap3A_403, %swap3A_404] {strides = array<i32>} : memref<2x80x128xf32, #tpu.memory_space<vmem>>, vector<1x1x16xf32>,
        %swap3A_406 = vector.shape_cast %swap3A_405 : vector<1x1x16xf32> to vector<16xf32>
        %swap3A_407 = vector.shape_cast %mul3A_400 : vector<16xf32> to vector<1x1x16xf32>
        tpu.vector_store %arg10[%swap3A_402, %swap3A_403, %swap3A_404], %swap3A_407 {strides = array<i32>} : memref<2x80x128xf32, #tpu.memory_space<vmem>>, vector<1x1x16xf32>,
        %get3A_408 = arith.constant 0 : i32
        %get3A_409 = arith.index_cast %get3A_408 : i32 to index
        %get3A_410 = arith.index_cast %scan3A_367 : i32 to index
        %get3A_411 = arith.constant 32 : index
        %get3A_412 = tpu.vector_load %arg9[%get3A_409, %get3A_410, %get3A_411] {strides = array<i32>} : memref<2x80x128xf32, #tpu.memory_space<vmem>>, vector<1x1x16xf32>,
        %get3A_413 = vector.shape_cast %get3A_412 : vector<1x1x16xf32> to vector<16xf32>
        %get3A_414 = arith.constant 0 : i32
        %get3A_415 = arith.index_cast %get3A_414 : i32 to index
        %get3A_416 = arith.index_cast %scan3A_367 : i32 to index
        %get3A_417 = arith.constant 32 : index
        %get3A_418 = tpu.vector_load %arg10[%get3A_415, %get3A_416, %get3A_417] {strides = array<i32>} : memref<2x80x128xf32, #tpu.memory_space<vmem>>, vector<1x1x16xf32>,
        %get3A_419 = vector.shape_cast %get3A_418 : vector<1x1x16xf32> to vector<16xf32>
        %mul3A_420 = arith.mulf %get3A_413, %get3A_419 : vector<16xf32>
        %swap3A_421 = arith.constant 0 : i32
        %swap3A_422 = arith.index_cast %swap3A_421 : i32 to index
        %swap3A_423 = arith.index_cast %scan3A_367 : i32 to index
        %swap3A_424 = arith.constant 32 : index
        %swap3A_425 = tpu.vector_load %arg10[%swap3A_422, %swap3A_423, %swap3A_424] {strides = array<i32>} : memref<2x80x128xf32, #tpu.memory_space<vmem>>, vector<1x1x16xf32>,
        %swap3A_426 = vector.shape_cast %swap3A_425 : vector<1x1x16xf32> to vector<16xf32>
        %swap3A_427 = vector.shape_cast %mul3A_420 : vector<16xf32> to vector<1x1x16xf32>
        tpu.vector_store %arg10[%swap3A_422, %swap3A_423, %swap3A_424], %swap3A_427 {strides = array<i32>} : memref<2x80x128xf32, #tpu.memory_space<vmem>>, vector<1x1x16xf32>,
        %get3A_428 = arith.constant 0 : i32
        %get3A_429 = arith.index_cast %get3A_428 : i32 to index
        %get3A_430 = arith.index_cast %scan3A_367 : i32 to index
        %get3A_431 = arith.constant 48 : index
        %get3A_432 = tpu.vector_load %arg9[%get3A_429, %get3A_430, %get3A_431] {strides = array<i32>} : memref<2x80x128xf32, #tpu.memory_space<vmem>>, vector<1x1x16xf32>,
        %get3A_433 = vector.shape_cast %get3A_432 : vector<1x1x16xf32> to vector<16xf32>
        %get3A_434 = arith.constant 0 : i32
        %get3A_435 = arith.index_cast %get3A_434 : i32 to index
        %get3A_436 = arith.index_cast %scan3A_367 : i32 to index
        %get3A_437 = arith.constant 48 : index
        %get3A_438 = tpu.vector_load %arg10[%get3A_435, %get3A_436, %get3A_437] {strides = array<i32>} : memref<2x80x128xf32, #tpu.memory_space<vmem>>, vector<1x1x16xf32>,
        %get3A_439 = vector.shape_cast %get3A_438 : vector<1x1x16xf32> to vector<16xf32>
        %mul3A_440 = arith.mulf %get3A_433, %get3A_439 : vector<16xf32>
        %swap3A_441 = arith.constant 0 : i32
        %swap3A_442 = arith.index_cast %swap3A_441 : i32 to index
        %swap3A_443 = arith.index_cast %scan3A_367 : i32 to index
        %swap3A_444 = arith.constant 48 : index
        %swap3A_445 = tpu.vector_load %arg10[%swap3A_442, %swap3A_443, %swap3A_444] {strides = array<i32>} : memref<2x80x128xf32, #tpu.memory_space<vmem>>, vector<1x1x16xf32>,
        %swap3A_446 = vector.shape_cast %swap3A_445 : vector<1x1x16xf32> to vector<16xf32>
        %swap3A_447 = vector.shape_cast %mul3A_440 : vector<16xf32> to vector<1x1x16xf32>
        tpu.vector_store %arg10[%swap3A_442, %swap3A_443, %swap3A_444], %swap3A_447 {strides = array<i32>} : memref<2x80x128xf32, #tpu.memory_space<vmem>>, vector<1x1x16xf32>,
        %get3A_448 = arith.constant 0 : i32
        %get3A_449 = arith.index_cast %get3A_448 : i32 to index
        %get3A_450 = arith.index_cast %scan3A_367 : i32 to index
        %get3A_451 = arith.constant 64 : index
        %get3A_452 = tpu.vector_load %arg9[%get3A_449, %get3A_450, %get3A_451] {strides = array<i32>} : memref<2x80x128xf32, #tpu.memory_space<vmem>>, vector<1x1x16xf32>,
        %get3A_453 = vector.shape_cast %get3A_452 : vector<1x1x16xf32> to vector<16xf32>
        %get3A_454 = arith.constant 0 : i32
        %get3A_455 = arith.index_cast %get3A_454 : i32 to index
        %get3A_456 = arith.index_cast %scan3A_367 : i32 to index
        %get3A_457 = arith.constant 64 : index
        %get3A_458 = tpu.vector_load %arg10[%get3A_455, %get3A_456, %get3A_457] {strides = array<i32>} : memref<2x80x128xf32, #tpu.memory_space<vmem>>, vector<1x1x16xf32>,
        %get3A_459 = vector.shape_cast %get3A_458 : vector<1x1x16xf32> to vector<16xf32>
        %mul3A_460 = arith.mulf %get3A_453, %get3A_459 : vector<16xf32>
        %swap3A_461 = arith.constant 0 : i32
        %swap3A_462 = arith.index_cast %swap3A_461 : i32 to index
        %swap3A_463 = arith.index_cast %scan3A_367 : i32 to index
        %swap3A_464 = arith.constant 64 : index
        %swap3A_465 = tpu.vector_load %arg10[%swap3A_462, %swap3A_463, %swap3A_464] {strides = array<i32>} : memref<2x80x128xf32, #tpu.memory_space<vmem>>, vector<1x1x16xf32>,
        %swap3A_466 = vector.shape_cast %swap3A_465 : vector<1x1x16xf32> to vector<16xf32>
        %swap3A_467 = vector.shape_cast %mul3A_460 : vector<16xf32> to vector<1x1x16xf32>
        tpu.vector_store %arg10[%swap3A_462, %swap3A_463, %swap3A_464], %swap3A_467 {strides = array<i32>} : memref<2x80x128xf32, #tpu.memory_space<vmem>>, vector<1x1x16xf32>,
        %get3A_468 = arith.constant 0 : i32
        %get3A_469 = arith.index_cast %get3A_468 : i32 to index
        %get3A_470 = arith.index_cast %scan3A_367 : i32 to index
        %get3A_471 = arith.constant 80 : index
        %get3A_472 = tpu.vector_load %arg9[%get3A_469, %get3A_470, %get3A_471] {strides = array<i32>} : memref<2x80x128xf32, #tpu.memory_space<vmem>>, vector<1x1x16xf32>,
        %get3A_473 = vector.shape_cast %get3A_472 : vector<1x1x16xf32> to vector<16xf32>
        %get3A_474 = arith.constant 0 : i32
        %get3A_475 = arith.index_cast %get3A_474 : i32 to index
        %get3A_476 = arith.index_cast %scan3A_367 : i32 to index
        %get3A_477 = arith.constant 80 : index
        %get3A_478 = tpu.vector_load %arg10[%get3A_475, %get3A_476, %get3A_477] {strides = array<i32>} : memref<2x80x128xf32, #tpu.memory_space<vmem>>, vector<1x1x16xf32>,
        %get3A_479 = vector.shape_cast %get3A_478 : vector<1x1x16xf32> to vector<16xf32>
        %mul3A_480 = arith.mulf %get3A_473, %get3A_479 : vector<16xf32>
        %swap3A_481 = arith.constant 0 : i32
        %swap3A_482 = arith.index_cast %swap3A_481 : i32 to index
        %swap3A_483 = arith.index_cast %scan3A_367 : i32 to index
        %swap3A_484 = arith.constant 80 : index
        %swap3A_485 = tpu.vector_load %arg10[%swap3A_482, %swap3A_483, %swap3A_484] {strides = array<i32>} : memref<2x80x128xf32, #tpu.memory_space<vmem>>, vector<1x1x16xf32>,
        %swap3A_486 = vector.shape_cast %swap3A_485 : vector<1x1x16xf32> to vector<16xf32>
        %swap3A_487 = vector.shape_cast %mul3A_480 : vector<16xf32> to vector<1x1x16xf32>
        tpu.vector_store %arg10[%swap3A_482, %swap3A_483, %swap3A_484], %swap3A_487 {strides = array<i32>} : memref<2x80x128xf32, #tpu.memory_space<vmem>>, vector<1x1x16xf32>,
        %get3A_488 = arith.constant 0 : i32
        %get3A_489 = arith.index_cast %get3A_488 : i32 to index
        %get3A_490 = arith.index_cast %scan3A_367 : i32 to index
        %get3A_491 = arith.constant 96 : index
        %get3A_492 = tpu.vector_load %arg9[%get3A_489, %get3A_490, %get3A_491] {strides = array<i32>} : memref<2x80x128xf32, #tpu.memory_space<vmem>>, vector<1x1x16xf32>,
        %get3A_493 = vector.shape_cast %get3A_492 : vector<1x1x16xf32> to vector<16xf32>
        %get3A_494 = arith.constant 0 : i32
        %get3A_495 = arith.index_cast %get3A_494 : i32 to index
        %get3A_496 = arith.index_cast %scan3A_367 : i32 to index
        %get3A_497 = arith.constant 96 : index
        %get3A_498 = tpu.vector_load %arg10[%get3A_495, %get3A_496, %get3A_497] {strides = array<i32>} : memref<2x80x128xf32, #tpu.memory_space<vmem>>, vector<1x1x16xf32>,
        %get3A_499 = vector.shape_cast %get3A_498 : vector<1x1x16xf32> to vector<16xf32>
        %mul3A_500 = arith.mulf %get3A_493, %get3A_499 : vector<16xf32>
        %swap3A_501 = arith.constant 0 : i32
        %swap3A_502 = arith.index_cast %swap3A_501 : i32 to index
        %swap3A_503 = arith.index_cast %scan3A_367 : i32 to index
        %swap3A_504 = arith.constant 96 : index
        %swap3A_505 = tpu.vector_load %arg10[%swap3A_502, %swap3A_503, %swap3A_504] {strides = array<i32>} : memref<2x80x128xf32, #tpu.memory_space<vmem>>, vector<1x1x16xf32>,
        %swap3A_506 = vector.shape_cast %swap3A_505 : vector<1x1x16xf32> to vector<16xf32>
        %swap3A_507 = vector.shape_cast %mul3A_500 : vector<16xf32> to vector<1x1x16xf32>
        tpu.vector_store %arg10[%swap3A_502, %swap3A_503, %swap3A_504], %swap3A_507 {strides = array<i32>} : memref<2x80x128xf32, #tpu.memory_space<vmem>>, vector<1x1x16xf32>,
        %get3A_508 = arith.constant 0 : i32
        %get3A_509 = arith.index_cast %get3A_508 : i32 to index
        %get3A_510 = arith.index_cast %scan3A_367 : i32 to index
        %get3A_511 = arith.constant 112 : index
        %get3A_512 = tpu.vector_load %arg9[%get3A_509, %get3A_510, %get3A_511] {strides = array<i32>} : memref<2x80x128xf32, #tpu.memory_space<vmem>>, vector<1x1x16xf32>,
        %get3A_513 = vector.shape_cast %get3A_512 : vector<1x1x16xf32> to vector<16xf32>
        %get3A_514 = arith.constant 0 : i32
        %get3A_515 = arith.index_cast %get3A_514 : i32 to index
        %get3A_516 = arith.index_cast %scan3A_367 : i32 to index
        %get3A_517 = arith.constant 112 : index
        %get3A_518 = tpu.vector_load %arg10[%get3A_515, %get3A_516, %get3A_517] {strides = array<i32>} : memref<2x80x128xf32, #tpu.memory_space<vmem>>, vector<1x1x16xf32>,
        %get3A_519 = vector.shape_cast %get3A_518 : vector<1x1x16xf32> to vector<16xf32>
        %mul3A_520 = arith.mulf %get3A_513, %get3A_519 : vector<16xf32>
        %swap3A_521 = arith.constant 0 : i32
        %swap3A_522 = arith.index_cast %swap3A_521 : i32 to index
        %swap3A_523 = arith.index_cast %scan3A_367 : i32 to index
        %swap3A_524 = arith.constant 112 : index
        %swap3A_525 = tpu.vector_load %arg10[%swap3A_522, %swap3A_523, %swap3A_524] {strides = array<i32>} : memref<2x80x128xf32, #tpu.memory_space<vmem>>, vector<1x1x16xf32>,
        %swap3A_526 = vector.shape_cast %swap3A_525 : vector<1x1x16xf32> to vector<16xf32>
        %swap3A_527 = vector.shape_cast %mul3A_520 : vector<16xf32> to vector<1x1x16xf32>
        tpu.vector_store %arg10[%swap3A_522, %swap3A_523, %swap3A_524], %swap3A_527 {strides = array<i32>} : memref<2x80x128xf32, #tpu.memory_space<vmem>>, vector<1x1x16xf32>,
      }
      %scan3A_207 = arith.constant 80 : i32
      %dma_start3A_208 = arith.constant 0 : i32
      %dma_start3A_209 = arith.constant 0 : i32
      %dma_start3A_210 = arith.constant 0 : i32
      %dma_start3A_211 = arith.constant 0 : i32
      %dma_start3A_212 = tpu.memref_slice %arg10[%dma_start3A_208, %dma_start3A_210, %dma_start3A_211] : memref<2x80x128xf32, #tpu.memory_space<vmem>> -> memref<1x80x128xf32, #tpu.memory_space<vmem>>
      %dma_start3A_213 = tpu.memref_squeeze %dma_start3A_212 : memref<1x80x128xf32, #tpu.memory_space<vmem>> -> memref<80x128xf32, #tpu.memory_space<vmem>>
      %dma_start3A_214 = arith.constant 0 : i32
      %dma_start3A_215 = tpu.memref_slice %arg8[%dma_start3A_209, %dma_start3A_214] : memref<2x80xi32, #tpu.memory_space<vmem>> -> memref<1x80xi32, #tpu.memory_space<vmem>>
      %dma_start3A_216 = tpu.memref_squeeze %dma_start3A_215 : memref<1x80xi32, #tpu.memory_space<vmem>> -> memref<80xi32, #tpu.memory_space<vmem>>
      %dma_start3A_217 = arith.constant 0 : i32
      %dma_start3A_218 = arith.constant 0 : i32
      %dma_start3A_219 = tpu.memref_slice %arg6[%dma_start3A_217, %dma_start3A_218] : memref<10240x128xf32, #tpu.memory_space<vmem_shared>> -> memref<10240x128xf32, #tpu.memory_space<vmem_shared>>
      tpu.enqueue_indirect_dma source(%dma_start3A_213 : memref<80x128xf32, #tpu.memory_space<vmem>>) target(%dma_start3A_219 : memref<10240x128xf32, #tpu.memory_space<vmem_shared>>) offsets(%dma_start3A_216 : memref<80xi32, #tpu.memory_space<vmem>>) semaphore(%arg15 : memref<!tpu.dma_semaphore, #tpu.memory_space<semaphore_mem>>) {add = true}
      %convert_element_type3A = arith.extui %lt3A_109 : i1 to i32
      %cond3A = arith.constant 0 : i32
      %cond3A_220 = arith.cmpi ne, %convert_element_type3A, %cond3A : i32
      scf.if %cond3A_220 {
        %add3A_367 = arith.constant 2 : i32
        %add3A_368 = arith.addi %add3A_113, %add3A_367 : i32
        %run_scoped3A_369 = arith.constant 0 : i32
        "tpu.region"() ({
          %run_scoped3A_383 = tpu.sem_alloc : memref<!tpu.dma_semaphore, #tpu.memory_space<semaphore_mem>>
          %dma_start3A_384 = arith.constant 0 : i32
          %dma_start3A_385 = arith.constant 0 : i32
          %dma_start3A_386 = tpu.memref_slice %arg7[%run_scoped3A_369, %dma_start3A_384, %dma_start3A_385] : memref<2x3x80xi32, #tpu.memory_space<vmem>> -> memref<1x3x80xi32, #tpu.memory_space<vmem>>
          %dma_start3A_387 = tpu.memref_squeeze %dma_start3A_386 : memref<1x3x80xi32, #tpu.memory_space<vmem>> -> memref<3x80xi32, #tpu.memory_space<vmem>>
          %dma_start3A_388 = arith.constant 0 : i32
          %dma_start3A_389 = arith.constant 0 : i32
          %dma_start3A_390 = tpu.memref_slice %arg2[%arg0, %arg1, %add3A_368, %dma_start3A_388, %dma_start3A_389] : memref<2x16x126x3x80xi32, #tpu.memory_space<hbm>> -> memref<1x1x1x3x80xi32, #tpu.memory_space<hbm>>
          %dma_start3A_391 = tpu.memref_squeeze %dma_start3A_390 : memref<1x1x1x3x80xi32, #tpu.memory_space<hbm>> -> memref<3x80xi32, #tpu.memory_space<hbm>>
          %dma_start3A_392 = arith.constant 0 : i32
          %dma_start3A_393 = arith.constant 0 : i32
          %dma_start3A_394 = tpu.memref_slice %arg7[%run_scoped3A_369, %dma_start3A_392, %dma_start3A_393] : memref<2x3x80xi32, #tpu.memory_space<vmem>> -> memref<1x3x80xi32, #tpu.memory_space<vmem>>
          %dma_start3A_395 = tpu.memref_squeeze %dma_start3A_394 : memref<1x3x80xi32, #tpu.memory_space<vmem>> -> memref<3x80xi32, #tpu.memory_space<vmem>>
          %dma_start3A_396 = arith.constant 0 : i32
          %dma_start3A_397 = arith.constant 0 : i32
          %dma_start3A_398 = tpu.memref_slice %arg2[%arg0, %arg1, %add3A_368, %dma_start3A_396, %dma_start3A_397] : memref<2x16x126x3x80xi32, #tpu.memory_space<hbm>> -> memref<1x1x1x3x80xi32, #tpu.memory_space<hbm>>
          %dma_start3A_399 = tpu.memref_squeeze %dma_start3A_398 : memref<1x1x1x3x80xi32, #tpu.memory_space<hbm>> -> memref<3x80xi32, #tpu.memory_space<hbm>>
          tpu.enqueue_dma source(%dma_start3A_399 : memref<3x80xi32, #tpu.memory_space<hbm>>) target(%dma_start3A_395 : memref<3x80xi32, #tpu.memory_space<vmem>>) target_semaphore(%run_scoped3A_383 : memref<!tpu.dma_semaphore, #tpu.memory_space<semaphore_mem>>)
          %dma_wait3A_400 = arith.constant 0 : i32
          %dma_wait3A_401 = arith.constant 0 : i32
          %dma_wait3A_402 = tpu.memref_slice %arg7[%run_scoped3A_369, %dma_wait3A_400, %dma_wait3A_401] : memref<2x3x80xi32, #tpu.memory_space<vmem>> -> memref<1x3x80xi32, #tpu.memory_space<vmem>>
          %dma_wait3A_403 = tpu.memref_squeeze %dma_wait3A_402 : memref<1x3x80xi32, #tpu.memory_space<vmem>> -> memref<3x80xi32, #tpu.memory_space<vmem>>
          %dma_wait3A_404 = arith.constant 0 : i32
          %dma_wait3A_405 = arith.constant 0 : i32
          %dma_wait3A_406 = tpu.memref_slice %arg2[%arg0, %arg1, %add3A_368, %dma_wait3A_404, %dma_wait3A_405] : memref<2x16x126x3x80xi32, #tpu.memory_space<hbm>> -> memref<1x1x1x3x80xi32, #tpu.memory_space<hbm>>
          %dma_wait3A_407 = tpu.memref_squeeze %dma_wait3A_406 : memref<1x1x1x3x80xi32, #tpu.memory_space<hbm>> -> memref<3x80xi32, #tpu.memory_space<hbm>>
          %dma_wait3A_408 = arith.constant 0 : i32
          %dma_wait3A_409 = arith.constant 0 : i32
          %dma_wait3A_410 = tpu.memref_slice %arg7[%run_scoped3A_369, %dma_wait3A_408, %dma_wait3A_409] : memref<2x3x80xi32, #tpu.memory_space<vmem>> -> memref<1x3x80xi32, #tpu.memory_space<vmem>>
          %dma_wait3A_411 = tpu.memref_squeeze %dma_wait3A_410 : memref<1x3x80xi32, #tpu.memory_space<vmem>> -> memref<3x80xi32, #tpu.memory_space<vmem>>
          %dma_wait3A_412 = arith.constant 0 : i32
          %dma_wait3A_413 = arith.constant 0 : i32
          %dma_wait3A_414 = tpu.memref_slice %arg2[%arg0, %arg1, %add3A_368, %dma_wait3A_412, %dma_wait3A_413] : memref<2x16x126x3x80xi32, #tpu.memory_space<hbm>> -> memref<1x1x1x3x80xi32, #tpu.memory_space<hbm>>
          %dma_wait3A_415 = tpu.memref_squeeze %dma_wait3A_414 : memref<1x1x1x3x80xi32, #tpu.memory_space<hbm>> -> memref<3x80xi32, #tpu.memory_space<hbm>>
          tpu.wait_dma2 semaphore(%run_scoped3A_383 : memref<!tpu.dma_semaphore, #tpu.memory_space<semaphore_mem>>) src(%dma_wait3A_415 : memref<3x80xi32, #tpu.memory_space<hbm>>) dst(%dma_wait3A_411 : memref<3x80xi32, #tpu.memory_space<vmem>>)
          tpu.yield
        }) : () -> ()
        %dma_start3A_370 = arith.constant 0 : i32
        %dma_start3A_371 = arith.constant 0 : i32
        %dma_start3A_372 = arith.constant 0 : i32
        %dma_start3A_373 = arith.constant 0 : i32
        %dma_start3A_374 = arith.constant 0 : i32
        %dma_start3A_375 = tpu.memref_slice %arg9[%dma_start3A_372, %dma_start3A_373, %dma_start3A_374] : memref<2x80x128xf32, #tpu.memory_space<vmem>> -> memref<1x80x128xf32, #tpu.memory_space<vmem>>
        %dma_start3A_376 = tpu.memref_squeeze %dma_start3A_375 : memref<1x80x128xf32, #tpu.memory_space<vmem>> -> memref<80x128xf32, #tpu.memory_space<vmem>>
        %dma_start3A_377 = arith.constant 0 : i32
        %dma_start3A_378 = tpu.memref_slice %arg7[%dma_start3A_370, %dma_start3A_371, %dma_start3A_377] : memref<2x3x80xi32, #tpu.memory_space<vmem>> -> memref<1x1x80xi32, #tpu.memory_space<vmem>>
        %dma_start3A_379 = tpu.memref_squeeze %dma_start3A_378 : memref<1x1x80xi32, #tpu.memory_space<vmem>> -> memref<80xi32, #tpu.memory_space<vmem>>
        %dma_start3A_380 = arith.constant 0 : i32
        %dma_start3A_381 = arith.constant 0 : i32
        %dma_start3A_382 = tpu.memref_slice %arg3[%dma_start3A_380, %dma_start3A_381] : memref<20480x128xf32, #tpu.memory_space<hbm>> -> memref<20480x128xf32, #tpu.memory_space<hbm>>
        tpu.enqueue_indirect_dma source(%dma_start3A_382 : memref<20480x128xf32, #tpu.memory_space<hbm>>) target(%dma_start3A_376 : memref<80x128xf32, #tpu.memory_space<vmem>>) offsets(%dma_start3A_379 : memref<80xi32, #tpu.memory_space<vmem>>) semaphore(%arg11 : memref<!tpu.dma_semaphore, #tpu.memory_space<semaphore_mem>>)
      } else {
      }
      %dma_wait3A_221 = arith.constant 0 : i32
      %dma_wait3A_222 = arith.constant 0 : i32
      %dma_wait3A_223 = arith.constant 0 : i32
      %dma_wait3A_224 = arith.constant 0 : i32
      %dma_wait3A_225 = tpu.memref_slice %arg10[%dma_wait3A_221, %dma_wait3A_223, %dma_wait3A_224] : memref<2x80x128xf32, #tpu.memory_space<vmem>> -> memref<1x80x128xf32, #tpu.memory_space<vmem>>
      %dma_wait3A_226 = tpu.memref_squeeze %dma_wait3A_225 : memref<1x80x128xf32, #tpu.memory_space<vmem>> -> memref<80x128xf32, #tpu.memory_space<vmem>>
      %dma_wait3A_227 = arith.constant 0 : i32
      %dma_wait3A_228 = tpu.memref_slice %arg8[%dma_wait3A_222, %dma_wait3A_227] : memref<2x80xi32, #tpu.memory_space<vmem>> -> memref<1x80xi32, #tpu.memory_space<vmem>>
      %dma_wait3A_229 = tpu.memref_squeeze %dma_wait3A_228 : memref<1x80xi32, #tpu.memory_space<vmem>> -> memref<80xi32, #tpu.memory_space<vmem>>
      %dma_wait3A_230 = arith.constant 0 : i32
      %dma_wait3A_231 = arith.constant 0 : i32
      %dma_wait3A_232 = tpu.memref_slice %arg6[%dma_wait3A_230, %dma_wait3A_231] : memref<10240x128xf32, #tpu.memory_space<vmem_shared>> -> memref<10240x128xf32, #tpu.memory_space<vmem_shared>>
      tpu.wait_indirect_dma semaphore(%arg15 : memref<!tpu.dma_semaphore, #tpu.memory_space<semaphore_mem>>) src(%dma_wait3A_226 : memref<80x128xf32, #tpu.memory_space<vmem>>) dst(%dma_wait3A_232 : memref<10240x128xf32, #tpu.memory_space<vmem_shared>>)
      %convert_element_type3A_233 = arith.extui %lt3A_109 : i1 to i32
      %cond3A_234 = arith.constant 0 : i32
      %cond3A_235 = arith.cmpi ne, %convert_element_type3A_233, %cond3A_234 : i32
      scf.if %cond3A_235 {
        %dma_start3A_367 = arith.constant 0 : i32
        %dma_start3A_368 = arith.constant 1 : i32
        %dma_start3A_369 = arith.constant 0 : i32
        %dma_start3A_370 = arith.constant 0 : i32
        %dma_start3A_371 = arith.constant 0 : i32
        %dma_start3A_372 = tpu.memref_slice %arg10[%dma_start3A_369, %dma_start3A_370, %dma_start3A_371] : memref<2x80x128xf32, #tpu.memory_space<vmem>> -> memref<1x80x128xf32, #tpu.memory_space<vmem>>
        %dma_start3A_373 = tpu.memref_squeeze %dma_start3A_372 : memref<1x80x128xf32, #tpu.memory_space<vmem>> -> memref<80x128xf32, #tpu.memory_space<vmem>>
        %dma_start3A_374 = arith.constant 0 : i32
        %dma_start3A_375 = tpu.memref_slice %arg7[%dma_start3A_367, %dma_start3A_368, %dma_start3A_374] : memref<2x3x80xi32, #tpu.memory_space<vmem>> -> memref<1x1x80xi32, #tpu.memory_space<vmem>>
        %dma_start3A_376 = tpu.memref_squeeze %dma_start3A_375 : memref<1x1x80xi32, #tpu.memory_space<vmem>> -> memref<80xi32, #tpu.memory_space<vmem>>
        %dma_start3A_377 = arith.constant 0 : i32
        %dma_start3A_378 = arith.constant 0 : i32
        %dma_start3A_379 = tpu.memref_slice %arg4[%dma_start3A_377, %dma_start3A_378] : memref<400x128xf32, #tpu.memory_space<hbm>> -> memref<400x128xf32, #tpu.memory_space<hbm>>
        tpu.enqueue_indirect_dma source(%dma_start3A_379 : memref<400x128xf32, #tpu.memory_space<hbm>>) target(%dma_start3A_373 : memref<80x128xf32, #tpu.memory_space<vmem>>) offsets(%dma_start3A_376 : memref<80xi32, #tpu.memory_space<vmem>>) semaphore(%arg13 : memref<!tpu.dma_semaphore, #tpu.memory_space<semaphore_mem>>)
      } else {
      }
      %mul3A_236 = arith.constant 2 : i32
      %mul3A_237 = arith.muli %mul3A_236, %scan3A_108 : i32
      %add3A_238 = arith.constant 1 : i32
      %add3A_239 = arith.addi %mul3A_237, %add3A_238 : i32
      %dma_wait3A_240 = arith.constant 1 : i32
      %dma_wait3A_241 = arith.constant 0 : i32
      %dma_wait3A_242 = arith.constant 1 : i32
      %dma_wait3A_243 = arith.constant 0 : i32
      %dma_wait3A_244 = arith.constant 0 : i32
      %dma_wait3A_245 = tpu.memref_slice %arg9[%dma_wait3A_242, %dma_wait3A_243, %dma_wait3A_244] : memref<2x80x128xf32, #tpu.memory_space<vmem>> -> memref<1x80x128xf32, #tpu.memory_space<vmem>>
      %dma_wait3A_246 = tpu.memref_squeeze %dma_wait3A_245 : memref<1x80x128xf32, #tpu.memory_space<vmem>> -> memref<80x128xf32, #tpu.memory_space<vmem>>
      %dma_wait3A_247 = arith.constant 0 : i32
      %dma_wait3A_248 = tpu.memref_slice %arg7[%dma_wait3A_240, %dma_wait3A_241, %dma_wait3A_247] : memref<2x3x80xi32, #tpu.memory_space<vmem>> -> memref<1x1x80xi32, #tpu.memory_space<vmem>>
      %dma_wait3A_249 = tpu.memref_squeeze %dma_wait3A_248 : memref<1x1x80xi32, #tpu.memory_space<vmem>> -> memref<80xi32, #tpu.memory_space<vmem>>
      %dma_wait3A_250 = arith.constant 0 : i32
      %dma_wait3A_251 = arith.constant 0 : i32
      %dma_wait3A_252 = tpu.memref_slice %arg3[%dma_wait3A_250, %dma_wait3A_251] : memref<20480x128xf32, #tpu.memory_space<hbm>> -> memref<20480x128xf32, #tpu.memory_space<hbm>>
      tpu.wait_indirect_dma semaphore(%arg12 : memref<!tpu.dma_semaphore, #tpu.memory_space<semaphore_mem>>) src(%dma_wait3A_252 : memref<20480x128xf32, #tpu.memory_space<hbm>>) dst(%dma_wait3A_246 : memref<80x128xf32, #tpu.memory_space<vmem>>)
      %dma_wait3A_253 = arith.constant 1 : i32
      %dma_wait3A_254 = arith.constant 1 : i32
      %dma_wait3A_255 = arith.constant 1 : i32
      %dma_wait3A_256 = arith.constant 0 : i32
      %dma_wait3A_257 = arith.constant 0 : i32
      %dma_wait3A_258 = tpu.memref_slice %arg10[%dma_wait3A_255, %dma_wait3A_256, %dma_wait3A_257] : memref<2x80x128xf32, #tpu.memory_space<vmem>> -> memref<1x80x128xf32, #tpu.memory_space<vmem>>
      %dma_wait3A_259 = tpu.memref_squeeze %dma_wait3A_258 : memref<1x80x128xf32, #tpu.memory_space<vmem>> -> memref<80x128xf32, #tpu.memory_space<vmem>>
      %dma_wait3A_260 = arith.constant 0 : i32
      %dma_wait3A_261 = tpu.memref_slice %arg7[%dma_wait3A_253, %dma_wait3A_254, %dma_wait3A_260] : memref<2x3x80xi32, #tpu.memory_space<vmem>> -> memref<1x1x80xi32, #tpu.memory_space<vmem>>
      %dma_wait3A_262 = tpu.memref_squeeze %dma_wait3A_261 : memref<1x1x80xi32, #tpu.memory_space<vmem>> -> memref<80xi32, #tpu.memory_space<vmem>>
      %dma_wait3A_263 = arith.constant 0 : i32
      %dma_wait3A_264 = arith.constant 0 : i32
      %dma_wait3A_265 = tpu.memref_slice %arg4[%dma_wait3A_263, %dma_wait3A_264] : memref<400x128xf32, #tpu.memory_space<hbm>> -> memref<400x128xf32, #tpu.memory_space<hbm>>
      tpu.wait_indirect_dma semaphore(%arg14 : memref<!tpu.dma_semaphore, #tpu.memory_space<semaphore_mem>>) src(%dma_wait3A_265 : memref<400x128xf32, #tpu.memory_space<hbm>>) dst(%dma_wait3A_259 : memref<80x128xf32, #tpu.memory_space<vmem>>)
      %get3A_266 = arith.constant 1 : i32
      %get3A_267 = arith.constant 2 : i32
      %get3A_268 = arith.index_cast %get3A_266 : i32 to index
      %get3A_269 = arith.index_cast %get3A_267 : i32 to index
      %get3A_270 = arith.constant 0 : index
      %get3A_271 = tpu.vector_load %arg7[%get3A_268, %get3A_269, %get3A_270] {strides = array<i32>} : memref<2x3x80xi32, #tpu.memory_space<vmem>>, vector<1x1x16xi32>,
      %get3A_272 = vector.shape_cast %get3A_271 : vector<1x1x16xi32> to vector<16xi32>
      %swap3A_273 = arith.constant 1 : i32
      %swap3A_274 = arith.index_cast %swap3A_273 : i32 to index
      %swap3A_275 = arith.constant 0 : index
      %swap3A_276 = tpu.vector_load %arg8[%swap3A_274, %swap3A_275] {strides = array<i32>} : memref<2x80xi32, #tpu.memory_space<vmem>>, vector<1x16xi32>,
      %swap3A_277 = vector.shape_cast %swap3A_276 : vector<1x16xi32> to vector<16xi32>
      %swap3A_278 = vector.shape_cast %get3A_272 : vector<16xi32> to vector<1x16xi32>
      tpu.vector_store %arg8[%swap3A_274, %swap3A_275], %swap3A_278 {strides = array<i32>} : memref<2x80xi32, #tpu.memory_space<vmem>>, vector<1x16xi32>,
      %get3A_279 = arith.constant 1 : i32
      %get3A_280 = arith.constant 2 : i32
      %get3A_281 = arith.index_cast %get3A_279 : i32 to index
      %get3A_282 = arith.index_cast %get3A_280 : i32 to index
      %get3A_283 = arith.constant 16 : index
      %get3A_284 = tpu.vector_load %arg7[%get3A_281, %get3A_282, %get3A_283] {strides = array<i32>} : memref<2x3x80xi32, #tpu.memory_space<vmem>>, vector<1x1x16xi32>,
      %get3A_285 = vector.shape_cast %get3A_284 : vector<1x1x16xi32> to vector<16xi32>
      %swap3A_286 = arith.constant 1 : i32
      %swap3A_287 = arith.index_cast %swap3A_286 : i32 to index
      %swap3A_288 = arith.constant 16 : index
      %swap3A_289 = tpu.vector_load %arg8[%swap3A_287, %swap3A_288] {strides = array<i32>} : memref<2x80xi32, #tpu.memory_space<vmem>>, vector<1x16xi32>,
      %swap3A_290 = vector.shape_cast %swap3A_289 : vector<1x16xi32> to vector<16xi32>
      %swap3A_291 = vector.shape_cast %get3A_285 : vector<16xi32> to vector<1x16xi32>
      tpu.vector_store %arg8[%swap3A_287, %swap3A_288], %swap3A_291 {strides = array<i32>} : memref<2x80xi32, #tpu.memory_space<vmem>>, vector<1x16xi32>,
      %get3A_292 = arith.constant 1 : i32
      %get3A_293 = arith.constant 2 : i32
      %get3A_294 = arith.index_cast %get3A_292 : i32 to index
      %get3A_295 = arith.index_cast %get3A_293 : i32 to index
      %get3A_296 = arith.constant 32 : index
      %get3A_297 = tpu.vector_load %arg7[%get3A_294, %get3A_295, %get3A_296] {strides = array<i32>} : memref<2x3x80xi32, #tpu.memory_space<vmem>>, vector<1x1x16xi32>,
      %get3A_298 = vector.shape_cast %get3A_297 : vector<1x1x16xi32> to vector<16xi32>
      %swap3A_299 = arith.constant 1 : i32
      %swap3A_300 = arith.index_cast %swap3A_299 : i32 to index
      %swap3A_301 = arith.constant 32 : index
      %swap3A_302 = tpu.vector_load %arg8[%swap3A_300, %swap3A_301] {strides = array<i32>} : memref<2x80xi32, #tpu.memory_space<vmem>>, vector<1x16xi32>,
      %swap3A_303 = vector.shape_cast %swap3A_302 : vector<1x16xi32> to vector<16xi32>
      %swap3A_304 = vector.shape_cast %get3A_298 : vector<16xi32> to vector<1x16xi32>
      tpu.vector_store %arg8[%swap3A_300, %swap3A_301], %swap3A_304 {strides = array<i32>} : memref<2x80xi32, #tpu.memory_space<vmem>>, vector<1x16xi32>,
      %get3A_305 = arith.constant 1 : i32
      %get3A_306 = arith.constant 2 : i32
      %get3A_307 = arith.index_cast %get3A_305 : i32 to index
      %get3A_308 = arith.index_cast %get3A_306 : i32 to index
      %get3A_309 = arith.constant 48 : index
      %get3A_310 = tpu.vector_load %arg7[%get3A_307, %get3A_308, %get3A_309] {strides = array<i32>} : memref<2x3x80xi32, #tpu.memory_space<vmem>>, vector<1x1x16xi32>,
      %get3A_311 = vector.shape_cast %get3A_310 : vector<1x1x16xi32> to vector<16xi32>
      %swap3A_312 = arith.constant 1 : i32
      %swap3A_313 = arith.index_cast %swap3A_312 : i32 to index
      %swap3A_314 = arith.constant 48 : index
      %swap3A_315 = tpu.vector_load %arg8[%swap3A_313, %swap3A_314] {strides = array<i32>} : memref<2x80xi32, #tpu.memory_space<vmem>>, vector<1x16xi32>,
      %swap3A_316 = vector.shape_cast %swap3A_315 : vector<1x16xi32> to vector<16xi32>
      %swap3A_317 = vector.shape_cast %get3A_311 : vector<16xi32> to vector<1x16xi32>
      tpu.vector_store %arg8[%swap3A_313, %swap3A_314], %swap3A_317 {strides = array<i32>} : memref<2x80xi32, #tpu.memory_space<vmem>>, vector<1x16xi32>,
      %get3A_318 = arith.constant 1 : i32
      %get3A_319 = arith.constant 2 : i32
      %get3A_320 = arith.index_cast %get3A_318 : i32 to index
      %get3A_321 = arith.index_cast %get3A_319 : i32 to index
      %get3A_322 = arith.constant 64 : index
      %get3A_323 = tpu.vector_load %arg7[%get3A_320, %get3A_321, %get3A_322] {strides = array<i32>} : memref<2x3x80xi32, #tpu.memory_space<vmem>>, vector<1x1x16xi32>,
      %get3A_324 = vector.shape_cast %get3A_323 : vector<1x1x16xi32> to vector<16xi32>
      %swap3A_325 = arith.constant 1 : i32
      %swap3A_326 = arith.index_cast %swap3A_325 : i32 to index
      %swap3A_327 = arith.constant 64 : index
      %swap3A_328 = tpu.vector_load %arg8[%swap3A_326, %swap3A_327] {strides = array<i32>} : memref<2x80xi32, #tpu.memory_space<vmem>>, vector<1x16xi32>,
      %swap3A_329 = vector.shape_cast %swap3A_328 : vector<1x16xi32> to vector<16xi32>
      %swap3A_330 = vector.shape_cast %get3A_324 : vector<16xi32> to vector<1x16xi32>
      tpu.vector_store %arg8[%swap3A_326, %swap3A_327], %swap3A_330 {strides = array<i32>} : memref<2x80xi32, #tpu.memory_space<vmem>>, vector<1x16xi32>,
      %scan3A_331 = arith.constant 0 : i32
      %scan3A_332 = arith.constant 0 : i32
      %scan3A_333 = arith.constant 80 : i32
      %scan3A_334 = arith.addi %scan3A_332, %scan3A_333 : i32
      %scan3A_335 = arith.constant 1 : i32
      scf.for %scan3A_367 = %scan3A_332 to %scan3A_334 step %scan3A_335  : i32 {
        %get3A_368 = arith.constant 1 : i32
        %get3A_369 = arith.index_cast %get3A_368 : i32 to index
        %get3A_370 = arith.index_cast %scan3A_367 : i32 to index
        %get3A_371 = arith.constant 0 : index
        %get3A_372 = tpu.vector_load %arg9[%get3A_369, %get3A_370, %get3A_371] {strides = array<i32>} : memref<2x80x128xf32, #tpu.memory_space<vmem>>, vector<1x1x16xf32>,
        %get3A_373 = vector.shape_cast %get3A_372 : vector<1x1x16xf32> to vector<16xf32>
        %get3A_374 = arith.constant 1 : i32
        %get3A_375 = arith.index_cast %get3A_374 : i32 to index
        %get3A_376 = arith.index_cast %scan3A_367 : i32 to index
        %get3A_377 = arith.constant 0 : index
        %get3A_378 = tpu.vector_load %arg10[%get3A_375, %get3A_376, %get3A_377] {strides = array<i32>} : memref<2x80x128xf32, #tpu.memory_space<vmem>>, vector<1x1x16xf32>,
        %get3A_379 = vector.shape_cast %get3A_378 : vector<1x1x16xf32> to vector<16xf32>
        %mul3A_380 = arith.mulf %get3A_373, %get3A_379 : vector<16xf32>
        %swap3A_381 = arith.constant 1 : i32
        %swap3A_382 = arith.index_cast %swap3A_381 : i32 to index
        %swap3A_383 = arith.index_cast %scan3A_367 : i32 to index
        %swap3A_384 = arith.constant 0 : index
        %swap3A_385 = tpu.vector_load %arg10[%swap3A_382, %swap3A_383, %swap3A_384] {strides = array<i32>} : memref<2x80x128xf32, #tpu.memory_space<vmem>>, vector<1x1x16xf32>,
        %swap3A_386 = vector.shape_cast %swap3A_385 : vector<1x1x16xf32> to vector<16xf32>
        %swap3A_387 = vector.shape_cast %mul3A_380 : vector<16xf32> to vector<1x1x16xf32>
        tpu.vector_store %arg10[%swap3A_382, %swap3A_383, %swap3A_384], %swap3A_387 {strides = array<i32>} : memref<2x80x128xf32, #tpu.memory_space<vmem>>, vector<1x1x16xf32>,
        %get3A_388 = arith.constant 1 : i32
        %get3A_389 = arith.index_cast %get3A_388 : i32 to index
        %get3A_390 = arith.index_cast %scan3A_367 : i32 to index
        %get3A_391 = arith.constant 16 : index
        %get3A_392 = tpu.vector_load %arg9[%get3A_389, %get3A_390, %get3A_391] {strides = array<i32>} : memref<2x80x128xf32, #tpu.memory_space<vmem>>, vector<1x1x16xf32>,
        %get3A_393 = vector.shape_cast %get3A_392 : vector<1x1x16xf32> to vector<16xf32>
        %get3A_394 = arith.constant 1 : i32
        %get3A_395 = arith.index_cast %get3A_394 : i32 to index
        %get3A_396 = arith.index_cast %scan3A_367 : i32 to index
        %get3A_397 = arith.constant 16 : index
        %get3A_398 = tpu.vector_load %arg10[%get3A_395, %get3A_396, %get3A_397] {strides = array<i32>} : memref<2x80x128xf32, #tpu.memory_space<vmem>>, vector<1x1x16xf32>,
        %get3A_399 = vector.shape_cast %get3A_398 : vector<1x1x16xf32> to vector<16xf32>
        %mul3A_400 = arith.mulf %get3A_393, %get3A_399 : vector<16xf32>
        %swap3A_401 = arith.constant 1 : i32
        %swap3A_402 = arith.index_cast %swap3A_401 : i32 to index
        %swap3A_403 = arith.index_cast %scan3A_367 : i32 to index
        %swap3A_404 = arith.constant 16 : index
        %swap3A_405 = tpu.vector_load %arg10[%swap3A_402, %swap3A_403, %swap3A_404] {strides = array<i32>} : memref<2x80x128xf32, #tpu.memory_space<vmem>>, vector<1x1x16xf32>,
        %swap3A_406 = vector.shape_cast %swap3A_405 : vector<1x1x16xf32> to vector<16xf32>
        %swap3A_407 = vector.shape_cast %mul3A_400 : vector<16xf32> to vector<1x1x16xf32>
        tpu.vector_store %arg10[%swap3A_402, %swap3A_403, %swap3A_404], %swap3A_407 {strides = array<i32>} : memref<2x80x128xf32, #tpu.memory_space<vmem>>, vector<1x1x16xf32>,
        %get3A_408 = arith.constant 1 : i32
        %get3A_409 = arith.index_cast %get3A_408 : i32 to index
        %get3A_410 = arith.index_cast %scan3A_367 : i32 to index
        %get3A_411 = arith.constant 32 : index
        %get3A_412 = tpu.vector_load %arg9[%get3A_409, %get3A_410, %get3A_411] {strides = array<i32>} : memref<2x80x128xf32, #tpu.memory_space<vmem>>, vector<1x1x16xf32>,
        %get3A_413 = vector.shape_cast %get3A_412 : vector<1x1x16xf32> to vector<16xf32>
        %get3A_414 = arith.constant 1 : i32
        %get3A_415 = arith.index_cast %get3A_414 : i32 to index
        %get3A_416 = arith.index_cast %scan3A_367 : i32 to index
        %get3A_417 = arith.constant 32 : index
        %get3A_418 = tpu.vector_load %arg10[%get3A_415, %get3A_416, %get3A_417] {strides = array<i32>} : memref<2x80x128xf32, #tpu.memory_space<vmem>>, vector<1x1x16xf32>,
        %get3A_419 = vector.shape_cast %get3A_418 : vector<1x1x16xf32> to vector<16xf32>
        %mul3A_420 = arith.mulf %get3A_413, %get3A_419 : vector<16xf32>
        %swap3A_421 = arith.constant 1 : i32
        %swap3A_422 = arith.index_cast %swap3A_421 : i32 to index
        %swap3A_423 = arith.index_cast %scan3A_367 : i32 to index
        %swap3A_424 = arith.constant 32 : index
        %swap3A_425 = tpu.vector_load %arg10[%swap3A_422, %swap3A_423, %swap3A_424] {strides = array<i32>} : memref<2x80x128xf32, #tpu.memory_space<vmem>>, vector<1x1x16xf32>,
        %swap3A_426 = vector.shape_cast %swap3A_425 : vector<1x1x16xf32> to vector<16xf32>
        %swap3A_427 = vector.shape_cast %mul3A_420 : vector<16xf32> to vector<1x1x16xf32>
        tpu.vector_store %arg10[%swap3A_422, %swap3A_423, %swap3A_424], %swap3A_427 {strides = array<i32>} : memref<2x80x128xf32, #tpu.memory_space<vmem>>, vector<1x1x16xf32>,
        %get3A_428 = arith.constant 1 : i32
        %get3A_429 = arith.index_cast %get3A_428 : i32 to index
        %get3A_430 = arith.index_cast %scan3A_367 : i32 to index
        %get3A_431 = arith.constant 48 : index
        %get3A_432 = tpu.vector_load %arg9[%get3A_429, %get3A_430, %get3A_431] {strides = array<i32>} : memref<2x80x128xf32, #tpu.memory_space<vmem>>, vector<1x1x16xf32>,
        %get3A_433 = vector.shape_cast %get3A_432 : vector<1x1x16xf32> to vector<16xf32>
        %get3A_434 = arith.constant 1 : i32
        %get3A_435 = arith.index_cast %get3A_434 : i32 to index
        %get3A_436 = arith.index_cast %scan3A_367 : i32 to index
        %get3A_437 = arith.constant 48 : index
        %get3A_438 = tpu.vector_load %arg10[%get3A_435, %get3A_436, %get3A_437] {strides = array<i32>} : memref<2x80x128xf32, #tpu.memory_space<vmem>>, vector<1x1x16xf32>,
        %get3A_439 = vector.shape_cast %get3A_438 : vector<1x1x16xf32> to vector<16xf32>
        %mul3A_440 = arith.mulf %get3A_433, %get3A_439 : vector<16xf32>
        %swap3A_441 = arith.constant 1 : i32
        %swap3A_442 = arith.index_cast %swap3A_441 : i32 to index
        %swap3A_443 = arith.index_cast %scan3A_367 : i32 to index
        %swap3A_444 = arith.constant 48 : index
        %swap3A_445 = tpu.vector_load %arg10[%swap3A_442, %swap3A_443, %swap3A_444] {strides = array<i32>} : memref<2x80x128xf32, #tpu.memory_space<vmem>>, vector<1x1x16xf32>,
        %swap3A_446 = vector.shape_cast %swap3A_445 : vector<1x1x16xf32> to vector<16xf32>
        %swap3A_447 = vector.shape_cast %mul3A_440 : vector<16xf32> to vector<1x1x16xf32>
        tpu.vector_store %arg10[%swap3A_442, %swap3A_443, %swap3A_444], %swap3A_447 {strides = array<i32>} : memref<2x80x128xf32, #tpu.memory_space<vmem>>, vector<1x1x16xf32>,
        %get3A_448 = arith.constant 1 : i32
        %get3A_449 = arith.index_cast %get3A_448 : i32 to index
        %get3A_450 = arith.index_cast %scan3A_367 : i32 to index
        %get3A_451 = arith.constant 64 : index
        %get3A_452 = tpu.vector_load %arg9[%get3A_449, %get3A_450, %get3A_451] {strides = array<i32>} : memref<2x80x128xf32, #tpu.memory_space<vmem>>, vector<1x1x16xf32>,
        %get3A_453 = vector.shape_cast %get3A_452 : vector<1x1x16xf32> to vector<16xf32>
        %get3A_454 = arith.constant 1 : i32
        %get3A_455 = arith.index_cast %get3A_454 : i32 to index
        %get3A_456 = arith.index_cast %scan3A_367 : i32 to index
        %get3A_457 = arith.constant 64 : index
        %get3A_458 = tpu.vector_load %arg10[%get3A_455, %get3A_456, %get3A_457] {strides = array<i32>} : memref<2x80x128xf32, #tpu.memory_space<vmem>>, vector<1x1x16xf32>,
        %get3A_459 = vector.shape_cast %get3A_458 : vector<1x1x16xf32> to vector<16xf32>
        %mul3A_460 = arith.mulf %get3A_453, %get3A_459 : vector<16xf32>
        %swap3A_461 = arith.constant 1 : i32
        %swap3A_462 = arith.index_cast %swap3A_461 : i32 to index
        %swap3A_463 = arith.index_cast %scan3A_367 : i32 to index
        %swap3A_464 = arith.constant 64 : index
        %swap3A_465 = tpu.vector_load %arg10[%swap3A_462, %swap3A_463, %swap3A_464] {strides = array<i32>} : memref<2x80x128xf32, #tpu.memory_space<vmem>>, vector<1x1x16xf32>,
        %swap3A_466 = vector.shape_cast %swap3A_465 : vector<1x1x16xf32> to vector<16xf32>
        %swap3A_467 = vector.shape_cast %mul3A_460 : vector<16xf32> to vector<1x1x16xf32>
        tpu.vector_store %arg10[%swap3A_462, %swap3A_463, %swap3A_464], %swap3A_467 {strides = array<i32>} : memref<2x80x128xf32, #tpu.memory_space<vmem>>, vector<1x1x16xf32>,
        %get3A_468 = arith.constant 1 : i32
        %get3A_469 = arith.index_cast %get3A_468 : i32 to index
        %get3A_470 = arith.index_cast %scan3A_367 : i32 to index
        %get3A_471 = arith.constant 80 : index
        %get3A_472 = tpu.vector_load %arg9[%get3A_469, %get3A_470, %get3A_471] {strides = array<i32>} : memref<2x80x128xf32, #tpu.memory_space<vmem>>, vector<1x1x16xf32>,
        %get3A_473 = vector.shape_cast %get3A_472 : vector<1x1x16xf32> to vector<16xf32>
        %get3A_474 = arith.constant 1 : i32
        %get3A_475 = arith.index_cast %get3A_474 : i32 to index
        %get3A_476 = arith.index_cast %scan3A_367 : i32 to index
        %get3A_477 = arith.constant 80 : index
        %get3A_478 = tpu.vector_load %arg10[%get3A_475, %get3A_476, %get3A_477] {strides = array<i32>} : memref<2x80x128xf32, #tpu.memory_space<vmem>>, vector<1x1x16xf32>,
        %get3A_479 = vector.shape_cast %get3A_478 : vector<1x1x16xf32> to vector<16xf32>
        %mul3A_480 = arith.mulf %get3A_473, %get3A_479 : vector<16xf32>
        %swap3A_481 = arith.constant 1 : i32
        %swap3A_482 = arith.index_cast %swap3A_481 : i32 to index
        %swap3A_483 = arith.index_cast %scan3A_367 : i32 to index
        %swap3A_484 = arith.constant 80 : index
        %swap3A_485 = tpu.vector_load %arg10[%swap3A_482, %swap3A_483, %swap3A_484] {strides = array<i32>} : memref<2x80x128xf32, #tpu.memory_space<vmem>>, vector<1x1x16xf32>,
        %swap3A_486 = vector.shape_cast %swap3A_485 : vector<1x1x16xf32> to vector<16xf32>
        %swap3A_487 = vector.shape_cast %mul3A_480 : vector<16xf32> to vector<1x1x16xf32>
        tpu.vector_store %arg10[%swap3A_482, %swap3A_483, %swap3A_484], %swap3A_487 {strides = array<i32>} : memref<2x80x128xf32, #tpu.memory_space<vmem>>, vector<1x1x16xf32>,
        %get3A_488 = arith.constant 1 : i32
        %get3A_489 = arith.index_cast %get3A_488 : i32 to index
        %get3A_490 = arith.index_cast %scan3A_367 : i32 to index
        %get3A_491 = arith.constant 96 : index
        %get3A_492 = tpu.vector_load %arg9[%get3A_489, %get3A_490, %get3A_491] {strides = array<i32>} : memref<2x80x128xf32, #tpu.memory_space<vmem>>, vector<1x1x16xf32>,
        %get3A_493 = vector.shape_cast %get3A_492 : vector<1x1x16xf32> to vector<16xf32>
        %get3A_494 = arith.constant 1 : i32
        %get3A_495 = arith.index_cast %get3A_494 : i32 to index
        %get3A_496 = arith.index_cast %scan3A_367 : i32 to index
        %get3A_497 = arith.constant 96 : index
        %get3A_498 = tpu.vector_load %arg10[%get3A_495, %get3A_496, %get3A_497] {strides = array<i32>} : memref<2x80x128xf32, #tpu.memory_space<vmem>>, vector<1x1x16xf32>,
        %get3A_499 = vector.shape_cast %get3A_498 : vector<1x1x16xf32> to vector<16xf32>
        %mul3A_500 = arith.mulf %get3A_493, %get3A_499 : vector<16xf32>
        %swap3A_501 = arith.constant 1 : i32
        %swap3A_502 = arith.index_cast %swap3A_501 : i32 to index
        %swap3A_503 = arith.index_cast %scan3A_367 : i32 to index
        %swap3A_504 = arith.constant 96 : index
        %swap3A_505 = tpu.vector_load %arg10[%swap3A_502, %swap3A_503, %swap3A_504] {strides = array<i32>} : memref<2x80x128xf32, #tpu.memory_space<vmem>>, vector<1x1x16xf32>,
        %swap3A_506 = vector.shape_cast %swap3A_505 : vector<1x1x16xf32> to vector<16xf32>
        %swap3A_507 = vector.shape_cast %mul3A_500 : vector<16xf32> to vector<1x1x16xf32>
        tpu.vector_store %arg10[%swap3A_502, %swap3A_503, %swap3A_504], %swap3A_507 {strides = array<i32>} : memref<2x80x128xf32, #tpu.memory_space<vmem>>, vector<1x1x16xf32>,
        %get3A_508 = arith.constant 1 : i32
        %get3A_509 = arith.index_cast %get3A_508 : i32 to index
        %get3A_510 = arith.index_cast %scan3A_367 : i32 to index
        %get3A_511 = arith.constant 112 : index
        %get3A_512 = tpu.vector_load %arg9[%get3A_509, %get3A_510, %get3A_511] {strides = array<i32>} : memref<2x80x128xf32, #tpu.memory_space<vmem>>, vector<1x1x16xf32>,
        %get3A_513 = vector.shape_cast %get3A_512 : vector<1x1x16xf32> to vector<16xf32>
        %get3A_514 = arith.constant 1 : i32
        %get3A_515 = arith.index_cast %get3A_514 : i32 to index
        %get3A_516 = arith.index_cast %scan3A_367 : i32 to index
        %get3A_517 = arith.constant 112 : index
        %get3A_518 = tpu.vector_load %arg10[%get3A_515, %get3A_516, %get3A_517] {strides = array<i32>} : memref<2x80x128xf32, #tpu.memory_space<vmem>>, vector<1x1x16xf32>,
        %get3A_519 = vector.shape_cast %get3A_518 : vector<1x1x16xf32> to vector<16xf32>
        %mul3A_520 = arith.mulf %get3A_513, %get3A_519 : vector<16xf32>
        %swap3A_521 = arith.constant 1 : i32
        %swap3A_522 = arith.index_cast %swap3A_521 : i32 to index
        %swap3A_523 = arith.index_cast %scan3A_367 : i32 to index
        %swap3A_524 = arith.constant 112 : index
        %swap3A_525 = tpu.vector_load %arg10[%swap3A_522, %swap3A_523, %swap3A_524] {strides = array<i32>} : memref<2x80x128xf32, #tpu.memory_space<vmem>>, vector<1x1x16xf32>,
        %swap3A_526 = vector.shape_cast %swap3A_525 : vector<1x1x16xf32> to vector<16xf32>
        %swap3A_527 = vector.shape_cast %mul3A_520 : vector<16xf32> to vector<1x1x16xf32>
        tpu.vector_store %arg10[%swap3A_522, %swap3A_523, %swap3A_524], %swap3A_527 {strides = array<i32>} : memref<2x80x128xf32, #tpu.memory_space<vmem>>, vector<1x1x16xf32>,
      }
      %scan3A_336 = arith.constant 80 : i32
      %dma_start3A_337 = arith.constant 1 : i32
      %dma_start3A_338 = arith.constant 1 : i32
      %dma_start3A_339 = arith.constant 0 : i32
      %dma_start3A_340 = arith.constant 0 : i32
      %dma_start3A_341 = tpu.memref_slice %arg10[%dma_start3A_337, %dma_start3A_339, %dma_start3A_340] : memref<2x80x128xf32, #tpu.memory_space<vmem>> -> memref<1x80x128xf32, #tpu.memory_space<vmem>>
      %dma_start3A_342 = tpu.memref_squeeze %dma_start3A_341 : memref<1x80x128xf32, #tpu.memory_space<vmem>> -> memref<80x128xf32, #tpu.memory_space<vmem>>
      %dma_start3A_343 = arith.constant 0 : i32
      %dma_start3A_344 = tpu.memref_slice %arg8[%dma_start3A_338, %dma_start3A_343] : memref<2x80xi32, #tpu.memory_space<vmem>> -> memref<1x80xi32, #tpu.memory_space<vmem>>
      %dma_start3A_345 = tpu.memref_squeeze %dma_start3A_344 : memref<1x80xi32, #tpu.memory_space<vmem>> -> memref<80xi32, #tpu.memory_space<vmem>>
      %dma_start3A_346 = arith.constant 0 : i32
      %dma_start3A_347 = arith.constant 0 : i32
      %dma_start3A_348 = tpu.memref_slice %arg6[%dma_start3A_346, %dma_start3A_347] : memref<10240x128xf32, #tpu.memory_space<vmem_shared>> -> memref<10240x128xf32, #tpu.memory_space<vmem_shared>>
      tpu.enqueue_indirect_dma source(%dma_start3A_342 : memref<80x128xf32, #tpu.memory_space<vmem>>) target(%dma_start3A_348 : memref<10240x128xf32, #tpu.memory_space<vmem_shared>>) offsets(%dma_start3A_345 : memref<80xi32, #tpu.memory_space<vmem>>) semaphore(%arg16 : memref<!tpu.dma_semaphore, #tpu.memory_space<semaphore_mem>>) {add = true}
      %convert_element_type3A_349 = arith.extui %lt3A_109 : i1 to i32
      %cond3A_350 = arith.constant 0 : i32
      %cond3A_351 = arith.cmpi ne, %convert_element_type3A_349, %cond3A_350 : i32
      scf.if %cond3A_351 {
        %add3A_367 = arith.constant 2 : i32
        %add3A_368 = arith.addi %add3A_239, %add3A_367 : i32
        %run_scoped3A_369 = arith.constant 1 : i32
        "tpu.region"() ({
          %run_scoped3A_383 = tpu.sem_alloc : memref<!tpu.dma_semaphore, #tpu.memory_space<semaphore_mem>>
          %dma_start3A_384 = arith.constant 0 : i32
          %dma_start3A_385 = arith.constant 0 : i32
          %dma_start3A_386 = tpu.memref_slice %arg7[%run_scoped3A_369, %dma_start3A_384, %dma_start3A_385] : memref<2x3x80xi32, #tpu.memory_space<vmem>> -> memref<1x3x80xi32, #tpu.memory_space<vmem>>
          %dma_start3A_387 = tpu.memref_squeeze %dma_start3A_386 : memref<1x3x80xi32, #tpu.memory_space<vmem>> -> memref<3x80xi32, #tpu.memory_space<vmem>>
          %dma_start3A_388 = arith.constant 0 : i32
          %dma_start3A_389 = arith.constant 0 : i32
          %dma_start3A_390 = tpu.memref_slice %arg2[%arg0, %arg1, %add3A_368, %dma_start3A_388, %dma_start3A_389] : memref<2x16x126x3x80xi32, #tpu.memory_space<hbm>> -> memref<1x1x1x3x80xi32, #tpu.memory_space<hbm>>
          %dma_start3A_391 = tpu.memref_squeeze %dma_start3A_390 : memref<1x1x1x3x80xi32, #tpu.memory_space<hbm>> -> memref<3x80xi32, #tpu.memory_space<hbm>>
          %dma_start3A_392 = arith.constant 0 : i32
          %dma_start3A_393 = arith.constant 0 : i32
          %dma_start3A_394 = tpu.memref_slice %arg7[%run_scoped3A_369, %dma_start3A_392, %dma_start3A_393] : memref<2x3x80xi32, #tpu.memory_space<vmem>> -> memref<1x3x80xi32, #tpu.memory_space<vmem>>
          %dma_start3A_395 = tpu.memref_squeeze %dma_start3A_394 : memref<1x3x80xi32, #tpu.memory_space<vmem>> -> memref<3x80xi32, #tpu.memory_space<vmem>>
          %dma_start3A_396 = arith.constant 0 : i32
          %dma_start3A_397 = arith.constant 0 : i32
          %dma_start3A_398 = tpu.memref_slice %arg2[%arg0, %arg1, %add3A_368, %dma_start3A_396, %dma_start3A_397] : memref<2x16x126x3x80xi32, #tpu.memory_space<hbm>> -> memref<1x1x1x3x80xi32, #tpu.memory_space<hbm>>
          %dma_start3A_399 = tpu.memref_squeeze %dma_start3A_398 : memref<1x1x1x3x80xi32, #tpu.memory_space<hbm>> -> memref<3x80xi32, #tpu.memory_space<hbm>>
          tpu.enqueue_dma source(%dma_start3A_399 : memref<3x80xi32, #tpu.memory_space<hbm>>) target(%dma_start3A_395 : memref<3x80xi32, #tpu.memory_space<vmem>>) target_semaphore(%run_scoped3A_383 : memref<!tpu.dma_semaphore, #tpu.memory_space<semaphore_mem>>)
          %dma_wait3A_400 = arith.constant 0 : i32
          %dma_wait3A_401 = arith.constant 0 : i32
          %dma_wait3A_402 = tpu.memref_slice %arg7[%run_scoped3A_369, %dma_wait3A_400, %dma_wait3A_401] : memref<2x3x80xi32, #tpu.memory_space<vmem>> -> memref<1x3x80xi32, #tpu.memory_space<vmem>>
          %dma_wait3A_403 = tpu.memref_squeeze %dma_wait3A_402 : memref<1x3x80xi32, #tpu.memory_space<vmem>> -> memref<3x80xi32, #tpu.memory_space<vmem>>
          %dma_wait3A_404 = arith.constant 0 : i32
          %dma_wait3A_405 = arith.constant 0 : i32
          %dma_wait3A_406 = tpu.memref_slice %arg2[%arg0, %arg1, %add3A_368, %dma_wait3A_404, %dma_wait3A_405] : memref<2x16x126x3x80xi32, #tpu.memory_space<hbm>> -> memref<1x1x1x3x80xi32, #tpu.memory_space<hbm>>
          %dma_wait3A_407 = tpu.memref_squeeze %dma_wait3A_406 : memref<1x1x1x3x80xi32, #tpu.memory_space<hbm>> -> memref<3x80xi32, #tpu.memory_space<hbm>>
          %dma_wait3A_408 = arith.constant 0 : i32
          %dma_wait3A_409 = arith.constant 0 : i32
          %dma_wait3A_410 = tpu.memref_slice %arg7[%run_scoped3A_369, %dma_wait3A_408, %dma_wait3A_409] : memref<2x3x80xi32, #tpu.memory_space<vmem>> -> memref<1x3x80xi32, #tpu.memory_space<vmem>>
          %dma_wait3A_411 = tpu.memref_squeeze %dma_wait3A_410 : memref<1x3x80xi32, #tpu.memory_space<vmem>> -> memref<3x80xi32, #tpu.memory_space<vmem>>
          %dma_wait3A_412 = arith.constant 0 : i32
          %dma_wait3A_413 = arith.constant 0 : i32
          %dma_wait3A_414 = tpu.memref_slice %arg2[%arg0, %arg1, %add3A_368, %dma_wait3A_412, %dma_wait3A_413] : memref<2x16x126x3x80xi32, #tpu.memory_space<hbm>> -> memref<1x1x1x3x80xi32, #tpu.memory_space<hbm>>
          %dma_wait3A_415 = tpu.memref_squeeze %dma_wait3A_414 : memref<1x1x1x3x80xi32, #tpu.memory_space<hbm>> -> memref<3x80xi32, #tpu.memory_space<hbm>>
          tpu.wait_dma2 semaphore(%run_scoped3A_383 : memref<!tpu.dma_semaphore, #tpu.memory_space<semaphore_mem>>) src(%dma_wait3A_415 : memref<3x80xi32, #tpu.memory_space<hbm>>) dst(%dma_wait3A_411 : memref<3x80xi32, #tpu.memory_space<vmem>>)
          tpu.yield
        }) : () -> ()
        %dma_start3A_370 = arith.constant 1 : i32
        %dma_start3A_371 = arith.constant 0 : i32
        %dma_start3A_372 = arith.constant 1 : i32
        %dma_start3A_373 = arith.constant 0 : i32
        %dma_start3A_374 = arith.constant 0 : i32
        %dma_start3A_375 = tpu.memref_slice %arg9[%dma_start3A_372, %dma_start3A_373, %dma_start3A_374] : memref<2x80x128xf32, #tpu.memory_space<vmem>> -> memref<1x80x128xf32, #tpu.memory_space<vmem>>
        %dma_start3A_376 = tpu.memref_squeeze %dma_start3A_375 : memref<1x80x128xf32, #tpu.memory_space<vmem>> -> memref<80x128xf32, #tpu.memory_space<vmem>>
        %dma_start3A_377 = arith.constant 0 : i32
        %dma_start3A_378 = tpu.memref_slice %arg7[%dma_start3A_370, %dma_start3A_371, %dma_start3A_377] : memref<2x3x80xi32, #tpu.memory_space<vmem>> -> memref<1x1x80xi32, #tpu.memory_space<vmem>>
        %dma_start3A_379 = tpu.memref_squeeze %dma_start3A_378 : memref<1x1x80xi32, #tpu.memory_space<vmem>> -> memref<80xi32, #tpu.memory_space<vmem>>
        %dma_start3A_380 = arith.constant 0 : i32
        %dma_start3A_381 = arith.constant 0 : i32
        %dma_start3A_382 = tpu.memref_slice %arg3[%dma_start3A_380, %dma_start3A_381] : memref<20480x128xf32, #tpu.memory_space<hbm>> -> memref<20480x128xf32, #tpu.memory_space<hbm>>
        tpu.enqueue_indirect_dma source(%dma_start3A_382 : memref<20480x128xf32, #tpu.memory_space<hbm>>) target(%dma_start3A_376 : memref<80x128xf32, #tpu.memory_space<vmem>>) offsets(%dma_start3A_379 : memref<80xi32, #tpu.memory_space<vmem>>) semaphore(%arg12 : memref<!tpu.dma_semaphore, #tpu.memory_space<semaphore_mem>>)
      } else {
      }
      %dma_wait3A_352 = arith.constant 1 : i32
      %dma_wait3A_353 = arith.constant 1 : i32
      %dma_wait3A_354 = arith.constant 0 : i32
      %dma_wait3A_355 = arith.constant 0 : i32
      %dma_wait3A_356 = tpu.memref_slice %arg10[%dma_wait3A_352, %dma_wait3A_354, %dma_wait3A_355] : memref<2x80x128xf32, #tpu.memory_space<vmem>> -> memref<1x80x128xf32, #tpu.memory_space<vmem>>
      %dma_wait3A_357 = tpu.memref_squeeze %dma_wait3A_356 : memref<1x80x128xf32, #tpu.memory_space<vmem>> -> memref<80x128xf32, #tpu.memory_space<vmem>>
      %dma_wait3A_358 = arith.constant 0 : i32
      %dma_wait3A_359 = tpu.memref_slice %arg8[%dma_wait3A_353, %dma_wait3A_358] : memref<2x80xi32, #tpu.memory_space<vmem>> -> memref<1x80xi32, #tpu.memory_space<vmem>>
      %dma_wait3A_360 = tpu.memref_squeeze %dma_wait3A_359 : memref<1x80xi32, #tpu.memory_space<vmem>> -> memref<80xi32, #tpu.memory_space<vmem>>
      %dma_wait3A_361 = arith.constant 0 : i32
      %dma_wait3A_362 = arith.constant 0 : i32
      %dma_wait3A_363 = tpu.memref_slice %arg6[%dma_wait3A_361, %dma_wait3A_362] : memref<10240x128xf32, #tpu.memory_space<vmem_shared>> -> memref<10240x128xf32, #tpu.memory_space<vmem_shared>>
      tpu.wait_indirect_dma semaphore(%arg16 : memref<!tpu.dma_semaphore, #tpu.memory_space<semaphore_mem>>) src(%dma_wait3A_357 : memref<80x128xf32, #tpu.memory_space<vmem>>) dst(%dma_wait3A_363 : memref<10240x128xf32, #tpu.memory_space<vmem_shared>>)
      %convert_element_type3A_364 = arith.extui %lt3A_109 : i1 to i32
      %cond3A_365 = arith.constant 0 : i32
      %cond3A_366 = arith.cmpi ne, %convert_element_type3A_364, %cond3A_365 : i32
      scf.if %cond3A_366 {
        %dma_start3A_367 = arith.constant 1 : i32
        %dma_start3A_368 = arith.constant 1 : i32
        %dma_start3A_369 = arith.constant 1 : i32
        %dma_start3A_370 = arith.constant 0 : i32
        %dma_start3A_371 = arith.constant 0 : i32
        %dma_start3A_372 = tpu.memref_slice %arg10[%dma_start3A_369, %dma_start3A_370, %dma_start3A_371] : memref<2x80x128xf32, #tpu.memory_space<vmem>> -> memref<1x80x128xf32, #tpu.memory_space<vmem>>
        %dma_start3A_373 = tpu.memref_squeeze %dma_start3A_372 : memref<1x80x128xf32, #tpu.memory_space<vmem>> -> memref<80x128xf32, #tpu.memory_space<vmem>>
        %dma_start3A_374 = arith.constant 0 : i32
        %dma_start3A_375 = tpu.memref_slice %arg7[%dma_start3A_367, %dma_start3A_368, %dma_start3A_374] : memref<2x3x80xi32, #tpu.memory_space<vmem>> -> memref<1x1x80xi32, #tpu.memory_space<vmem>>
        %dma_start3A_376 = tpu.memref_squeeze %dma_start3A_375 : memref<1x1x80xi32, #tpu.memory_space<vmem>> -> memref<80xi32, #tpu.memory_space<vmem>>
        %dma_start3A_377 = arith.constant 0 : i32
        %dma_start3A_378 = arith.constant 0 : i32
        %dma_start3A_379 = tpu.memref_slice %arg4[%dma_start3A_377, %dma_start3A_378] : memref<400x128xf32, #tpu.memory_space<hbm>> -> memref<400x128xf32, #tpu.memory_space<hbm>>
        tpu.enqueue_indirect_dma source(%dma_start3A_379 : memref<400x128xf32, #tpu.memory_space<hbm>>) target(%dma_start3A_373 : memref<80x128xf32, #tpu.memory_space<vmem>>) offsets(%dma_start3A_376 : memref<80xi32, #tpu.memory_space<vmem>>) semaphore(%arg14 : memref<!tpu.dma_semaphore, #tpu.memory_space<semaphore_mem>>)
      } else {
      }
    }
    %scan3A_102 = arith.constant 63 : i32
    %barrier3A_103 = arith.constant 0 : index
    tpu.barrier barrier_id(%barrier3A_103)
    %mul3A_104 = arith.constant 640 : i32
    %mul3A_105 = arith.muli %arg1, %mul3A_104 : i32
    %mul3A_106 = arith.constant 640 : i32
    %mul3A_107 = arith.muli %arg1, %mul3A_106 : i32
    "tpu.region"() ({
      %run_scoped3A_108 = tpu.sem_alloc : memref<!tpu.dma_semaphore, #tpu.memory_space<semaphore_mem>>
      %dma_start3A_109 = arith.constant 0 : i32
      %dma_start3A_110 = tpu.memref_slice %arg5[%arg0, %mul3A_107, %dma_start3A_109] : memref<2x10240x128xf32, #tpu.memory_space<hbm>> -> memref<1x640x128xf32, #tpu.memory_space<hbm>>
      %dma_start3A_111 = tpu.memref_squeeze %dma_start3A_110 : memref<1x640x128xf32, #tpu.memory_space<hbm>> -> memref<640x128xf32, #tpu.memory_space<hbm>>
      %dma_start3A_112 = arith.constant 0 : i32
      %dma_start3A_113 = tpu.memref_slice %arg6[%mul3A_105, %dma_start3A_112] : memref<10240x128xf32, #tpu.memory_space<vmem_shared>> -> memref<640x128xf32, #tpu.memory_space<vmem_shared>>
      tpu.enqueue_dma source(%dma_start3A_113 : memref<640x128xf32, #tpu.memory_space<vmem_shared>>) target(%dma_start3A_111 : memref<640x128xf32, #tpu.memory_space<hbm>>) target_semaphore(%run_scoped3A_108 : memref<!tpu.dma_semaphore, #tpu.memory_space<semaphore_mem>>)
      %dma_wait3A = arith.constant 0 : i32
      %dma_wait3A_114 = tpu.memref_slice %arg5[%arg0, %mul3A_107, %dma_wait3A] : memref<2x10240x128xf32, #tpu.memory_space<hbm>> -> memref<1x640x128xf32, #tpu.memory_space<hbm>>
      %dma_wait3A_115 = tpu.memref_squeeze %dma_wait3A_114 : memref<1x640x128xf32, #tpu.memory_space<hbm>> -> memref<640x128xf32, #tpu.memory_space<hbm>>
      %dma_wait3A_116 = arith.constant 0 : i32
      %dma_wait3A_117 = tpu.memref_slice %arg6[%mul3A_105, %dma_wait3A_116] : memref<10240x128xf32, #tpu.memory_space<vmem_shared>> -> memref<640x128xf32, #tpu.memory_space<vmem_shared>>
      tpu.wait_dma2 semaphore(%run_scoped3A_108 : memref<!tpu.dma_semaphore, #tpu.memory_space<semaphore_mem>>) src(%dma_wait3A_117 : memref<640x128xf32, #tpu.memory_space<vmem_shared>>) dst(%dma_wait3A_115 : memref<640x128xf32, #tpu.memory_space<hbm>>)
      tpu.yield
    }) : () -> ()
    return
  }
}

module attributes {stable_mosaic.version = 14 : i64} {
  func.func @_scale_body(%arg0: i32, %arg1: memref<1x80x128xf32, #tpu.memory_space<vmem>>, %arg2: memref<80x128x128xf32, #tpu.memory_space<vmem>>, %arg3: memref<1x80x128x128xf32, #tpu.memory_space<vmem>>, %arg4: memref<1x80x128x128xf32, #tpu.memory_space<vmem>>) attributes {dimension_semantics = [#tpu.dimension_semantics<arbitrary>], iteration_bounds = array<i64: 2>, scalar_prefetch = 0 : i64, scratch_operands = 0 : i64, tpu.core_type = #tpu.core_type<tc>, window_params = [{transform_indices = @transform_0, window_bounds = array<i64: 1, 80, 128>}, {pipeline_mode = #tpu.pipeline_mode<synchronous>, transform_indices = @transform_1, window_bounds = array<i64: 80, 128, 128>}, {transform_indices = @transform_2, window_bounds = array<i64: 1, 80, 128, 128>}, {transform_indices = @transform_3, window_bounds = array<i64: 1, 80, 128, 128>}]} {
    %get3A = arith.constant 0 : index
    %get3A_0 = arith.constant 0 : index
    %get3A_1 = arith.constant 0 : index
    %get3A_2 = vector.load %arg1[%get3A, %get3A_0, %get3A_1] : memref<1x80x128xf32, #tpu.memory_space<vmem>>, vector<1x80x128xf32>
    %get3A_3 = vector.shape_cast %get3A_2 : vector<1x80x128xf32> to vector<80x128xf32>
    %gt3A = arith.constant 5.000000e-01 : f32
    %gt3A_4 = vector.broadcast %gt3A : f32 to vector<80x128xf32>
    %gt3A_5 = arith.cmpf ogt, %get3A_3, %gt3A_4 : vector<80x128xf32>
    %rsqrt3A = math.rsqrt %get3A_3 : vector<80x128xf32>
    %jit3A = arith.constant 0.000000e+00 : f32
    %broadcast_in_dim3A = vector.broadcast %jit3A : f32 to vector<80x128xf32>
    %select_n3A = arith.select %gt3A_5, %rsqrt3A, %broadcast_in_dim3A : vector<80x128xi1>, vector<80x128xf32>
    %broadcast_in_dim3A_6 = vector.shape_cast %select_n3A : vector<80x128xf32> to vector<80x128x1xf32>
    %broadcast_in_dim3A_7 = vector.shape_cast %broadcast_in_dim3A_6 : vector<80x128x1xf32> to vector<80x128x1xf32>
    %broadcast_in_dim3A_8 = vector.broadcast %broadcast_in_dim3A_7 : vector<80x128x1xf32> to vector<80x128x128xf32>
    %swap3A = arith.constant 0 : index
    %swap3A_9 = arith.constant 0 : index
    %swap3A_10 = arith.constant 0 : index
    %swap3A_11 = arith.constant 0 : index
    %swap3A_12 = vector.load %arg4[%swap3A, %swap3A_9, %swap3A_10, %swap3A_11] : memref<1x80x128x128xf32, #tpu.memory_space<vmem>>, vector<1x80x128x128xf32>
    %swap3A_13 = vector.shape_cast %swap3A_12 : vector<1x80x128x128xf32> to vector<80x128x128xf32>
    %swap3A_14 = vector.shape_cast %broadcast_in_dim3A_8 : vector<80x128x128xf32> to vector<1x80x128x128xf32>
    tpu.vector_store %arg4[%swap3A, %swap3A_9, %swap3A_10, %swap3A_11], %swap3A_14 {strides = array<i32>} : memref<1x80x128x128xf32, #tpu.memory_space<vmem>>, vector<1x80x128x128xf32>,
    %get3A_15 = arith.constant 0 : index
    %get3A_16 = arith.constant 0 : index
    %get3A_17 = arith.constant 0 : index
    %get3A_18 = vector.load %arg2[%get3A_15, %get3A_16, %get3A_17] : memref<80x128x128xf32, #tpu.memory_space<vmem>>, vector<80x128x128xf32>
    %mul3A = arith.mulf %get3A_18, %broadcast_in_dim3A_8 : vector<80x128x128xf32>
    %swap3A_19 = arith.constant 0 : index
    %swap3A_20 = arith.constant 0 : index
    %swap3A_21 = arith.constant 0 : index
    %swap3A_22 = arith.constant 0 : index
    %swap3A_23 = vector.load %arg3[%swap3A_19, %swap3A_20, %swap3A_21, %swap3A_22] : memref<1x80x128x128xf32, #tpu.memory_space<vmem>>, vector<1x80x128x128xf32>
    %swap3A_24 = vector.shape_cast %swap3A_23 : vector<1x80x128x128xf32> to vector<80x128x128xf32>
    %swap3A_25 = vector.shape_cast %mul3A : vector<80x128x128xf32> to vector<1x80x128x128xf32>
    tpu.vector_store %arg3[%swap3A_19, %swap3A_20, %swap3A_21, %swap3A_22], %swap3A_25 {strides = array<i32>} : memref<1x80x128x128xf32, #tpu.memory_space<vmem>>, vector<1x80x128x128xf32>,
    return
  }
  func.func @transform_0(%arg0: i32) -> (i32, i32, i32) {
    %c0_i32 = arith.constant 0 : i32
    %c0_i32_0 = arith.constant 0 : i32
    %c0_i32_1 = arith.constant 0 : i32
    return %arg0, %c0_i32, %c0_i32_0 : i32, i32, i32
  }
  func.func @transform_1(%arg0: i32) -> (i32, i32, i32) {
    %c0_i32 = arith.constant 0 : i32
    %c0_i32_0 = arith.constant 0 : i32
    %c0_i32_1 = arith.constant 0 : i32
    %c0_i32_2 = arith.constant 0 : i32
    return %c0_i32, %c0_i32_0, %c0_i32_1 : i32, i32, i32
  }
  func.func @transform_2(%arg0: i32) -> (i32, i32, i32, i32) {
    %c0_i32 = arith.constant 0 : i32
    %c0_i32_0 = arith.constant 0 : i32
    %c0_i32_1 = arith.constant 0 : i32
    %c0_i32_2 = arith.constant 0 : i32
    return %arg0, %c0_i32, %c0_i32_0, %c0_i32_1 : i32, i32, i32, i32
  }
  func.func @transform_3(%arg0: i32) -> (i32, i32, i32, i32) {
    %c0_i32 = arith.constant 0 : i32
    %c0_i32_0 = arith.constant 0 : i32
    %c0_i32_1 = arith.constant 0 : i32
    %c0_i32_2 = arith.constant 0 : i32
    return %arg0, %c0_i32, %c0_i32_0, %c0_i32_1 : i32, i32, i32, i32
  }
}

module attributes {stable_mosaic.version = 14 : i64} {
  func.func @_final_body(%arg0: memref<2x10240x128xf32, #tpu.memory_space<vmem>>, %arg1: memref<2x10240x128xf32, #tpu.memory_space<vmem>>, %arg2: memref<10000x128xf32, #tpu.memory_space<vmem>>, %arg3: memref<400x128xf32, #tpu.memory_space<vmem>>, %arg4: memref<128x128xf32, #tpu.memory_space<vmem>>, %arg5: memref<128x128xf32, #tpu.memory_space<vmem>>, %arg6: memref<128x128xf32, #tpu.memory_space<vmem>>, %arg7: memref<128x128xf32, #tpu.memory_space<vmem>>, %arg8: memref<1x128xf32, #tpu.memory_space<vmem>>, %arg9: memref<1x128xf32, #tpu.memory_space<vmem>>, %arg10: memref<1x128xf32, #tpu.memory_space<vmem>>, %arg11: memref<1x128xf32, #tpu.memory_space<vmem>>, %arg12: memref<10000x128xf32, #tpu.memory_space<vmem>>, %arg13: memref<400x128xf32, #tpu.memory_space<vmem>>) attributes {dimension_semantics = [], scalar_prefetch = 0 : i64, scratch_operands = 0 : i64, tpu.core_type = #tpu.core_type<tc>} {
    %get3A = arith.constant 0 : index
    %get3A_0 = arith.constant 0 : index
    %get3A_1 = arith.constant 0 : index
    %get3A_2 = vector.load %arg0[%get3A, %get3A_0, %get3A_1] : memref<2x10240x128xf32, #tpu.memory_space<vmem>>, vector<1x10000x128xf32>
    %get3A_3 = vector.shape_cast %get3A_2 : vector<1x10000x128xf32> to vector<10000x128xf32>
    %get3A_4 = arith.constant 0 : index
    %get3A_5 = arith.constant 0 : index
    %get3A_6 = arith.constant 0 : index
    %get3A_7 = vector.load %arg1[%get3A_4, %get3A_5, %get3A_6] : memref<2x10240x128xf32, #tpu.memory_space<vmem>>, vector<1x10000x128xf32>
    %get3A_8 = vector.shape_cast %get3A_7 : vector<1x10000x128xf32> to vector<10000x128xf32>
    %mul3A = arith.mulf %get3A_3, %get3A_8 : vector<10000x128xf32>
    %get3A_9 = arith.constant 1 : index
    %get3A_10 = arith.constant 0 : index
    %get3A_11 = arith.constant 0 : index
    %get3A_12 = vector.load %arg0[%get3A_9, %get3A_10, %get3A_11] : memref<2x10240x128xf32, #tpu.memory_space<vmem>>, vector<1x10000x128xf32>
    %get3A_13 = vector.shape_cast %get3A_12 : vector<1x10000x128xf32> to vector<10000x128xf32>
    %get3A_14 = arith.constant 1 : index
    %get3A_15 = arith.constant 0 : index
    %get3A_16 = arith.constant 0 : index
    %get3A_17 = vector.load %arg1[%get3A_14, %get3A_15, %get3A_16] : memref<2x10240x128xf32, #tpu.memory_space<vmem>>, vector<1x10000x128xf32>
    %get3A_18 = vector.shape_cast %get3A_17 : vector<1x10000x128xf32> to vector<10000x128xf32>
    %mul3A_19 = arith.mulf %get3A_13, %get3A_18 : vector<10000x128xf32>
    %get3A_20 = arith.constant 0 : index
    %get3A_21 = arith.constant 0 : index
    %get3A_22 = vector.load %arg2[%get3A_20, %get3A_21] : memref<10000x128xf32, #tpu.memory_space<vmem>>, vector<10000x128xf32>
    %get3A_23 = arith.constant 0 : index
    %get3A_24 = arith.constant 0 : index
    %get3A_25 = vector.load %arg8[%get3A_23, %get3A_24] : memref<1x128xf32, #tpu.memory_space<vmem>>, vector<1x128xf32>
    %mul3A_26 = vector.broadcast %get3A_25 : vector<1x128xf32> to vector<10000x128xf32>
    %mul3A_27 = arith.mulf %get3A_22, %mul3A_26 : vector<10000x128xf32>
    %get3A_28 = arith.constant 0 : index
    %get3A_29 = arith.constant 0 : index
    %get3A_30 = vector.load %arg4[%get3A_28, %get3A_29] : memref<128x128xf32, #tpu.memory_space<vmem>>, vector<128x128xf32>
    %dot_general3A = arith.constant dense<0.000000e+00> : vector<10000x128xf32>
    %dot_general3A_31 = tpu.matmul %mul3A, %get3A_30, %dot_general3A {dimension_numbers = #tpu.dot_dimension_numbers<[1], [0], [0], [1], [0, 0, 1, 1], [], []>, transpose_lhs_hint = false} : vector<10000x128xf32>, vector<128x128xf32>, vector<10000x128xf32> -> vector<10000x128xf32>
    %get3A_32 = arith.constant 0 : index
    %get3A_33 = arith.constant 0 : index
    %get3A_34 = vector.load %arg5[%get3A_32, %get3A_33] : memref<128x128xf32, #tpu.memory_space<vmem>>, vector<128x128xf32>
    %dot_general3A_35 = arith.constant dense<0.000000e+00> : vector<10000x128xf32>
    %dot_general3A_36 = tpu.matmul %mul3A_19, %get3A_34, %dot_general3A_35 {dimension_numbers = #tpu.dot_dimension_numbers<[1], [0], [0], [1], [0, 0, 1, 1], [], []>, transpose_lhs_hint = false} : vector<10000x128xf32>, vector<128x128xf32>, vector<10000x128xf32> -> vector<10000x128xf32>
    %add3A = arith.addf %dot_general3A_31, %dot_general3A_36 : vector<10000x128xf32>
    %get3A_37 = arith.constant 0 : index
    %get3A_38 = arith.constant 0 : index
    %get3A_39 = vector.load %arg6[%get3A_37, %get3A_38] : memref<128x128xf32, #tpu.memory_space<vmem>>, vector<128x128xf32>
    %dot_general3A_40 = arith.constant dense<0.000000e+00> : vector<10000x128xf32>
    %dot_general3A_41 = tpu.matmul %mul3A_27, %get3A_39, %dot_general3A_40 {dimension_numbers = #tpu.dot_dimension_numbers<[1], [0], [0], [1], [0, 0, 1, 1], [], []>, transpose_lhs_hint = false} : vector<10000x128xf32>, vector<128x128xf32>, vector<10000x128xf32> -> vector<10000x128xf32>
    %add3A_42 = arith.addf %add3A, %dot_general3A_41 : vector<10000x128xf32>
    %mul3A_43 = arith.constant 0.333333343 : f32
    %mul3A_44 = vector.broadcast %mul3A_43 : f32 to vector<10000x128xf32>
    %mul3A_45 = arith.mulf %add3A_42, %mul3A_44 : vector<10000x128xf32>
    %get3A_46 = arith.constant 0 : index
    %get3A_47 = arith.constant 0 : index
    %get3A_48 = vector.load %arg9[%get3A_46, %get3A_47] : memref<1x128xf32, #tpu.memory_space<vmem>>, vector<1x128xf32>
    %add3A_49 = vector.broadcast %get3A_48 : vector<1x128xf32> to vector<10000x128xf32>
    %add3A_50 = arith.addf %mul3A_45, %add3A_49 : vector<10000x128xf32>
    %reduce_sum3A = arith.constant dense<0.000000e+00> : vector<128xf32>
    %reduce_sum3A_51 = vector.multi_reduction <add>, %add3A_50, %reduce_sum3A [0] : vector<10000x128xf32> to vector<128xf32>
    %broadcast_in_dim3A = vector.shape_cast %reduce_sum3A_51 : vector<128xf32> to vector<1x128xf32>
    %div3A = arith.constant 1.000000e+04 : f32
    %div3A_52 = vector.broadcast %div3A : f32 to vector<1x128xf32>
    %div3A_53 = arith.divf %broadcast_in_dim3A, %div3A_52 : vector<1x128xf32>
    %sub3A = vector.broadcast %div3A_53 : vector<1x128xf32> to vector<10000x128xf32>
    %sub3A_54 = arith.subf %add3A_50, %sub3A : vector<10000x128xf32>
    %sub3A_55 = vector.broadcast %div3A_53 : vector<1x128xf32> to vector<10000x128xf32>
    %sub3A_56 = arith.subf %add3A_50, %sub3A_55 : vector<10000x128xf32>
    %mul3A_57 = arith.mulf %sub3A_54, %sub3A_56 : vector<10000x128xf32>
    %reduce_sum3A_58 = arith.constant dense<0.000000e+00> : vector<128xf32>
    %reduce_sum3A_59 = vector.multi_reduction <add>, %mul3A_57, %reduce_sum3A_58 [0] : vector<10000x128xf32> to vector<128xf32>
    %broadcast_in_dim3A_60 = vector.shape_cast %reduce_sum3A_59 : vector<128xf32> to vector<1x128xf32>
    %div3A_61 = arith.constant 1.000000e+04 : f32
    %div3A_62 = vector.broadcast %div3A_61 : f32 to vector<1x128xf32>
    %div3A_63 = arith.divf %broadcast_in_dim3A_60, %div3A_62 : vector<1x128xf32>
    %sub3A_64 = vector.broadcast %div3A_53 : vector<1x128xf32> to vector<10000x128xf32>
    %sub3A_65 = arith.subf %add3A_50, %sub3A_64 : vector<10000x128xf32>
    %add3A_66 = arith.constant 9.99999974E-6 : f32
    %add3A_67 = vector.broadcast %add3A_66 : f32 to vector<1x128xf32>
    %add3A_68 = arith.addf %div3A_63, %add3A_67 : vector<1x128xf32>
    %rsqrt3A = math.rsqrt %add3A_68 : vector<1x128xf32>
    %mul3A_69 = vector.broadcast %rsqrt3A : vector<1x128xf32> to vector<10000x128xf32>
    %mul3A_70 = arith.mulf %sub3A_65, %mul3A_69 : vector<10000x128xf32>
    %get3A_71 = arith.constant 0 : index
    %get3A_72 = arith.constant 0 : index
    %get3A_73 = vector.load %arg10[%get3A_71, %get3A_72] : memref<1x128xf32, #tpu.memory_space<vmem>>, vector<1x128xf32>
    %mul3A_74 = vector.broadcast %get3A_73 : vector<1x128xf32> to vector<10000x128xf32>
    %mul3A_75 = arith.mulf %mul3A_70, %mul3A_74 : vector<10000x128xf32>
    %get3A_76 = arith.constant 0 : index
    %get3A_77 = arith.constant 0 : index
    %get3A_78 = vector.load %arg11[%get3A_76, %get3A_77] : memref<1x128xf32, #tpu.memory_space<vmem>>, vector<1x128xf32>
    %add3A_79 = vector.broadcast %get3A_78 : vector<1x128xf32> to vector<10000x128xf32>
    %add3A_80 = arith.addf %mul3A_75, %add3A_79 : vector<10000x128xf32>
    %swap3A = arith.constant 0 : index
    %swap3A_81 = arith.constant 0 : index
    %swap3A_82 = vector.load %arg12[%swap3A, %swap3A_81] : memref<10000x128xf32, #tpu.memory_space<vmem>>, vector<10000x128xf32>
    tpu.vector_store %arg12[%swap3A, %swap3A_81], %add3A_80 {strides = array<i32>} : memref<10000x128xf32, #tpu.memory_space<vmem>>, vector<10000x128xf32>,
    %get3A_83 = arith.constant 0 : index
    %get3A_84 = arith.constant 0 : index
    %get3A_85 = vector.load %arg3[%get3A_83, %get3A_84] : memref<400x128xf32, #tpu.memory_space<vmem>>, vector<400x128xf32>
    %get3A_86 = arith.constant 0 : index
    %get3A_87 = arith.constant 0 : index
    %get3A_88 = vector.load %arg7[%get3A_86, %get3A_87] : memref<128x128xf32, #tpu.memory_space<vmem>>, vector<128x128xf32>
    %dot_general3A_89 = arith.constant dense<0.000000e+00> : vector<400x128xf32>
    %dot_general3A_90 = tpu.matmul %get3A_85, %get3A_88, %dot_general3A_89 {dimension_numbers = #tpu.dot_dimension_numbers<[1], [0], [0], [1], [0, 0, 1, 1], [], []>, transpose_lhs_hint = false} : vector<400x128xf32>, vector<128x128xf32>, vector<400x128xf32> -> vector<400x128xf32>
    %swap3A_91 = arith.constant 0 : index
    %swap3A_92 = arith.constant 0 : index
    %swap3A_93 = vector.load %arg13[%swap3A_91, %swap3A_92] : memref<400x128xf32, #tpu.memory_space<vmem>>, vector<400x128xf32>
    tpu.vector_store %arg13[%swap3A_91, %swap3A_92], %dot_general3A_90 {strides = array<i32>} : memref<400x128xf32, #tpu.memory_space<vmem>>, vector<400x128xf32>,
    return
  }
}

</mosaic_0001>

<sc_bundles>
// kernel: kernel.6.cloned.1.call-start
scs
__scs_entry_jumppad:
0x0: {  	(pc) =	sbr.rel $0x88, $3  }
0x1: {  	(tag) =	ssettag $0x0;
	lr =	simm.s32 $0x1  }
0x2: {  	[smem:$0x3F95] =	sst lr;
	_ =	strace $0xD0000000  }
0x3: {  	_ = 	snop  }
0x4: {  	_ = 	snop  }
0x5: {  	_ = 	snop  }
0x6: {  	_ = 	snop  }
0x7: {  	_ = 	snop  }
__scs_overlays_trampoline_lowered:
0x8: {  	[smem:$0x3FA4] =	sst s0  }
0x9: {  	[smem:$0x3FA5] =	sst s1  }
0xa: {  	[smem:$0x3FA6] =	sst s2  }
0xb: {  	[smem:$0x3FA7] =	sst s3  }
0xc: {  	[smem:$0x3FA8] =	sst s4  }
0xd: {  	[smem:$0x3FA9] =	sst s5  }
0xe: {  	[smem:$0x3FAA] =	sst s6  }
0xf: {  	[smem:$0x3FAB] =	sst s7  }
0x10: {  	[smem:$0x3FAC] =	sst s8  }
0x11: {  	[smem:$0x3FAD] =	sst s9;
	s0 =	simm.s32 @!p0 $0x0  }
0x12: {  	s1 =	sld [smem:$0x3F93];
	s0 =	simm.s32 @p0 $0x1  }
0x13: {  	[smem:$0x3FAE] =	sst s0;
	s0 =	simm.s32 @!p1 $0x0  }
0x14: {  	s2 =	sld [smem:$0x3F92];
	s0 =	simm.s32 @p1 $0x1  }
0x15: {  	[smem:$0x3FAF] =	sst s0;
	s0 =	simm.s32 @!p2 $0x0  }
0x16: {  	s3 =	sld [smem:$0x3FDB];
	s0 =	simm.s32 @p2 $0x1  }
0x17: {  	s4 =	simm.s32 $0x1BF5;
	[smem:$0x3FB1] =	sst s0  }
0x18: {  	s0 =	sld [smem:$0x3F94];
	_ =	swait.ge [sflag:s4], $0x0  }
0x19: {  	s7 =	sld [smem:$0x3F95]  }
0x1a: {  	s8 =	sadd.s32 $0xFFFFE003, lr  }
0x1b: {  	s9 =	sadd.s32 $0xFFFFFEF7, lr;
	s5 =	simm.s32 $0xFFFFFFFF;
	p2 =	slt.u32 s8, $0xFFFFF086  }
0x1c: {  	p1 =	slt.u32 s9, $0xF7A;
	s5 =	simm.s32 @!p2 $0x0  }
0x1d: {  	s5 =	simm.s32 @p1 $0x1;
	p0 =	seq.s32 s7, s2  }
0x1e: {  	s7 =	smul.u32 @!p0 $0xF7A, s2;
	p2 =	seq.s32 @!p0 s5, $0x0  }
0x1f: {  	s9 =	smul.u32 $0xF7A, s1;
	s8 =	simm.s32 @!p0 $0x1BF5;
	p2 =	por !p2, p0  }
0x20: {  	[sflag:s8] =	ssyncset.s32 @!p0 $0xFFFFF086;
	s6 =	sadd.s32 @!p0 s3, s7;
	s7 =	simm.s32 @!p0 $0x108  }
0x21: {  	s3 =	sadd.s32 s3, s9;
	s6 =	sadd.s32 @!p0 $0x88, s6;
	s7 =	simm.s32 @p2 $0x1082  }
0x22: {  	[simem:s7], [sflag:s8] =	dma.local @!p0 [hbm:s6], $0xF7A  }
0x23: {  	s9 =	sor.u32 $0xD0000000, s2;
	s6 =	simm.s32 $0x108;
	_ =	swait.ge @!p0 [sflag:s8], $0x0  }
0x24: {  	s3 =	sadd.s32 $0x88, s3;
	s6 =	simm.s32 @!p1 $0x1082;
	[sflag:s4] =	ssyncset.s32 $0xFFFFF086  }
0x25: {  	[simem:s6], [sflag:s4] =	dma.local [hbm:s3], $0xF7A  }
0x26: {  	[smem:$0x3F95] =	sst s1;
	(tag) =	ssettag s2;
	_ =	strace s9  }
0x27: {  	s1 =	sld [smem:$0x3FA5]  }
0x28: {  	s2 =	sld [smem:$0x3FA6]  }
0x29: {  	s4 =	sld [smem:$0x3FA8]  }
0x2a: {  	p0 =	seq.s32 s5, $0x0;
	s5 =	sld [smem:$0x3FA9]  }
0x2b: {  	s6 =	sld [smem:$0x3FAA]  }
0x2c: {  	s7 =	sld [smem:$0x3FAB]  }
0x2d: {  	s3 =	simm.s32 $0x108;
	s8 =	sld [smem:$0x3FAC]  }
0x2e: {  	s3 =	simm.s32 @!p0 $0x1082;
	s9 =	sld [smem:$0x3FAD]  }
0x2f: {  	lr =	sadd.s32 s0, s3;
	s0 =	sld [smem:$0x3FA4]  }
0x30: {  	s3 =	sld [smem:$0x3FA7]  }
0x31: {  	[smem:$0x3FB0] =	sst s10  }
0x32: {  	s10 =	sld [smem:$0x3FAE];
	_ =	sdelay $0x3  }
0x33: {  	p0 =	seq.s32 s10, $0x1;
	s10 =	sld [smem:$0x3FB0];
	_ =	sdelay $0x3  }
0x34: {  	[smem:$0x3FB0] =	sst s10  }
0x35: {  	s10 =	sld [smem:$0x3FAF];
	_ =	sdelay $0x3  }
0x36: {  	p1 =	seq.s32 s10, $0x1;
	s10 =	sld [smem:$0x3FB0];
	_ =	sdelay $0x3  }
0x37: {  	[smem:$0x3FB0] =	sst s10  }
0x38: {  	s10 =	sld [smem:$0x3FB1]  }
0x39: {  	_ = 	snop;
	(pc) =	sbr.ind lr, $3  }
0x3a: {  	_ = 	snop  }
0x3b: {  	_ = 	snop  }
0x3c: {  	p2 =	seq.s32 s10, $0x1;
	s10 =	sld [smem:$0x3FB0]  }
0x3d: {  	_ =	shalt  }
0x3e: {  	_ =	shalt  }
0x3f: {  	_ =	shalt  }
0x40: {  	_ =	shalt  }
0x41: {  	_ =	shalt  }
0x42: {  	_ =	shalt  }
0x43: {  	_ =	shalt  }
0x44: {  	_ =	shalt  }
0x45: {  	_ =	shalt  }
0x46: {  	_ =	shalt  }
0x47: {  	_ =	shalt  }
0x48: {  	_ =	shalt  }
0x49: {  	_ =	shalt  }
0x4a: {  	_ =	shalt  }
0x4b: {  	_ =	shalt  }
0x4c: {  	_ =	shalt  }
0x4d: {  	_ =	shalt  }
0x4e: {  	_ =	shalt  }
0x4f: {  	_ =	shalt  }
0x50: {  	_ =	shalt  }
0x51: {  	_ =	shalt  }
0x52: {  	_ =	shalt  }
0x53: {  	_ =	shalt  }
0x54: {  	_ =	shalt  }
0x55: {  	_ =	shalt  }
0x56: {  	_ =	shalt  }
0x57: {  	_ =	shalt  }
0x58: {  	_ =	shalt  }
0x59: {  	_ =	shalt  }
0x5a: {  	_ =	shalt  }
0x5b: {  	_ =	shalt  }
0x5c: {  	_ =	shalt  }
0x5d: {  	_ =	shalt  }
0x5e: {  	_ =	shalt  }
0x5f: {  	_ =	shalt  }
0x60: {  	_ =	shalt  }
0x61: {  	_ =	shalt  }
0x62: {  	_ =	shalt  }
0x63: {  	_ =	shalt  }
0x64: {  	_ =	shalt  }
0x65: {  	_ =	shalt  }
0x66: {  	_ =	shalt  }
0x67: {  	_ =	shalt  }
0x68: {  	_ =	shalt  }
0x69: {  	_ =	shalt  }
0x6a: {  	_ =	shalt  }
0x6b: {  	_ =	shalt  }
0x6c: {  	_ =	shalt  }
0x6d: {  	_ =	shalt  }
0x6e: {  	_ =	shalt  }
0x6f: {  	_ =	shalt  }
0x70: {  	_ =	shalt  }
0x71: {  	_ =	shalt  }
0x72: {  	_ =	shalt  }
0x73: {  	_ =	shalt  }
0x74: {  	_ =	shalt  }
0x75: {  	_ =	shalt  }
0x76: {  	_ =	shalt  }
0x77: {  	_ =	shalt  }
0x78: {  	_ =	shalt  }
0x79: {  	_ =	shalt  }
0x7a: {  	_ =	shalt  }
0x7b: {  	_ =	shalt  }
0x7c: {  	_ =	shalt  }
0x7d: {  	_ =	shalt  }
0x7e: {  	_ =	shalt  }
0x7f: {  	_ =	shalt  }
0x80: {  	_ =	shalt  }
0x81: {  	_ =	shalt  }
0x82: {  	_ =	shalt  }
0x83: {  	_ =	shalt  }
0x84: {  	_ =	shalt  }
0x85: {  	_ =	shalt  }
0x86: {  	_ =	shalt  }
0x87: {  	_ =	shalt  }
.Lfunc_end0:
.L_simem_size_0:
called_computation_lowered:
.L_overlay_start_0:
0x88: {  	s2 =	sld [smem:$0x3FD9]  }
0x89: {  	s3 =	sld [smem:$0x3FFE];
	_ =	sdelay $0x1  }
0x8a: {  	s1 =	srdreg.scid  }
0x8b: {  	s0 =	sand.u32 $0x1, s1  }
0x8c: {  	s14 =	sshll.u32 s0, $0xA;
	s2 =	sadd.s32 s3, s2  }
0x8d: {  	s2 =	sadd.s32 s2, s14  }
0x8e: {  	[smem:$0x3FBC] =	sst s2  }
0x8f: {  	_ = 	snop  }
0x90: {  	s2 =	sld [smem:$0x3FD0];
	_ =	sdelay $0x2  }
0x91: {  	s15 =	simm.s32 $0xA;
	s4 =	simm.s32 $0x10  }
0x92: {  	[smem:s4], [sflag:s15] =	dma.local [hbm:s2], $0x1  }
0x93: {  	_ =	swait.eq [sflag:s15], $0x1  }
0x94: {  	[sflag:s15] =	ssyncset.done $0x0  }
0x95: {  	[sflag:s15] =	ssyncadd.s32 $0xFFFFFFFF  }
0x96: {  	s16 =	sld [smem:$0x10];
	(tm) =	ssettm $0x1  }
0x97: {  	s17 =	sld [smem:$0x3FFB];
	_ =	sdelay $0x3  }
0x98: {  	_ =	strace s17  }
0x99: {  	s3 =	sld [smem:$0x3FFC];
	_ =	sdelay $0x3  }
0x9a: {  	_ =	strace s3  }
0x9b: {  	s3 =	sld [smem:$0x3FFD];
	_ =	sdelay $0x3  }
0x9c: {  	_ =	strace s3  }
0x9d: {  	_ =	strace $0x8FFFFFFF  }
0x9e: {  	s18 =	sld [smem:$0x3FDB];
	_ =	sdelay $0x1  }
0x9f: {  	s19 =	simm.s32 $_scs_section_size  }
0xa0: {  	s5 =	simm.s32 $_size__tile_overlayer_lowered;
	s6 =	simm.s32 $_tile_overlayer_lowered  }
0xa1: {  	s22 =	simm.s32 $0x1BFF;
	s21 =	sshll.u32 s6, $0x1;
	s3 =	sadd.s32 s19, s18  }
0xa2: {  	s7 =	simm.s32 $0x0;
	s20 =	sshll.u32 s5, $0x1;
	s5 =	sadd.s32 s21, s3  }
0xa3: {  	[timem:s7], [sflag:s22] =	dma.local [hbm:s5], s20  }
0xa4: {  	_ =	swait.ge [sflag:s22], s20  }
0xa5: {  	s4 =	ssub.s32 $0x0, s20;
	[sflag:s22] =	ssyncset.done $0x0  }
0xa6: {  	[sflag:s22] =	ssyncadd.s32 s4;
	_ =	sdelay $0x1  }
0xa7: {  	s23 =	simm.s32 $0x1B8B  }
0xa8: {  	_ =	swait.ge [sflag:s23], $0x1  }
0xa9: {  	[sflag:s23] =	ssyncset.done $0x0  }
0xaa: {  	s25 =	simm.s32 $0x1B8E;
	s24 =	sld [smem:$0x3FFE];
	[sflag:s23] =	ssyncadd.s32 $0xFFFFFFFF  }
0xab: {  	s26 =	simm.s32 $execute0_lowered;
	[smem:$0x3FD2] =	sst s25  }
0xac: {  	s5 =	sshll.u32 s26, $0x1;
	_ =	strace $0x80000046;
	[dreg:$0x1] =	wrdreg $0xFFFFFFFF  }
0xad: {  	s28 =	simm.s32 $_size_execute0_lowered;
	s3 =	sadd.s32 s3, s5;
	[dreg:$0x0] =	wrdreg $0x0  }
0xae: {  	s5 =	sshll.u32 s28, $0x1;
	[dreg:$0x2] =	wrdreg s3  }
0xaf: {  	[dreg:$0x3] =	wrdreg s5  }
0xb0: {  	[dreg:$0x4] =	wrdreg $0xC0  }
0xb1: {  	_ =	task [dreg:s7], $0x5FFFF  }
0xb2: {  	[dreg:$0x1] =	wrdreg $0xFFFFFFFF  }
0xb3: {  	[dreg:$0x0] =	wrdreg $0x60  }
0xb4: {  	[dreg:$0x2] =	wrdreg s16  }
0xb5: {  	[dreg:$0x3] =	wrdreg s24  }
0xb6: {  	[dreg:$0x4] =	wrdreg $0x0  }
0xb7: {  	[dreg:$0x5] =	wrdreg $0x9  }
0xb8: {  	_ =	task.clear_ibuf [dreg:s7], $0x6FFFF;
	_ =	strace $0x90000046  }
0xb9: {  	s29 =	simm.s32 $0x9;
	_ =	strace $0x80000048  }
0xba: {  	_ =	swait.ge [sflag:s29], $0x1  }
0xbb: {  	[sflag:s29] =	ssyncadd.s32 $0xFFFFFFFF  }
0xbc: {  	_ =	strace $0x90000048  }
0xbd: {  	_ =	sfence  }
0xbe: {  	s30 =	sld [smem:$0x0];
	_ =	sdelay $0x2  }
0xbf: {  	s31 =	sshll.u32 s1, $0xD;
	s1 =	sshrl.u32 s1, $0x2  }
0xc0: {  	s3 =	sand.u32 $0x4000, s31;
	s1 =	sadd.s32 s1, s30  }
0xc1: {  	s0 =	sor.u32 s3, s0;
	s1 =	sshll.u32 s1, $0x11  }
0xc2: {  	s0 =	sor.u32 s1, s0  }
0xc3: {  	s0 =	sadd.s32 $0x8F2B, s0  }
0xc4: {  	[sflag:s0] =	ssyncadd.remote.s32 $0x1  }
0xc5: {  	_ =	sfence.sel $0xFFFF  }
0xc6: {  	[dreg:$0x0] =	wrdreg $0xFFFFFFFF;
	(pc) =	sbr.abs _section_cstart, $3  }
0xc7: {  	[dreg:$0x1] =	wrdreg $0xFFFFFFFF  }
0xc8: {  	_ =	task.clear_ibuf [dreg:s7], $0x2FFFF;
	_ =	strace $0x9FFFFFFF  }
0xc9: {  	(tm) =	ssettm $0x7FFFFFFF  }
tec
execute0_lowered:
.L_overlay_start_1:
0x0: {  	(tag) =	ssettag $0x1  }
0x1: {  	s9 =	rddreg [dreg:$0x0]  }
0x2: {  	s4 =	rddreg [dreg:$0x1];
	s0 =	srdreg.scid  }
0x3: {  	s2 =	rddreg [dreg:$0x2];
	s1 =	stileid.u32;
	s3 =	simm.s32 $0x0  }
0x4: {  	s13 =	simm.s32 $0x1;
	s14 =	simm.s32 $0x14000;
	s7 =	smul.u32 $0x14000, s1  }
0x5: {  	s5 =	sand.u32 $0x1, s0;
	s0 =	rddreg [dreg:$0x3];
	s8 =	smul.u32 $0x50000, s1  }
0x6: {  	s15 =	simm.s32 $0x80;
	[smem:$0x7FF] =	sst s3;
	s10 =	smul.u32 $0x2800, s1  }
0x7: {  	s16 =	sshll.u32 s1, $0x6;
	s6 =	smul.u32 $0x140000, s5;
	_ =	strace $0x80000047  }
0x8: {  	s29 =	smul.u32 $0x28000, s5;
	s5 =	ssub.s32 $0x2, s5;
	s16 =	sor.u32 $0x1C01, s16  }
0x9: {  	s30 =	sshrl.u32 s5, $0x1;
	s31 =	sshrl.u32 s8, $0x2;
	s6 =	sadd.s32 s7, s6  }
0xa: {  	s12 =	ssub.s32 s5, s30;
	s7 =	sadd.s32 s10, s29;
	s6 =	sshrl.u32 s6, $0x3  }
0xb: {  	s10 =	sshrl.u32 s7, $0x3;
	s11 =	sadd.s32 s6, s4;
	s4 =	sadd.s32 s31, s2  }
0xc: {  	s9 =	sadd.s32 s9, s10;
	s5 =	sadd.s32 $0x4000, s4;
	s6 =	sadd.s32 $0x8000, s4  }
0xd: {  	s7 =	sadd.s32 $0xC000, s4;
	s8 =	sadd.s32 $0x10000, s4;
	s10 =	sadd.s32 $0x1600, s11  }
0xe: {  	v0 =	vimm.f32 $0.0e+00;
	v1 =	vimm.f32 $1.000000000e+00;
	s11 =	smax.u32 s12, $0x1;
	s12 =	simm.s32 $0x16800;
	s17 =	sshrl.u32 s4, $0x3  }
.LBB2_1:
0xf: {  	s18 =	simm.s32 $0x0;
	s19 =	simm.s32 $0x200  }
.LBB2_2:
0x10: {  	p0 =	sne.s32 s19, $0xFE00;
	[tilespmem:s18+$0x16870] =	vst v0  }
0x11: {  	[tilespmem:s18+$0x16800] =	vst v0  }
0x12: {  	[tilespmem:s18+$0x16810] =	vst v0  }
.Ltmp0:
0x13: {  	[tilespmem:s18+$0x16820] =	vst v0;
	(pc) =	sbr.rel @p0 .LBB2_2-.Ltmp0, $4  }
0x14: {  	[tilespmem:s18+$0x16830] =	vst v0  }
0x15: {  	[tilespmem:s18+$0x16840] =	vst v0  }
0x16: {  	[tilespmem:s18+$0x16850] =	vst v0  }
0x17: {  	[tilespmem:s18+$0x16860] =	vst v0;
	s18 =	sshra.s32 s19, $0x2;
	s19 =	sadd.s32 $0x200, s19  }
0x18: {  	[tilespmem:s18+$0x16870] =	vst v0  }
0x19: {  	[tilespmem:s18+$0x16800] =	vst v0  }
0x1a: {  	[tilespmem:s18+$0x16810] =	vst v0  }
0x1b: {  	[tilespmem:s18+$0x16820] =	vst v0  }
0x1c: {  	[tilespmem:s18+$0x16830] =	vst v0  }
0x1d: {  	[tilespmem:s18+$0x16840] =	vst v0  }
0x1e: {  	[tilespmem:s18+$0x16850] =	vst v0  }
0x1f: {  	[tilespmem:s18+$0x16860] =	vst v0  }
0x20: {  	[spmem:s4] =	stream.linear.scatter [tilespmem:s12], [sflag:$0x1], $0x4000, $0x38;
	[tilespmem:$0x1A800] =	vst v63  }
0x21: {  	_ =	swait.ge [sflag:s13], $0x4000  }
0x22: {  	[sflag:s13] =	ssyncset.done $0x0  }
0x23: {  	[sflag:s13] =	ssyncadd.s32 $0xFFFFC000  }
0x24: {  	[spmem:s5] =	stream.linear.scatter [tilespmem:s12], [sflag:$0x1], $0x4000, $0x38;
	[tilespmem:$0x1A800] =	vst v63  }
0x25: {  	_ =	swait.ge [sflag:s13], $0x4000  }
0x26: {  	[sflag:s13] =	ssyncset.done $0x0  }
0x27: {  	[sflag:s13] =	ssyncadd.s32 $0xFFFFC000  }
0x28: {  	[spmem:s6] =	stream.linear.scatter [tilespmem:s12], [sflag:$0x1], $0x4000, $0x38;
	[tilespmem:$0x1A800] =	vst v63  }
0x29: {  	_ =	swait.ge [sflag:s13], $0x4000  }
0x2a: {  	[sflag:s13] =	ssyncset.done $0x0  }
0x2b: {  	[sflag:s13] =	ssyncadd.s32 $0xFFFFC000  }
0x2c: {  	[spmem:s7] =	stream.linear.scatter [tilespmem:s12], [sflag:$0x1], $0x4000, $0x38;
	[tilespmem:$0x1A800] =	vst v63  }
0x2d: {  	_ =	swait.ge [sflag:s13], $0x4000  }
0x2e: {  	[sflag:s13] =	ssyncset.done $0x0  }
0x2f: {  	[sflag:s13] =	ssyncadd.s32 $0xFFFFC000  }
0x30: {  	[spmem:s8] =	stream.linear.scatter [tilespmem:s12], [sflag:$0x1], $0x4000, $0x38;
	[tilespmem:$0x1A800] =	vst v63  }
0x31: {  	_ =	swait.ge [sflag:s13], $0x4000  }
0x32: {  	[sflag:s13] =	ssyncset.done $0x0  }
0x33: {  	s18 =	simm.s32 $0x0;
	s19 =	simm.s32 $0x200;
	[sflag:s13] =	ssyncadd.s32 $0xFFFFC000  }
.LBB2_4:
0x34: {  	p0 =	sne.s32 s19, $0xFE00;
	[tilespmem:s18+$0x16870] =	vst v1  }
0x35: {  	[tilespmem:s18+$0x16800] =	vst v1  }
0x36: {  	[tilespmem:s18+$0x16810] =	vst v1  }
.Ltmp1:
0x37: {  	[tilespmem:s18+$0x16820] =	vst v1;
	(pc) =	sbr.rel @p0 .LBB2_4-.Ltmp1, $4  }
0x38: {  	[tilespmem:s18+$0x16830] =	vst v1  }
0x39: {  	[tilespmem:s18+$0x16840] =	vst v1  }
0x3a: {  	[tilespmem:s18+$0x16850] =	vst v1  }
0x3b: {  	[tilespmem:s18+$0x16860] =	vst v1;
	s18 =	sshra.s32 s19, $0x2;
	s19 =	sadd.s32 $0x200, s19  }
0x3c: {  	[tilespmem:s18+$0x16870] =	vst v1  }
0x3d: {  	[tilespmem:s18+$0x16800] =	vst v1  }
0x3e: {  	[tilespmem:s18+$0x16810] =	vst v1  }
0x3f: {  	[tilespmem:s18+$0x16820] =	vst v1  }
0x40: {  	[tilespmem:s18+$0x16830] =	vst v1  }
0x41: {  	[tilespmem:s18+$0x16840] =	vst v1  }
0x42: {  	[tilespmem:s18+$0x16850] =	vst v1  }
0x43: {  	[tilespmem:s18+$0x16860] =	vst v1  }
0x44: {  	s30 =	simm.s32 $0x0;
	[bflag:$0x0] =	sbarrier.arrive $0xFFFF  }
0x45: {  	[tilespmem:s14], [sflag:$0x1] =	stream.linear.gather [hbm4b:s9+s30], $0x2780, $0x38;
	[tilespmem:$0x1A800] =	vst v63  }
0x46: {  	_ =	swait.ge [sflag:s13], $0x2780  }
0x47: {  	[sflag:s13] =	ssyncset.done $0x0  }
0x48: {  	s31 =	simm.s32 $0x14000;
	[sflag:s13] =	ssyncadd.s32 $0xFFFFD880  }
0x49: {  	[spmem:s2] =	stream.indirect.scatter.add.f32 [tilespmem:s12], [sflag:$0x1], $0x80, s31, s15, $0xb8;
	[tilespmem:$0x1A800] =	vst v63  }
0x4a: {  	s18 =	simm.s32 $0x200;
	_ =	swait.ge [sflag:s13], $0x4000  }
.LBB2_6:
0x4b: {  	s19 =	sshra.s32 s18, $0x2;
	[sflag:s13] =	ssyncset.done $0x0;
	p0 =	sne.s32 s18, $0x9C00  }
.Ltmp2:
0x4c: {  	s19 =	sadd.s32 $0x14000, s19;
	[sflag:s13] =	ssyncadd.s32 $0xFFFFC000;
	(pc) =	sbr.rel @p0 .LBB2_6-.Ltmp2, $3  }
0x4d: {  	[spmem:s2] =	stream.indirect.scatter.add.f32 [tilespmem:s12], [sflag:$0x1], $0x80, s19, s15, $0xb8;
	[tilespmem:$0x1A800] =	vst v63  }
0x4e: {  	s18 =	sadd.s32 $0x200, s18;
	_ =	sdelay $0x1  }
0x4f: {  	_ =	swait.ge [sflag:s13], $0x4000  }
0x50: {  	[sflag:s13] =	ssyncset.done $0x0;
	s3 =	sadd.s32 $0x1, s3  }
0x51: {  	[sflag:s13] =	ssyncadd.s32 $0xFFFFC000;
	p0 =	sne.s32 s3, s11  }
.Ltmp3:
0x52: {  	[bflag:$0x0] =	sbarrier.arrive $0xFFFF;
	(pc) =	sbr.rel @p0 .LBB2_1-.Ltmp3, $4  }
0x53: {  	[hbm:s10], [sflag:s16] =	dma.local [spmem:s17], $0x2800  }
0x54: {  	_ =	swait.ge [sflag:s13], $0x2800  }
0x55: {  	[sflag:s13] =	ssyncset.done $0x0  }
0x56: {  	[sflag:s13] =	ssyncadd.s32 $0xFFFFD800  }
0x57: {  	_ =	sfence.sel $0x180000  }
0x58: {  	[bflag:$0x0] =	sbarrier.arrive $0xFFFF  }
0x59: {  	p0 =	sne.s32 s1, $0x0;
	_ =	strace $0x90000047  }
0x5a: {  	s0 =	sadd.s32 @!p0 $0x100000, s0;
	[bflag:$0x2] =	sbarrier.arrive $0xFFFF  }
0x5b: {  	[sflag:s0] =	ssyncadd.tile.s32 @!p0 $0x1;
	_ =	shalt  }
.Lfunc_end2:
_tile_overlayer_lowered:
.L_overlay_start_2:
0x5c: {  	(tag) =	ssettag $0x2  }
0x5d: {  	s0 =	rddreg [dreg:$0x0];
	s2 =	stileid.u32  }
0x5e: {  	s1 =	rddreg [dreg:$0x1];
	p0 =	sne.s32 s2, $0x0  }
0x5f: {  	s3 =	rddreg [dreg:$0x2];
	[bflag:$0x3] =	sbarrier.arrive $0xFFFF;
	s2 =	simm.s32 @!p0 $0x1C01  }
0x60: {  	[timem:s3], [sflag:s2] =	dma.local @!p0 [hbm:s0], s1  }
0x61: {  	s0 =	simm.s32 @!p0 $0x1  }
0x62: {  	_ =	swait.ge @!p0 [sflag:s0], s1  }
0x63: {  	s1 =	ssub.s32 @!p0 $0x0, s1;
	[sflag:s0] =	ssyncset.done @!p0 $0x0  }
0x64: {  	[sflag:s0] =	ssyncadd.s32 @!p0 s1  }
0x65: {  	[bflag:$0x3] =	sbarrier.arrive $0xFFFF  }
0x66: {  	_ =	shalt  }

// kernel: kernel.9.cloned.1.call-start
scs
__scs_entry_jumppad:
0x0: {  	(pc) =	sbr.rel $0x88, $3  }
0x1: {  	(tag) =	ssettag $0x0;
	lr =	simm.s32 $0x1  }
0x2: {  	[smem:$0x3F95] =	sst lr;
	_ =	strace $0xD0000000  }
0x3: {  	_ = 	snop  }
0x4: {  	_ = 	snop  }
0x5: {  	_ = 	snop  }
0x6: {  	_ = 	snop  }
0x7: {  	_ = 	snop  }
__scs_overlays_trampoline_lowered:
0x8: {  	[smem:$0x3FA4] =	sst s0  }
0x9: {  	[smem:$0x3FA5] =	sst s1  }
0xa: {  	[smem:$0x3FA6] =	sst s2  }
0xb: {  	[smem:$0x3FA7] =	sst s3  }
0xc: {  	[smem:$0x3FA8] =	sst s4  }
0xd: {  	[smem:$0x3FA9] =	sst s5  }
0xe: {  	[smem:$0x3FAA] =	sst s6  }
0xf: {  	[smem:$0x3FAB] =	sst s7  }
0x10: {  	[smem:$0x3FAC] =	sst s8  }
0x11: {  	[smem:$0x3FAD] =	sst s9;
	s0 =	simm.s32 @!p0 $0x0  }
0x12: {  	s1 =	sld [smem:$0x3F93];
	s0 =	simm.s32 @p0 $0x1  }
0x13: {  	[smem:$0x3FAE] =	sst s0;
	s0 =	simm.s32 @!p1 $0x0  }
0x14: {  	s2 =	sld [smem:$0x3F92];
	s0 =	simm.s32 @p1 $0x1  }
0x15: {  	[smem:$0x3FAF] =	sst s0;
	s0 =	simm.s32 @!p2 $0x0  }
0x16: {  	s3 =	sld [smem:$0x3FDB];
	s0 =	simm.s32 @p2 $0x1  }
0x17: {  	s4 =	simm.s32 $0x1BF5;
	[smem:$0x3FB1] =	sst s0  }
0x18: {  	s0 =	sld [smem:$0x3F94];
	_ =	swait.ge [sflag:s4], $0x0  }
0x19: {  	s7 =	sld [smem:$0x3F95]  }
0x1a: {  	s8 =	sadd.s32 $0xFFFFE003, lr  }
0x1b: {  	s9 =	sadd.s32 $0xFFFFFEF7, lr;
	s5 =	simm.s32 $0xFFFFFFFF;
	p2 =	slt.u32 s8, $0xFFFFF086  }
0x1c: {  	p1 =	slt.u32 s9, $0xF7A;
	s5 =	simm.s32 @!p2 $0x0  }
0x1d: {  	s5 =	simm.s32 @p1 $0x1;
	p0 =	seq.s32 s7, s2  }
0x1e: {  	s7 =	smul.u32 @!p0 $0xF7A, s2;
	p2 =	seq.s32 @!p0 s5, $0x0  }
0x1f: {  	s9 =	smul.u32 $0xF7A, s1;
	s8 =	simm.s32 @!p0 $0x1BF5;
	p2 =	por !p2, p0  }
0x20: {  	[sflag:s8] =	ssyncset.s32 @!p0 $0xFFFFF086;
	s6 =	sadd.s32 @!p0 s3, s7;
	s7 =	simm.s32 @!p0 $0x108  }
0x21: {  	s3 =	sadd.s32 s3, s9;
	s6 =	sadd.s32 @!p0 $0x88, s6;
	s7 =	simm.s32 @p2 $0x1082  }
0x22: {  	[simem:s7], [sflag:s8] =	dma.local @!p0 [hbm:s6], $0xF7A  }
0x23: {  	s9 =	sor.u32 $0xD0000000, s2;
	s6 =	simm.s32 $0x108;
	_ =	swait.ge @!p0 [sflag:s8], $0x0  }
0x24: {  	s3 =	sadd.s32 $0x88, s3;
	s6 =	simm.s32 @!p1 $0x1082;
	[sflag:s4] =	ssyncset.s32 $0xFFFFF086  }
0x25: {  	[simem:s6], [sflag:s4] =	dma.local [hbm:s3], $0xF7A  }
0x26: {  	[smem:$0x3F95] =	sst s1;
	(tag) =	ssettag s2;
	_ =	strace s9  }
0x27: {  	s1 =	sld [smem:$0x3FA5]  }
0x28: {  	s2 =	sld [smem:$0x3FA6]  }
0x29: {  	s4 =	sld [smem:$0x3FA8]  }
0x2a: {  	p0 =	seq.s32 s5, $0x0;
	s5 =	sld [smem:$0x3FA9]  }
0x2b: {  	s6 =	sld [smem:$0x3FAA]  }
0x2c: {  	s7 =	sld [smem:$0x3FAB]  }
0x2d: {  	s3 =	simm.s32 $0x108;
	s8 =	sld [smem:$0x3FAC]  }
0x2e: {  	s3 =	simm.s32 @!p0 $0x1082;
	s9 =	sld [smem:$0x3FAD]  }
0x2f: {  	lr =	sadd.s32 s0, s3;
	s0 =	sld [smem:$0x3FA4]  }
0x30: {  	s3 =	sld [smem:$0x3FA7]  }
0x31: {  	[smem:$0x3FB0] =	sst s10  }
0x32: {  	s10 =	sld [smem:$0x3FAE];
	_ =	sdelay $0x3  }
0x33: {  	p0 =	seq.s32 s10, $0x1;
	s10 =	sld [smem:$0x3FB0];
	_ =	sdelay $0x3  }
0x34: {  	[smem:$0x3FB0] =	sst s10  }
0x35: {  	s10 =	sld [smem:$0x3FAF];
	_ =	sdelay $0x3  }
0x36: {  	p1 =	seq.s32 s10, $0x1;
	s10 =	sld [smem:$0x3FB0];
	_ =	sdelay $0x3  }
0x37: {  	[smem:$0x3FB0] =	sst s10  }
0x38: {  	s10 =	sld [smem:$0x3FB1]  }
0x39: {  	_ = 	snop;
	(pc) =	sbr.ind lr, $3  }
0x3a: {  	_ = 	snop  }
0x3b: {  	_ = 	snop  }
0x3c: {  	p2 =	seq.s32 s10, $0x1;
	s10 =	sld [smem:$0x3FB0]  }
0x3d: {  	_ =	shalt  }
0x3e: {  	_ =	shalt  }
0x3f: {  	_ =	shalt  }
0x40: {  	_ =	shalt  }
0x41: {  	_ =	shalt  }
0x42: {  	_ =	shalt  }
0x43: {  	_ =	shalt  }
0x44: {  	_ =	shalt  }
0x45: {  	_ =	shalt  }
0x46: {  	_ =	shalt  }
0x47: {  	_ =	shalt  }
0x48: {  	_ =	shalt  }
0x49: {  	_ =	shalt  }
0x4a: {  	_ =	shalt  }
0x4b: {  	_ =	shalt  }
0x4c: {  	_ =	shalt  }
0x4d: {  	_ =	shalt  }
0x4e: {  	_ =	shalt  }
0x4f: {  	_ =	shalt  }
0x50: {  	_ =	shalt  }
0x51: {  	_ =	shalt  }
0x52: {  	_ =	shalt  }
0x53: {  	_ =	shalt  }
0x54: {  	_ =	shalt  }
0x55: {  	_ =	shalt  }
0x56: {  	_ =	shalt  }
0x57: {  	_ =	shalt  }
0x58: {  	_ =	shalt  }
0x59: {  	_ =	shalt  }
0x5a: {  	_ =	shalt  }
0x5b: {  	_ =	shalt  }
0x5c: {  	_ =	shalt  }
0x5d: {  	_ =	shalt  }
0x5e: {  	_ =	shalt  }
0x5f: {  	_ =	shalt  }
0x60: {  	_ =	shalt  }
0x61: {  	_ =	shalt  }
0x62: {  	_ =	shalt  }
0x63: {  	_ =	shalt  }
0x64: {  	_ =	shalt  }
0x65: {  	_ =	shalt  }
0x66: {  	_ =	shalt  }
0x67: {  	_ =	shalt  }
0x68: {  	_ =	shalt  }
0x69: {  	_ =	shalt  }
0x6a: {  	_ =	shalt  }
0x6b: {  	_ =	shalt  }
0x6c: {  	_ =	shalt  }
0x6d: {  	_ =	shalt  }
0x6e: {  	_ =	shalt  }
0x6f: {  	_ =	shalt  }
0x70: {  	_ =	shalt  }
0x71: {  	_ =	shalt  }
0x72: {  	_ =	shalt  }
0x73: {  	_ =	shalt  }
0x74: {  	_ =	shalt  }
0x75: {  	_ =	shalt  }
0x76: {  	_ =	shalt  }
0x77: {  	_ =	shalt  }
0x78: {  	_ =	shalt  }
0x79: {  	_ =	shalt  }
0x7a: {  	_ =	shalt  }
0x7b: {  	_ =	shalt  }
0x7c: {  	_ =	shalt  }
0x7d: {  	_ =	shalt  }
0x7e: {  	_ =	shalt  }
0x7f: {  	_ =	shalt  }
0x80: {  	_ =	shalt  }
0x81: {  	_ =	shalt  }
0x82: {  	_ =	shalt  }
0x83: {  	_ =	shalt  }
0x84: {  	_ =	shalt  }
0x85: {  	_ =	shalt  }
0x86: {  	_ =	shalt  }
0x87: {  	_ =	shalt  }
.Lfunc_end0:
.L_simem_size_0:
called_computation.1_lowered:
.L_overlay_start_0:
0x88: {  	s2 =	sld [smem:$0x3FD9]  }
0x89: {  	s3 =	sld [smem:$0x3FFE];
	_ =	sdelay $0x1  }
0x8a: {  	s1 =	srdreg.scid  }
0x8b: {  	s0 =	sand.u32 $0x1, s1  }
0x8c: {  	s17 =	sshll.u32 s0, $0xA;
	s2 =	sadd.s32 s3, s2  }
0x8d: {  	s2 =	sadd.s32 s2, s17  }
0x8e: {  	[smem:$0x3FBC] =	sst s2  }
0x8f: {  	_ = 	snop  }
0x90: {  	s2 =	sld [smem:$0x3FC6];
	(tm) =	ssettm $0x1  }
0x91: {  	s18 =	sld [smem:$0x3FFB];
	_ =	sdelay $0x3  }
0x92: {  	_ =	strace s18  }
0x93: {  	s3 =	sld [smem:$0x3FFC];
	_ =	sdelay $0x3  }
0x94: {  	_ =	strace s3  }
0x95: {  	s3 =	sld [smem:$0x3FFD];
	_ =	sdelay $0x3  }
0x96: {  	_ =	strace s3  }
0x97: {  	_ =	strace $0x8FFFFFFF  }
0x98: {  	s19 =	sld [smem:$0x3FDB];
	_ =	sdelay $0x1  }
0x99: {  	s4 =	simm.s32 $_scs_section_size  }
0x9a: {  	s5 =	simm.s32 $_size__tile_overlayer_lowered;
	s6 =	simm.s32 $_tile_overlayer_lowered  }
0x9b: {  	s22 =	simm.s32 $0x1BFF;
	s21 =	sshll.u32 s6, $0x1;
	s3 =	sadd.s32 s4, s19  }
0x9c: {  	s7 =	simm.s32 $0x0;
	s20 =	sshll.u32 s5, $0x1;
	s5 =	sadd.s32 s21, s3  }
0x9d: {  	[timem:s7], [sflag:s22] =	dma.local [hbm:s5], s20  }
0x9e: {  	_ =	swait.ge [sflag:s22], s20  }
0x9f: {  	s4 =	ssub.s32 $0x0, s20;
	[sflag:s22] =	ssyncset.done $0x0  }
0xa0: {  	[sflag:s22] =	ssyncadd.s32 s4;
	_ =	sdelay $0x1  }
0xa1: {  	s23 =	simm.s32 $0x1B8B  }
0xa2: {  	_ =	swait.ge [sflag:s23], $0x1  }
0xa3: {  	[sflag:s23] =	ssyncset.done $0x0  }
0xa4: {  	s25 =	simm.s32 $0x1B8E;
	s24 =	sld [smem:$0x3FFE];
	[sflag:s23] =	ssyncadd.s32 $0xFFFFFFFF  }
0xa5: {  	s26 =	simm.s32 $execute0_lowered;
	[smem:$0x3FD2] =	sst s25  }
0xa6: {  	s5 =	sshll.u32 s26, $0x1;
	_ =	strace $0x80000049;
	[dreg:$0x1] =	wrdreg $0xFFFFFFFF  }
0xa7: {  	s28 =	simm.s32 $_size_execute0_lowered;
	s3 =	sadd.s32 s3, s5;
	[dreg:$0x0] =	wrdreg $0x0  }
0xa8: {  	s5 =	sshll.u32 s28, $0x1;
	[dreg:$0x2] =	wrdreg s3  }
0xa9: {  	[dreg:$0x3] =	wrdreg s5  }
0xaa: {  	[dreg:$0x4] =	wrdreg $0xC0  }
0xab: {  	_ =	task [dreg:s7], $0x5FFFF  }
0xac: {  	[dreg:$0x1] =	wrdreg $0xFFFFFFFF  }
0xad: {  	[dreg:$0x0] =	wrdreg $0x60  }
0xae: {  	[dreg:$0x2] =	wrdreg s24  }
0xaf: {  	[dreg:$0x3] =	wrdreg s2  }
0xb0: {  	[dreg:$0x4] =	wrdreg $0x0  }
0xb1: {  	[dreg:$0x5] =	wrdreg $0x9  }
0xb2: {  	_ =	task.clear_ibuf [dreg:s7], $0x6FFFF;
	_ =	strace $0x90000049  }
0xb3: {  	s29 =	simm.s32 $0x9;
	_ =	strace $0x8000004B  }
0xb4: {  	_ =	swait.ge [sflag:s29], $0x1  }
0xb5: {  	[sflag:s29] =	ssyncadd.s32 $0xFFFFFFFF  }
0xb6: {  	_ =	strace $0x9000004B  }
0xb7: {  	_ =	sfence  }
0xb8: {  	s30 =	sld [smem:$0x0];
	_ =	sdelay $0x2  }
0xb9: {  	s31 =	sshll.u32 s1, $0xD;
	s1 =	sshrl.u32 s1, $0x2  }
0xba: {  	s3 =	sand.u32 $0x4000, s31;
	s1 =	sadd.s32 s1, s30  }
0xbb: {  	s0 =	sor.u32 s3, s0;
	s1 =	sshll.u32 s1, $0x11  }
0xbc: {  	s0 =	sor.u32 s1, s0  }
0xbd: {  	s0 =	sadd.s32 $0x8F2B, s0  }
0xbe: {  	[sflag:s0] =	ssyncadd.remote.s32 $0x1  }
0xbf: {  	_ =	sfence.sel $0xFFFF  }
0xc0: {  	[dreg:$0x0] =	wrdreg $0xFFFFFFFF;
	(pc) =	sbr.abs _section_cstart, $3  }
0xc1: {  	[dreg:$0x1] =	wrdreg $0xFFFFFFFF  }
0xc2: {  	_ =	task.clear_ibuf [dreg:s7], $0x2FFFF;
	_ =	strace $0x9FFFFFFF  }
0xc3: {  	(tm) =	ssettm $0x7FFFFFFF  }
tec
execute0_lowered:
.L_overlay_start_1:
0x0: {  	(tag) =	ssettag $0x1  }
0x1: {  	s0 =	rddreg [dreg:$0x0]  }
0x2: {  	s1 =	rddreg [dreg:$0x1]  }
0x3: {  	s2 =	rddreg [dreg:$0x2];
	s3 =	srdreg.scid;
	s4 =	simm.s32 $0x0  }
0x4: {  	s11 =	stileid.u32;
	s28 =	simm.s32 $0x14200;
	s29 =	simm.s32 $0x16D00  }
0x5: {  	s30 =	simm.s32 $0x14280;
	s31 =	simm.s32 $0x1BD00;
	s8 =	smul.u32 $0x14000, s11  }
0x6: {  	s12 =	simm.s32 $0x0;
	s3 =	sand.u32 $0x1, s3;
	s18 =	smul.u32 $0x50000, s11  }
0x7: {  	[smem:$0x7FF] =	sst s4;
	s5 =	sadd.s32 $0x51600, s0;
	s7 =	smul.u32 $0x140000, s3  }
0x8: {  	s6 =	sadd.s32 $0x90600, s0;
	s11 =	smul.u32 $0xFC00, s11;
	_ =	strace $0x8000004A  }
0x9: {  	s9 =	ssub.s32 $0x2, s3;
	s3 =	smul.u32 $0xFC000, s3;
	s7 =	sadd.s32 s8, s7  }
0xa: {  	s10 =	sshrl.u32 s9, $0x1;
	s8 =	sshrl.u32 s18, $0x2;
	s7 =	sshrl.u32 s7, $0x3  }
0xb: {  	s9 =	ssub.s32 s9, s10;
	s0 =	sadd.s32 s7, s0;
	s7 =	sadd.s32 s8, s2  }
0xc: {  	s3 =	sadd.s32 s11, s3;
	s10 =	simm.s32 $0x14480;
	s8 =	sadd.s32 $0x2800, s7  }
0xd: {  	s11 =	simm.s32 $0x6;
	s19 =	sadd.s32 $0x5000, s7;
	[dreg:$0x4] =	wrdreg s8  }
0xe: {  	s22 =	sshrl.u32 s3, $0x3;
	s20 =	sadd.s32 $0x7800, s7;
	[dreg:$0x5] =	wrdreg s19  }
0xf: {  	s17 =	sadd.s32 $0x400, s3;
	s21 =	sadd.s32 $0xA000, s7;
	[dreg:$0x6] =	wrdreg s20  }
0x10: {  	s18 =	sadd.s32 $0x600, s3;
	s23 =	sadd.s32 $0xC800, s7;
	[dreg:$0x7] =	wrdreg s21  }
0x11: {  	s3 =	simm.s32 $0x14400;
	s24 =	sadd.s32 $0xF000, s7;
	[dreg:$0x8] =	wrdreg s23  }
0x12: {  	s14 =	sadd.s32 s5, s22;
	s25 =	sadd.s32 $0x11800, s7;
	[dreg:$0x9] =	wrdreg s24  }
.Ltmp0:
0x13: {  	s26 =	sadd.s32 $0x40, s14;
	[dreg:$0xa] =	wrdreg s25;
	(pc) =	sbr.rel .LBB2_1-.Ltmp0, $4  }
0x14: {  	s22 =	simm.s32 $0x7;
	s0 =	sadd.s32 $0xE0600, s0;
	[dreg:$0xb] =	wrdreg s26  }
0x15: {  	[dreg:$0xc] =	wrdreg s0;
	s20 =	smax.u32 s9, $0x1;
	s21 =	simm.s32 $0x14500  }
0x16: {  	s24 =	simm.s32 $0x50;
	s26 =	simm.s32 $0x19500;
	s0 =	simm.s32 $0x1  }
0x17: {  	v0 =	vimm.f32 $0.0e+00;
	s25 =	simm.s32 $0x3;
	s8 =	simm.s32 $0x2;
	s9 =	simm.s32 $0x4  }
.LBB2_10:
0x18: {  	_ =	swait.ge [sflag:s11], $0x2800  }
0x19: {  	s13 =	stileid.u32;
	[sflag:s11] =	ssyncset.done $0x0  }
0x1a: {  	s15 =	sshrl.u32 s7, $0x3;
	s12 =	sadd.s32 $0x1, s12;
	[sflag:s11] =	ssyncadd.s32 $0xFFFFD800  }
0x1b: {  	s13 =	sshll.u32 s13, $0x6;
	p0 =	sne.s32 s12, s20;
	[bflag:$0x0] =	sbarrier.arrive $0xFFFF  }
.Ltmp1:
0x1c: {  	s13 =	sor.u32 $0x1C07, s13;
	s16 =	rddreg [dreg:$0xc];
	(pc) =	sbr.rel @!p0 .LBB2_11-.Ltmp1, $4  }
0x1d: {  	[hbm:s16], [sflag:s13] =	dma.local [spmem:s15], $0x2800  }
0x1e: {  	_ =	swait.ge [sflag:s22], $0x2800  }
0x1f: {  	[sflag:s22] =	ssyncset.done $0x0  }
0x20: {  	[sflag:s22] =	ssyncadd.s32 $0xFFFFD800  }
.LBB2_1:
0x21: {  	s13 =	simm.s32 $0x0;
	s15 =	simm.s32 $0x200  }
.LBB2_2:
0x22: {  	p0 =	sne.s32 s15, $0x9E00;
	[tilespmem:s13+$0x14570] =	vst v0  }
0x23: {  	[tilespmem:s13+$0x14500] =	vst v0  }
0x24: {  	[tilespmem:s13+$0x14510] =	vst v0  }
.Ltmp2:
0x25: {  	[tilespmem:s13+$0x14520] =	vst v0;
	(pc) =	sbr.rel @p0 .LBB2_2-.Ltmp2, $4  }
0x26: {  	[tilespmem:s13+$0x14530] =	vst v0  }
0x27: {  	[tilespmem:s13+$0x14540] =	vst v0  }
0x28: {  	[tilespmem:s13+$0x14550] =	vst v0  }
0x29: {  	[tilespmem:s13+$0x14560] =	vst v0;
	s13 =	sshra.s32 s15, $0x2;
	s15 =	sadd.s32 $0x200, s15  }
0x2a: {  	[tilespmem:s13+$0x14570] =	vst v0  }
0x2b: {  	[tilespmem:s13+$0x14500] =	vst v0  }
0x2c: {  	[tilespmem:s13+$0x14510] =	vst v0  }
0x2d: {  	[tilespmem:s13+$0x14520] =	vst v0  }
0x2e: {  	[tilespmem:s13+$0x14530] =	vst v0  }
0x2f: {  	[tilespmem:s13+$0x14540] =	vst v0  }
0x30: {  	[tilespmem:s13+$0x14550] =	vst v0  }
0x31: {  	[tilespmem:s13+$0x14560] =	vst v0  }
0x32: {  	[spmem:s7] =	stream.linear.scatter [tilespmem:s21], [sflag:$0x7], $0x2800, $0x38;
	[tilespmem:$0x1E500] =	vst v63  }
0x33: {  	_ =	swait.ge [sflag:s22], $0x2800  }
0x34: {  	[sflag:s22] =	ssyncset.done $0x0  }
0x35: {  	s23 =	rddreg [dreg:$0x4];
	[sflag:s22] =	ssyncadd.s32 $0xFFFFD800  }
0x36: {  	[spmem:s23] =	stream.linear.scatter [tilespmem:s21], [sflag:$0x7], $0x2800, $0x38;
	[tilespmem:$0x1E500] =	vst v63  }
0x37: {  	_ =	swait.ge [sflag:s22], $0x2800  }
0x38: {  	[sflag:s22] =	ssyncset.done $0x0  }
0x39: {  	s15 =	rddreg [dreg:$0x5];
	[sflag:s22] =	ssyncadd.s32 $0xFFFFD800  }
0x3a: {  	[spmem:s15] =	stream.linear.scatter [tilespmem:s21], [sflag:$0x7], $0x2800, $0x38;
	[tilespmem:$0x1E500] =	vst v63  }
0x3b: {  	_ =	swait.ge [sflag:s22], $0x2800  }
0x3c: {  	[sflag:s22] =	ssyncset.done $0x0  }
0x3d: {  	s16 =	rddreg [dreg:$0x6];
	[sflag:s22] =	ssyncadd.s32 $0xFFFFD800  }
0x3e: {  	[spmem:s16] =	stream.linear.scatter [tilespmem:s21], [sflag:$0x7], $0x2800, $0x38;
	[tilespmem:$0x1E500] =	vst v63  }
0x3f: {  	_ =	swait.ge [sflag:s22], $0x2800  }
0x40: {  	[sflag:s22] =	ssyncset.done $0x0  }
0x41: {  	s19 =	rddreg [dreg:$0x7];
	[sflag:s22] =	ssyncadd.s32 $0xFFFFD800  }
0x42: {  	[spmem:s19] =	stream.linear.scatter [tilespmem:s21], [sflag:$0x7], $0x2800, $0x38;
	[tilespmem:$0x1E500] =	vst v63  }
0x43: {  	_ =	swait.ge [sflag:s22], $0x2800  }
0x44: {  	[sflag:s22] =	ssyncset.done $0x0  }
0x45: {  	s23 =	rddreg [dreg:$0x8];
	[sflag:s22] =	ssyncadd.s32 $0xFFFFD800  }
0x46: {  	[spmem:s23] =	stream.linear.scatter [tilespmem:s21], [sflag:$0x7], $0x2800, $0x38;
	[tilespmem:$0x1E500] =	vst v63  }
0x47: {  	_ =	swait.ge [sflag:s22], $0x2800  }
0x48: {  	[sflag:s22] =	ssyncset.done $0x0  }
0x49: {  	s15 =	rddreg [dreg:$0x9];
	[sflag:s22] =	ssyncadd.s32 $0xFFFFD800  }
0x4a: {  	[spmem:s15] =	stream.linear.scatter [tilespmem:s21], [sflag:$0x7], $0x2800, $0x38;
	[tilespmem:$0x1E500] =	vst v63  }
0x4b: {  	_ =	swait.ge [sflag:s22], $0x2800  }
0x4c: {  	[sflag:s22] =	ssyncset.done $0x0  }
0x4d: {  	s16 =	rddreg [dreg:$0xa];
	[sflag:s22] =	ssyncadd.s32 $0xFFFFD800  }
0x4e: {  	[spmem:s16] =	stream.linear.scatter [tilespmem:s21], [sflag:$0x7], $0x2800, $0x38;
	[tilespmem:$0x1E500] =	vst v63  }
0x4f: {  	_ =	swait.ge [sflag:s22], $0x2800  }
0x50: {  	[sflag:s22] =	ssyncset.done $0x0  }
0x51: {  	[sflag:s22] =	ssyncadd.s32 $0xFFFFD800  }
0x52: {  	s13 =	simm.s32 $0x0;
	s15 =	simm.s32 $0x14000;
	[bflag:$0x0] =	sbarrier.arrive $0xFFFF  }
0x53: {  	[tilespmem:s15], [sflag:$0x7] =	stream.linear.gather [hbm4b:s14+s13], $0x180, $0x38;
	[tilespmem:$0x1E500] =	vst v63  }
0x54: {  	_ =	swait.ge [sflag:s22], $0x180  }
0x55: {  	[sflag:s22] =	ssyncset.done $0x0  }
0x56: {  	[sflag:s22] =	ssyncadd.s32 $0xFFFFFE80  }
0x57: {  	[tilespmem:s21], [sflag:$0x1] =	stream.indirect.gather [hbm4b:s6+s24], $0x80, s15, s24, $0xb8;
	[tilespmem:$0x1E500] =	vst v63  }
0x58: {  	s19 =	simm.s32 $0x14080  }
0x59: {  	[tilespmem:s26], [sflag:$0x3] =	stream.indirect.gather [hbm4b:s1+s24], $0x80, s19, s24, $0xb8;
	[tilespmem:$0x1E500] =	vst v63  }
0x5a: {  	s23 =	rddreg [dreg:$0xb]  }
0x5b: {  	[tilespmem:s28], [sflag:$0x7] =	stream.linear.gather [hbm4b:s23+s13], $0x180, $0x38;
	[tilespmem:$0x1E500] =	vst v63  }
0x5c: {  	_ =	swait.ge [sflag:s22], $0x180  }
0x5d: {  	[sflag:s22] =	ssyncset.done $0x0  }
0x5e: {  	[sflag:s22] =	ssyncadd.s32 $0xFFFFFE80  }
0x5f: {  	[tilespmem:s29], [sflag:$0x2] =	stream.indirect.gather [hbm4b:s6+s24], $0x80, s28, s24, $0xb8;
	[tilespmem:$0x1E500] =	vst v63  }
0x60: {  	_ = 	snop  }
0x61: {  	[tilespmem:s31], [sflag:$0x4] =	stream.indirect.gather [hbm4b:s1+s24], $0x80, s30, s24, $0xb8;
	[tilespmem:$0x1E500] =	vst v63  }
.LBB2_4:
0x62: {  	_ =	swait.ge [sflag:s0], $0x2800  }
0x63: {  	[sflag:s0] =	ssyncset.done $0x0  }
0x64: {  	[sflag:s0] =	ssyncadd.s32 $0xFFFFD800  }
0x65: {  	_ =	swait.ge [sflag:s25], $0x2800  }
0x66: {  	[sflag:s25] =	ssyncset.done $0x0  }
0x67: {  	[sflag:s25] =	ssyncadd.s32 $0xFFFFD800  }
0x68: {  	v1 =	vld [tilespmem:$0x14100]  }
0x69: {  	v2 =	vld [tilespmem:$0x14110]  }
0x6a: {  	v3 =	vld [tilespmem:$0x14120]  }
0x6b: {  	v4 =	vld [tilespmem:$0x14130]  }
0x6c: {  	v5 =	vld [tilespmem:$0x14140]  }
0x6d: {  	[tilespmem:$0x14400] =	vst v1  }
0x6e: {  	[tilespmem:$0x14410] =	vst v2  }
0x6f: {  	[tilespmem:$0x14420] =	vst v3  }
0x70: {  	[tilespmem:$0x14430] =	vst v4  }
0x71: {  	s15 =	simm.s32 $0x0;
	[tilespmem:$0x14440] =	vst v5  }
0x72: {  	v8 =	vld [tilespmem:s15+$0x14500]  }
0x73: {  	v12 =	vld [tilespmem:s15+$0x14510]  }
0x74: {  	v6 =	vld [tilespmem:s15+$0x14520]  }
0x75: {  	v5 =	vld [tilespmem:s15+$0x14530]  }
0x76: {  	v4 =	vld [tilespmem:s15+$0x14540]  }
0x77: {  	v3 =	vld [tilespmem:s15+$0x14550]  }
0x78: {  	v2 =	vld [tilespmem:s15+$0x14560]  }
0x79: {  	v1 =	vld [tilespmem:s15+$0x14570]  }
0x7a: {  	v13 =	vld [tilespmem:s15+$0x19500]  }
0x7b: {  	v14 =	vld [tilespmem:s15+$0x19510]  }
0x7c: {  	v11 =	vld [tilespmem:s15+$0x19520]  }
0x7d: {  	v10 =	vld [tilespmem:s15+$0x19530]  }
0x7e: {  	v9 =	vld [tilespmem:s15+$0x19540]  }
0x7f: {  	v7 =	vld [tilespmem:s15+$0x19550];
	v13 =	vmul.f32 v13, v8  }
0x80: {  	s16 =	simm.s32 $0x200;
	v12 =	vmul.f32 v14, v12;
	v8 =	vld [tilespmem:s15+$0x19560]  }
.LBB2_5:
0x81: {  	s23 =	sshra.s32 s16, $0x2;
	p0 =	sne.s32 s16, $0x9E00;
	[tilespmem:s15+$0x19500] =	vst v13;
	v6 =	vmul.f32 v11, v6;
	v11 =	vld [tilespmem:s15+$0x19570]  }
0x82: {  	v13 =	vld [tilespmem:s23+$0x14500];
	[tilespmem:s15+$0x19510] =	vst v12;
	v5 =	vmul.f32 v10, v5  }
0x83: {  	v12 =	vld [tilespmem:s23+$0x14510];
	[tilespmem:s15+$0x19520] =	vst v6;
	v4 =	vmul.f32 v9, v4  }
0x84: {  	v6 =	vld [tilespmem:s23+$0x14520];
	[tilespmem:s15+$0x19530] =	vst v5;
	v3 =	vmul.f32 v7, v3  }
0x85: {  	v5 =	vld [tilespmem:s23+$0x14530];
	[tilespmem:s15+$0x19540] =	vst v4;
	v2 =	vmul.f32 v8, v2  }
0x86: {  	v4 =	vld [tilespmem:s23+$0x14540];
	[tilespmem:s15+$0x19550] =	vst v3;
	v1 =	vmul.f32 v11, v1  }
0x87: {  	v3 =	vld [tilespmem:s23+$0x14550];
	[tilespmem:s15+$0x19560] =	vst v2  }
0x88: {  	v2 =	vld [tilespmem:s23+$0x14560];
	[tilespmem:s15+$0x19570] =	vst v1;
	s15 =	smov.u32 s23  }
0x89: {  	v1 =	vld [tilespmem:s15+$0x14570]  }
0x8a: {  	v7 =	vld [tilespmem:s15+$0x19500]  }
0x8b: {  	v8 =	vld [tilespmem:s15+$0x19510]  }
.Ltmp3:
0x8c: {  	v11 =	vld [tilespmem:s15+$0x19520];
	(pc) =	sbr.rel @p0 .LBB2_5-.Ltmp3, $4  }
0x8d: {  	v10 =	vld [tilespmem:s15+$0x19530]  }
0x8e: {  	v9 =	vld [tilespmem:s15+$0x19540]  }
0x8f: {  	v13 =	vmul.f32 v7, v13;
	v7 =	vld [tilespmem:s15+$0x19550]  }
0x90: {  	s16 =	sadd.s32 $0x200, s16;
	v12 =	vmul.f32 v8, v12;
	v8 =	vld [tilespmem:s15+$0x19560]  }
0x91: {  	[tilespmem:s15+$0x19500] =	vst v13;
	v6 =	vmul.f32 v11, v6;
	v11 =	vld [tilespmem:s15+$0x19570]  }
0x92: {  	[tilespmem:s15+$0x19510] =	vst v12;
	v5 =	vmul.f32 v10, v5  }
0x93: {  	[tilespmem:s15+$0x19520] =	vst v6;
	v4 =	vmul.f32 v9, v4  }
0x94: {  	[tilespmem:s15+$0x19530] =	vst v5;
	v3 =	vmul.f32 v7, v3  }
0x95: {  	[tilespmem:s15+$0x19540] =	vst v4;
	v2 =	vmul.f32 v8, v2  }
0x96: {  	[tilespmem:s15+$0x19550] =	vst v3;
	v1 =	vmul.f32 v11, v1  }
0x97: {  	p0 =	seq.s32 s13, $0x3E;
	[tilespmem:s15+$0x19560] =	vst v2  }
0x98: {  	s16 =	simm.s32 @p0 $0x5;
	[tilespmem:s15+$0x19570] =	vst v1  }
0x99: {  	[spmem:s2] =	stream.indirect.scatter.add.f32 [tilespmem:s26], [sflag:$0x5], $0x80, s3, s24, $0xb8;
	[tilespmem:$0x1E500] =	vst v63  }
0x9a: {  	s15 =	sshll.u32 s13, $0xA;
	_ =	swait.ge @p0 [sflag:s16], $0x2800  }
0x9b: {  	s23 =	sadd.s32 @!p0 s15, s17;
	[sflag:s16] =	ssyncset.done @p0 $0x0  }
0x9c: {  	[sflag:s16] =	ssyncadd.s32 @p0 $0xFFFFD800;
	s16 =	sshrl.u32 @!p0 s23, $0x3  }
0x9d: {  	s19 =	simm.s32 @!p0 $0x14000;
	s23 =	simm.s32 @!p0 $0x0;
	s16 =	sadd.s32 @!p0 s5, s16  }
0x9e: {  	[tilespmem:s19], [sflag:$0x7] =	stream.linear.gather @!p0 [hbm4b:s16+s23], $0x180, $0x38;
	[tilespmem:$0x1E500] =	vst v63  }
0x9f: {  	s16 =	simm.s32 @!p0 $0x7  }
0xa0: {  	_ =	swait.ge @!p0 [sflag:s16], $0x180  }
0xa1: {  	[sflag:s16] =	ssyncset.done @!p0 $0x0  }
0xa2: {  	s23 =	simm.s32 @!p0 $0x14500;
	[sflag:s16] =	ssyncadd.s32 @!p0 $0xFFFFFE80;
	s16 =	simm.s32 @!p0 $0x50  }
0xa3: {  	[tilespmem:s23], [sflag:$0x1] =	stream.indirect.gather @!p0 [hbm4b:s6+s16], $0x80, s19, s16, $0xb8;
	[tilespmem:$0x1E500] =	vst v63  }
0xa4: {  	s19 =	simm.s32 @!p0 $0x5  }
0xa5: {  	_ =	swait.ge @!p0 [sflag:s19], $0x2800  }
0xa6: {  	[sflag:s19] =	ssyncset.done @!p0 $0x0  }
0xa7: {  	s23 =	simm.s32 @!p0 $0x19500;
	[sflag:s19] =	ssyncadd.s32 @!p0 $0xFFFFD800;
	s19 =	simm.s32 @!p0 $0x14080  }
0xa8: {  	[tilespmem:s23], [sflag:$0x3] =	stream.indirect.gather @!p0 [hbm4b:s1+s16], $0x80, s19, s16, $0xb8;
	[tilespmem:$0x1E500] =	vst v63  }
0xa9: {  	_ =	swait.ge [sflag:s8], $0x2800  }
0xaa: {  	[sflag:s8] =	ssyncset.done $0x0  }
0xab: {  	[sflag:s8] =	ssyncadd.s32 $0xFFFFD800  }
0xac: {  	_ =	swait.ge [sflag:s9], $0x2800  }
0xad: {  	[sflag:s9] =	ssyncset.done $0x0  }
0xae: {  	[sflag:s9] =	ssyncadd.s32 $0xFFFFD800  }
0xaf: {  	v1 =	vld [tilespmem:$0x14300]  }
0xb0: {  	v2 =	vld [tilespmem:$0x14310]  }
0xb1: {  	v3 =	vld [tilespmem:$0x14320]  }
0xb2: {  	v4 =	vld [tilespmem:$0x14330]  }
0xb3: {  	v5 =	vld [tilespmem:$0x14340]  }
0xb4: {  	[tilespmem:$0x14480] =	vst v1  }
0xb5: {  	[tilespmem:$0x14490] =	vst v2  }
0xb6: {  	[tilespmem:$0x144A0] =	vst v3  }
0xb7: {  	[tilespmem:$0x144B0] =	vst v4  }
0xb8: {  	s16 =	simm.s32 $0x0;
	[tilespmem:$0x144C0] =	vst v5  }
0xb9: {  	v8 =	vld [tilespmem:s16+$0x16D00]  }
0xba: {  	v12 =	vld [tilespmem:s16+$0x16D10]  }
0xbb: {  	v6 =	vld [tilespmem:s16+$0x16D20]  }
0xbc: {  	v5 =	vld [tilespmem:s16+$0x16D30]  }
0xbd: {  	v4 =	vld [tilespmem:s16+$0x16D40]  }
0xbe: {  	v3 =	vld [tilespmem:s16+$0x16D50]  }
0xbf: {  	v2 =	vld [tilespmem:s16+$0x16D60]  }
0xc0: {  	v1 =	vld [tilespmem:s16+$0x16D70]  }
0xc1: {  	v13 =	vld [tilespmem:s16+$0x1BD00]  }
0xc2: {  	v14 =	vld [tilespmem:s16+$0x1BD10]  }
0xc3: {  	v11 =	vld [tilespmem:s16+$0x1BD20]  }
0xc4: {  	v10 =	vld [tilespmem:s16+$0x1BD30]  }
0xc5: {  	v9 =	vld [tilespmem:s16+$0x1BD40]  }
0xc6: {  	v7 =	vld [tilespmem:s16+$0x1BD50];
	v13 =	vmul.f32 v13, v8  }
0xc7: {  	s23 =	simm.s32 $0x200;
	v12 =	vmul.f32 v14, v12;
	v8 =	vld [tilespmem:s16+$0x1BD60]  }
.LBB2_7:
0xc8: {  	s19 =	sshra.s32 s23, $0x2;
	p1 =	sne.s32 s23, $0x9E00;
	[tilespmem:s16+$0x1BD00] =	vst v13;
	v6 =	vmul.f32 v11, v6;
	v11 =	vld [tilespmem:s16+$0x1BD70]  }
0xc9: {  	v13 =	vld [tilespmem:s19+$0x16D00];
	[tilespmem:s16+$0x1BD10] =	vst v12;
	v5 =	vmul.f32 v10, v5  }
0xca: {  	v12 =	vld [tilespmem:s19+$0x16D10];
	[tilespmem:s16+$0x1BD20] =	vst v6;
	v4 =	vmul.f32 v9, v4  }
0xcb: {  	v6 =	vld [tilespmem:s19+$0x16D20];
	[tilespmem:s16+$0x1BD30] =	vst v5;
	v3 =	vmul.f32 v7, v3  }
0xcc: {  	v5 =	vld [tilespmem:s19+$0x16D30];
	[tilespmem:s16+$0x1BD40] =	vst v4;
	v2 =	vmul.f32 v8, v2  }
0xcd: {  	v4 =	vld [tilespmem:s19+$0x16D40];
	[tilespmem:s16+$0x1BD50] =	vst v3;
	v1 =	vmul.f32 v11, v1  }
0xce: {  	v3 =	vld [tilespmem:s19+$0x16D50];
	[tilespmem:s16+$0x1BD60] =	vst v2  }
0xcf: {  	v2 =	vld [tilespmem:s19+$0x16D60];
	[tilespmem:s16+$0x1BD70] =	vst v1;
	s16 =	smov.u32 s19  }
0xd0: {  	v1 =	vld [tilespmem:s16+$0x16D70]  }
0xd1: {  	v7 =	vld [tilespmem:s16+$0x1BD00]  }
0xd2: {  	v8 =	vld [tilespmem:s16+$0x1BD10]  }
.Ltmp4:
0xd3: {  	v11 =	vld [tilespmem:s16+$0x1BD20];
	(pc) =	sbr.rel @p1 .LBB2_7-.Ltmp4, $4  }
0xd4: {  	v10 =	vld [tilespmem:s16+$0x1BD30]  }
0xd5: {  	v9 =	vld [tilespmem:s16+$0x1BD40]  }
0xd6: {  	v13 =	vmul.f32 v7, v13;
	v7 =	vld [tilespmem:s16+$0x1BD50]  }
0xd7: {  	s23 =	sadd.s32 $0x200, s23;
	v12 =	vmul.f32 v8, v12;
	v8 =	vld [tilespmem:s16+$0x1BD60]  }
0xd8: {  	[tilespmem:s16+$0x1BD00] =	vst v13;
	v6 =	vmul.f32 v11, v6;
	v63 =	vld [tilespmem:s16+$0x1BD70]  }
0xd9: {  	[tilespmem:s16+$0x1BD10] =	vst v12;
	v5 =	vmul.f32 v10, v5  }
0xda: {  	[tilespmem:s16+$0x1BD20] =	vst v6;
	v4 =	vmul.f32 v9, v4  }
0xdb: {  	[tilespmem:s16+$0x1BD30] =	vst v5;
	v3 =	vmul.f32 v7, v3  }
.Ltmp5:
0xdc: {  	[tilespmem:s16+$0x1BD40] =	vst v4;
	v2 =	vmul.f32 v8, v2;
	(pc) =	sbr.rel @p0 .LBB2_10-.Ltmp5, $4  }
0xdd: {  	[tilespmem:s16+$0x1BD50] =	vst v3;
	v1 =	vmul.f32 v63, v1  }
0xde: {  	[tilespmem:s16+$0x1BD60] =	vst v2  }
0xdf: {  	[tilespmem:s16+$0x1BD70] =	vst v1  }
0xe0: {  	[spmem:s2] =	stream.indirect.scatter.add.f32 [tilespmem:s31], [sflag:$0x6], $0x80, s10, s24, $0xb8;
	[tilespmem:$0x1E500] =	vst v63  }
0xe1: {  	s15 =	sadd.s32 s15, s18  }
0xe2: {  	s15 =	sshrl.u32 s15, $0x3  }
0xe3: {  	s15 =	sadd.s32 s5, s15  }
0xe4: {  	[tilespmem:s28], [sflag:$0x7] =	stream.linear.gather [hbm4b:s15+s4], $0x180, $0x38;
	[tilespmem:$0x1E500] =	vst v63  }
0xe5: {  	_ =	swait.ge [sflag:s22], $0x180  }
0xe6: {  	[sflag:s22] =	ssyncset.done $0x0  }
0xe7: {  	[sflag:s22] =	ssyncadd.s32 $0xFFFFFE80  }
0xe8: {  	[tilespmem:s29], [sflag:$0x2] =	stream.indirect.gather [hbm4b:s6+s24], $0x80, s28, s24, $0xb8;
	[tilespmem:$0x1E500] =	vst v63  }
.Ltmp6:
0xe9: {  	_ = 	snop;
	(pc) =	sbr.rel .LBB2_4-.Ltmp6, $4  }
0xea: {  	_ =	swait.ge [sflag:s11], $0x2800  }
0xeb: {  	[sflag:s11] =	ssyncset.done $0x0  }
0xec: {  	s13 =	sadd.s32 $0x1, s13;
	[sflag:s11] =	ssyncadd.s32 $0xFFFFD800  }
0xed: {  	[tilespmem:s31], [sflag:$0x4] =	stream.indirect.gather [hbm4b:s1+s24], $0x80, s30, s24, $0xb8;
	[tilespmem:$0x1E500] =	vst v63  }
.LBB2_11:
0xee: {  	_ =	sfence.sel $0x180000  }
0xef: {  	[bflag:$0x0] =	sbarrier.arrive $0xFFFF  }
0xf0: {  	_ =	strace $0x9000004A  }
0xf1: {  	s0 =	stileid.u32;
	[bflag:$0x2] =	sbarrier.arrive $0xFFFF  }
0xf2: {  	p0 =	sne.s32 s0, $0x0;
	s0 =	rddreg [dreg:$0x3]  }
0xf3: {  	s0 =	sadd.s32 @!p0 $0x100000, s0  }
0xf4: {  	[sflag:s0] =	ssyncadd.tile.s32 @!p0 $0x1;
	_ =	shalt  }
.Lfunc_end2:
_tile_overlayer_lowered:
.L_overlay_start_2:
0xf5: {  	(tag) =	ssettag $0x2  }
0xf6: {  	s0 =	rddreg [dreg:$0x0];
	s2 =	stileid.u32  }
0xf7: {  	s1 =	rddreg [dreg:$0x1];
	p0 =	sne.s32 s2, $0x0  }
0xf8: {  	s3 =	rddreg [dreg:$0x2];
	[bflag:$0x3] =	sbarrier.arrive $0xFFFF;
	s2 =	simm.s32 @!p0 $0x1C07  }
0xf9: {  	[timem:s3], [sflag:s2] =	dma.local @!p0 [hbm:s0], s1  }
0xfa: {  	s0 =	simm.s32 @!p0 $0x7  }
0xfb: {  	_ =	swait.ge @!p0 [sflag:s0], s1  }
0xfc: {  	s1 =	ssub.s32 @!p0 $0x0, s1;
	[sflag:s0] =	ssyncset.done @!p0 $0x0  }
0xfd: {  	[sflag:s0] =	ssyncadd.s32 @!p0 s1  }
0xfe: {  	[bflag:$0x3] =	sbarrier.arrive $0xFFFF  }
0xff: {  	_ =	shalt  }

</sc_bundles>
